<compile_context>
chip_gen: v7x
topology: tpu7x:2x2x1
jax: 0.10.2.dev20260603
libtpu: 0.0.44.dev20260713+nightly
codegen_flags: <defaults>
</compile_context>

<pallas_src>
import functools
import jax
import jax.numpy as jnp
from jax import lax
from jax.experimental import pallas as pl
from jax.experimental.pallas import tpu as pltpu
from jax.experimental.pallas import tpu_sc as plsc

N_PTS = 16384
N_BATCH = 4
N = N_PTS // N_BATCH
M = N // 4
K = 32
F32 = jnp.float32
I32 = jnp.int32



def _two_sum(a, b):
    s = a + b
    bb = s - a
    err = (a - (s - bb)) + (b - bb)
    return s, err


def _fast_two_sum(a, b):
    s = a + b
    return s, b - (s - a)


def _split(a):
    c = a * F32(4097.0)
    hi = c - (c - a)
    return hi, a - hi


def _dd_add(ah, al, bh, bl):
    s, e = _two_sum(ah, bh)
    e = e + (al + bl)
    return _fast_two_sum(s, e)


def _dd_sqdiff(a, b):
    dh, dl = _two_sum(a, -b)
    p = dh * dh
    hi, lo = _split(dh)
    pe = ((hi * hi - p) + F32(2.0) * (hi * lo)) + lo * lo
    pe = pe + F32(2.0) * (dh * dl)
    return _fast_two_sum(p, pe)


def _dd_sqdist(px, py, pz, qx, qy, qz):
    sxh, sxl = _dd_sqdiff(px, qx)
    syh, syl = _dd_sqdiff(py, qy)
    szh, szl = _dd_sqdiff(pz, qz)
    h, l = _dd_add(sxh, sxl, syh, syl)
    return _dd_add(h, l, szh, szl)



def _fps_body(posT_ref, out_ref):
    px = posT_ref[0]
    py = posT_ref[1]
    pz = posT_ref[2]
    iota = lax.broadcasted_iota(I32, (N_BATCH, N), 1)

    def store_row(i, qx, qy, qz):
        out_ref[0, pl.ds(i, 1), :] = qx[:, 0][None, :]
        out_ref[1, pl.ds(i, 1), :] = qy[:, 0][None, :]
        out_ref[2, pl.ds(i, 1), :] = qz[:, 0][None, :]

    qx = px[:, 0:1]
    qy = py[:, 0:1]
    qz = pz[:, 0:1]
    store_row(0, qx, qy, qz)
    dh, dl = _dd_sqdist(px, py, pz, qx, qy, qz)

    def body(i, carry):
        dh, dl = carry
        mh = jnp.max(dh, axis=1, keepdims=True)
        eqh = dh == mh
        eqf = eqh.astype(F32)
        cnt = jnp.sum(eqf, axis=1, keepdims=True)
        qxf = jnp.sum(px * eqf, axis=1, keepdims=True)
        qyf = jnp.sum(py * eqf, axis=1, keepdims=True)
        qzf = jnp.sum(pz * eqf, axis=1, keepdims=True)

        def tie_break(_):
            ml = jnp.max(jnp.where(eqh, dl, -jnp.inf), axis=1, keepdims=True)
            cand = eqh & (dl == ml)
            j = jnp.min(jnp.where(cand, iota, I32(N)), axis=1, keepdims=True)
            msk = (iota == j).astype(F32)
            return (jnp.sum(px * msk, axis=1, keepdims=True),
                    jnp.sum(py * msk, axis=1, keepdims=True),
                    jnp.sum(pz * msk, axis=1, keepdims=True))

        qx, qy, qz = lax.cond(jnp.max(cnt) > F32(1.0), tie_break,
                              lambda _: (qxf, qyf, qzf), None)
        store_row(i, qx, qy, qz)
        nh, nl = _dd_sqdist(px, py, pz, qx, qy, qz)
        take = (nh < dh) | ((nh == dh) & (nl < dl))
        return jnp.where(take, nh, dh), jnp.where(take, nl, dl)

    lax.fori_loop(1, M, body, (dh, dl), unroll=4)


def _fps_call(posT):
    return pl.pallas_call(
        _fps_body,
        out_shape=jax.ShapeDtypeStruct((3, M, N_BATCH), F32),
    )(posT)


def _sample_positions(pos):
    posT = jnp.transpose(pos.reshape(N_BATCH, N, 3), (2, 0, 1))
    pd = _fps_call(posT)
    return jnp.transpose(pd, (2, 1, 0)).reshape(N_BATCH * M, 3)



Q_TILE = 256


def _knn_body(q_ref, posT_ref, col_ref):
    b = pl.program_id(0)
    q = q_ref[...]
    qx = q[:, 0:1]
    qy = q[:, 1:2]
    qz = q[:, 2:3]
    s = posT_ref[0]
    sx = s[0:1, :]
    sy = s[1:2, :]
    sz = s[2:3, :]
    dx = qx - sx
    dy = qy - sy
    dz = qz - sz
    d = dx * dx
    d = d + dy * dy
    d = d + dz * dz
    iota = lax.broadcasted_iota(I32, (Q_TILE, N), 1)
    inf = F32(jnp.inf)
    for t in range(K):
        m = jnp.min(d, axis=1, keepdims=True)
        sel = d == m
        j = jnp.min(jnp.where(sel, iota, I32(N)), axis=1, keepdims=True)
        col_ref[:, t:t + 1] = j
        d = jnp.where(iota == j, inf, d)


def _knn_call(pos_dst, posTB):
    return pl.pallas_call(
        _knn_body,
        grid=(N_BATCH, M // Q_TILE),
        in_specs=[
            pl.BlockSpec((Q_TILE, 3), lambda b, t: (b * (M // Q_TILE) + t, I32(0))),
            pl.BlockSpec((1, 3, N), lambda b, t: (b, I32(0), I32(0))),
        ],
        out_specs=pl.BlockSpec((Q_TILE, K), lambda b, t: (b * (M // Q_TILE) + t, I32(0))),
        out_shape=jax.ShapeDtypeStruct((N_BATCH * M, K), I32),
    )(pos_dst, posTB)



D_TBL = 8
N_EDGE = N_BATCH * M * K
HALF = 2048


def _sc_gather(feats, lcol):
    info = plsc.get_sparse_core_info()
    nc, ns = info.num_cores, info.num_subcores
    nw = nc * ns
    e_per_w = N_EDGE // nw

    @functools.partial(
        pl.kernel,
        mesh=plsc.VectorSubcoreMesh(core_axis_name="c", subcore_axis_name="s"),
        out_type=jax.ShapeDtypeStruct((N_EDGE * D_TBL,), F32),
        compiler_params=pltpu.CompilerParams(needs_layout_passes=False),
        scratch_types=[
            pltpu.VMEM((6 * N,), F32),
            pltpu.VMEM((e_per_w,), I32),
            pltpu.VMEM((HALF * D_TBL,), F32),
        ],
    )
    def gather_k(feats_hbm, lcol_hbm, out_hbm, tbl_v, lidx_v, rows_v):
        wid = lax.axis_index("s") * nc + lax.axis_index("c")
        b = wid // (nw // N_BATCH)
        e0 = wid * e_per_w
        for c in range(6):
            pltpu.sync_copy(feats_hbm.at[pl.ds(c * N_PTS + b * N, N)],
                            tbl_v.at[pl.ds(c * N, N)])
        pltpu.sync_copy(lcol_hbm.at[pl.ds(e0, e_per_w)], lidx_v)
        lane = lax.iota(I32, 16)

        def do_half(half, _):
            def grp(g, _):
                iv = lidx_v[pl.ds(half * I32(HALF) + g * I32(16), 16)]
                rows = (g * I32(16) + lane) * I32(D_TBL)
                for c in range(6):
                    v = plsc.load_gather(tbl_v, [iv + I32(c * N)])
                    plsc.store_scatter(rows_v, [rows + I32(c)], v)
                return I32(0)
            lax.fori_loop(I32(0), I32(HALF // 16), grp, I32(0))
            pltpu.sync_copy(
                rows_v,
                out_hbm.at[pl.ds((e0 + half * I32(HALF)) * I32(D_TBL), HALF * D_TBL)])
            return I32(0)

        lax.fori_loop(I32(0), I32(e_per_w // HALF), do_half, I32(0))

    return gather_k(feats, lcol)



E_TILE = 2048
Q4_TILE = E_TILE // K


def _mlp_body(e_ref, q_ref, w1_ref, b1_ref, w2_ref, b2_ref, w3_ref, b3_ref, out_ref):
    hi = lax.Precision.HIGHEST
    t = e_ref[...][:, 0:6]
    h = jnp.dot(t, w1_ref[...], precision=hi, preferred_element_type=F32)
    pq = q_ref[...]
    c = jnp.dot(pq, w1_ref[3:6, :], precision=hi, preferred_element_type=F32)
    h3 = h.reshape(Q4_TILE, K, 64) + (b1_ref[...] - c)[:, None, :]
    h = jnp.maximum(h3, F32(0.0)).reshape(E_TILE, 64)
    h = jnp.dot(h, w2_ref[...], precision=hi, preferred_element_type=F32) + b2_ref[...]
    h = jnp.maximum(h, F32(0.0))
    h = jnp.dot(h, w3_ref[...], precision=hi, preferred_element_type=F32) + b3_ref[...]
    out_ref[...] = jnp.max(h.reshape(Q4_TILE, K, 128), axis=1)


def _mlp_call(edges, pos_dst, w1p, b1, w2, b2, w3, b3):
    n_tile = N_EDGE // E_TILE
    zero2 = lambda g: (I32(0), I32(0))
    return pl.pallas_call(
        _mlp_body,
        grid=(n_tile,),
        in_specs=[
            pl.BlockSpec((E_TILE, D_TBL), lambda g: (g, I32(0))),
            pl.BlockSpec((Q4_TILE, 3), lambda g: (g, I32(0))),
            pl.BlockSpec((6, 64), zero2),
            pl.BlockSpec((1, 64), zero2),
            pl.BlockSpec((64, 64), zero2),
            pl.BlockSpec((1, 64), zero2),
            pl.BlockSpec((64, 128), zero2),
            pl.BlockSpec((1, 128), zero2),
        ],
        out_specs=pl.BlockSpec((Q4_TILE, 128), lambda g: (g, I32(0))),
        out_shape=jax.ShapeDtypeStruct((N_BATCH * M, 128), F32),
    )(edges, pos_dst, w1p, b1, w2, b2, w3, b3)



def kernel(x, pos, batch, p0, p1, p2, p3, p4, p5):
    x = x.astype(F32)
    pos = pos.astype(F32)
    pos_dst = _sample_positions(pos)
    posTB = jnp.transpose(pos.reshape(N_BATCH, N, 3), (0, 2, 1))
    col = _knn_call(pos_dst, posTB).reshape(-1)
    feats = jnp.concatenate([x.T, pos.T], axis=0).reshape(-1)
    edges = _sc_gather(feats, col).reshape(N_EDGE, D_TBL)
    out = _mlp_call(edges, pos_dst, p0.astype(F32),
                    p1.reshape(1, 64).astype(F32), p2.astype(F32),
                    p3.reshape(1, 64).astype(F32), p4.astype(F32),
                    p5.reshape(1, 128).astype(F32))
    batch_dst = batch.reshape(N_BATCH, N)[:, :M].reshape(-1)
    return out, pos_dst, batch_dst

# --- scband reference (transcript-rebuilt; emitter-appended) ---
"""Pipeline reference for scband-samodule-25804163514713 (READ-ONLY COPY).

The authoritative reference and input builder live on the scoring server;
editing this copy changes nothing except your own understanding.
"""

import jax, jax.numpy as jnp
import numpy as np
import math

jax.config.update("jax_enable_x64", True)

RATIO = 0.25
K = 32
MLP_CHANNELS = [6, 64, 64, 128]
N_PTS = 16384
N_BATCH = 4


def _fps_np(pos, batch, ratio):
    pos = np.asarray(pos, dtype=np.float64)
    batch = np.asarray(batch)
    idx_all = []
    for b in np.unique(batch):
        seg = np.where(batch == b)[0]
        p = pos[seg]
        n = p.shape[0]
        m = max(1, int(math.ceil(ratio * n)))
        sel = np.zeros(m, dtype=np.int64)
        dist = np.sum((p - p[0]) ** 2, axis=1)
        for i in range(1, m):
            j = int(np.argmax(dist))
            sel[i] = j
            dist = np.minimum(dist, np.sum((p - p[j]) ** 2, axis=1))
        idx_all.append(seg[sel])
    return np.concatenate(idx_all)


def _fps_jax(pos, n_batch, ratio):
    n = pos.shape[0] // n_batch
    m = max(1, int(math.ceil(ratio * n)))
    p_all = pos.astype(jnp.float64).reshape(n_batch, n, pos.shape[1])

    def one(p):
        dist0 = jnp.sum((p - p[0]) ** 2, axis=1)
        sel0 = jnp.zeros(m, dtype=jnp.int64)

        def body(i, carry):
            dist, sel = carry
            j = jnp.argmax(dist)
            sel = sel.at[i].set(j)
            dist = jnp.minimum(dist, jnp.sum((p - p[j]) ** 2, axis=1))
            return dist, sel

        _, sel = jax.lax.fori_loop(1, m, body, (dist0, sel0))
        return sel

    sel = jax.vmap(one)(p_all)
    offs = jnp.arange(n_batch, dtype=jnp.int64)[:, None] * n
    return (sel + offs).reshape(-1)


def _knn(pos_x, pos_y, k, batch_x, batch_y):
    # for each query point in pos_y, find k nearest points in pos_x (same batch)
    d = jnp.sum((pos_y[:, None, :] - pos_x[None, :, :]) ** 2, axis=-1)
    mask = batch_y[:, None] != batch_x[None, :]
    d = jnp.where(mask, jnp.inf, d)
    _, col = jax.lax.top_k(-d, k)  # [M, k] indices into pos_x
    row = jnp.repeat(jnp.arange(pos_y.shape[0], dtype=jnp.int32), k)
    return row, col.reshape(-1)


def _mlp_params(key, channels):
    params = []
    for i in range(len(channels) - 1):
        key, k1, k2 = jax.random.split(key, 3)
        bound = 1.0 / np.sqrt(channels[i])
        W = jax.random.uniform(k1, (channels[i], channels[i + 1]), minval=-bound, maxval=bound, dtype=jnp.float32)
        b = jax.random.uniform(k2, (channels[i + 1],), minval=-bound, maxval=bound, dtype=jnp.float32)
        params += [W, b]
    return params


def _mlp_apply(h, params):
    nl = len(params) // 2
    for i in range(nl):
        W, b = params[2 * i], params[2 * i + 1]
        h = h @ W + b
        if i < nl - 1:
            h = jax.nn.relu(h)
    return h


def setup_inputs(seed: int = 0):
    key = jax.random.key(seed)
    k1, k2, k3 = jax.random.split(key, 3)
    x = jax.random.normal(k1, (N_PTS, 3), dtype=jnp.float32)
    pos = jax.random.uniform(k2, (N_PTS, 3), dtype=jnp.float32)
    batch = jnp.repeat(jnp.arange(N_BATCH, dtype=jnp.int32), N_PTS // N_BATCH)
    params = _mlp_params(k3, MLP_CHANNELS)
    out = {"x": x, "pos": pos, "batch": batch}
    for i, p in enumerate(params):
        out[f"p{i}"] = p
    return out


def reference(x, pos, batch, p0, p1, p2, p3, p4, p5):
    params = [p0, p1, p2, p3, p4, p5]
    # 1) FPS sampling over the statically-shaped contiguous batch segments
    idx = _fps_jax(pos, N_BATCH, RATIO)
    pos_dst = pos[idx]
    batch_dst = batch[idx]
    # 2) kNN grouping: row -> sampled (target) point, col -> source point
    row, col = _knn(pos, pos_dst, K, batch, batch_dst)
    # 3) PointNetConv: msg = MLP([x_j, pos_j - pos_i]); max aggregation
    x_j = x[col]
    rel = pos[col] - pos_dst[row]
    msg = _mlp_apply(jnp.concatenate([x_j, rel], axis=1), params)
    out = jax.ops.segment_max(msg, row, num_segments=pos_dst.shape[0])
    return out, pos_dst, batch_dst

if __name__ == "__main__":
    import jax
    _d = setup_inputs()
    print(jax.jit(kernel)(*tuple(_d.values())))

</pallas_src>

<mosaic_0001>
#map = affine_map<(d0, d1) -> (0)>
module attributes {stable_mosaic.version = 14 : i64} {
  func.func @gather_k(%arg0: i32, %arg1: i32, %arg2: memref<98304xf32, #tpu.memory_space<hbm>>, %arg3: memref<131072xi32, #tpu.memory_space<hbm>>, %arg4: memref<1048576xf32, #tpu.memory_space<hbm>>, %arg5: memref<24576xf32, #tpu.memory_space<vmem>>, %arg6: memref<4096xi32, #tpu.memory_space<vmem>>, %arg7: memref<16384xf32, #tpu.memory_space<vmem>>) attributes {dimension_semantics = [#tpu.dimension_semantics<core_parallel>, #tpu.dimension_semantics<subcore_parallel>], iteration_bounds = array<i64: 2, 16>, scalar_prefetch = 0 : i64, scratch_operands = 3 : i64, tpu.core_type = #tpu.core_type<sc_vector_subcore>, window_params = [{transform_indices = #map}, {transform_indices = #map}, {transform_indices = #map}]} {
    %mul3A = arith.constant 2 : i32
    %mul3A_0 = arith.muli %arg1, %mul3A : i32
    %add3A = arith.addi %mul3A_0, %arg0 : i32
    %jit3A = arith.constant 8 : i64
    %convert_element_type3A = arith.trunci %jit3A : i64 to i32
    %div3A = arith.divsi %add3A, %convert_element_type3A : i32
    %sign3A = arith.constant 0 : i32
    %sign3A_1 = arith.cmpi sgt, %add3A, %sign3A : i32
    %sign3A_2 = arith.extui %sign3A_1 : i1 to i32
    %sign3A_3 = arith.constant 0 : i32
    %sign3A_4 = arith.cmpi slt, %add3A, %sign3A_3 : i32
    %sign3A_5 = arith.extui %sign3A_4 : i1 to i32
    %sign3A_6 = arith.subi %sign3A_2, %sign3A_5 : i32
    %sign3A_7 = arith.constant 0 : i32
    %sign3A_8 = arith.cmpi sgt, %convert_element_type3A, %sign3A_7 : i32
    %sign3A_9 = arith.extui %sign3A_8 : i1 to i32
    %sign3A_10 = arith.constant 0 : i32
    %sign3A_11 = arith.cmpi slt, %convert_element_type3A, %sign3A_10 : i32
    %sign3A_12 = arith.extui %sign3A_11 : i1 to i32
    %sign3A_13 = arith.subi %sign3A_9, %sign3A_12 : i32
    %ne3A = arith.cmpi ne, %sign3A_6, %sign3A_13 : i32
    %rem3A = arith.remsi %add3A, %convert_element_type3A : i32
    %ne3A_14 = arith.constant 0 : i32
    %ne3A_15 = arith.cmpi ne, %rem3A, %ne3A_14 : i32
    %and3A = arith.andi %ne3A, %ne3A_15 : i1
    %sub3A = arith.constant 1 : i32
    %sub3A_16 = arith.subi %div3A, %sub3A : i32
    %select_n3A = arith.select %and3A, %sub3A_16, %div3A : i32
    %mul3A_17 = arith.constant 4096 : i32
    %mul3A_18 = arith.muli %add3A, %mul3A_17 : i32
    %mul3A_19 = arith.constant 4096 : i32
    %mul3A_20 = arith.muli %select_n3A, %mul3A_19 : i32
    %add3A_21 = arith.constant 0 : i32
    %add3A_22 = arith.addi %add3A_21, %mul3A_20 : i32
    "tpu.region"() ({
      %run_scoped3A = tpu.sem_alloc : memref<!tpu.dma_semaphore, #tpu.memory_space<semaphore_mem>>
      %dma_start3A = arith.constant 0 : i32
      %dma_start3A_55 = tpu.memref_slice %arg5[%dma_start3A] : memref<24576xf32, #tpu.memory_space<vmem>> -> memref<4096xf32, #tpu.memory_space<vmem>>
      %dma_start3A_56 = tpu.memref_slice %arg2[%add3A_22] : memref<98304xf32, #tpu.memory_space<hbm>> -> memref<4096xf32, #tpu.memory_space<hbm>>
      %dma_start3A_57 = arith.constant 0 : i32
      %dma_start3A_58 = tpu.memref_slice %arg5[%dma_start3A_57] : memref<24576xf32, #tpu.memory_space<vmem>> -> memref<4096xf32, #tpu.memory_space<vmem>>
      %dma_start3A_59 = tpu.memref_slice %arg2[%add3A_22] : memref<98304xf32, #tpu.memory_space<hbm>> -> memref<4096xf32, #tpu.memory_space<hbm>>
      tpu.enqueue_dma source(%dma_start3A_59 : memref<4096xf32, #tpu.memory_space<hbm>>) target(%dma_start3A_58 : memref<4096xf32, #tpu.memory_space<vmem>>) target_semaphore(%run_scoped3A : memref<!tpu.dma_semaphore, #tpu.memory_space<semaphore_mem>>)
      %dma_wait3A = arith.constant 0 : i32
      %dma_wait3A_60 = tpu.memref_slice %arg5[%dma_wait3A] : memref<24576xf32, #tpu.memory_space<vmem>> -> memref<4096xf32, #tpu.memory_space<vmem>>
      %dma_wait3A_61 = tpu.memref_slice %arg2[%add3A_22] : memref<98304xf32, #tpu.memory_space<hbm>> -> memref<4096xf32, #tpu.memory_space<hbm>>
      %dma_wait3A_62 = arith.constant 0 : i32
      %dma_wait3A_63 = tpu.memref_slice %arg5[%dma_wait3A_62] : memref<24576xf32, #tpu.memory_space<vmem>> -> memref<4096xf32, #tpu.memory_space<vmem>>
      %dma_wait3A_64 = tpu.memref_slice %arg2[%add3A_22] : memref<98304xf32, #tpu.memory_space<hbm>> -> memref<4096xf32, #tpu.memory_space<hbm>>
      tpu.wait_dma2 semaphore(%run_scoped3A : memref<!tpu.dma_semaphore, #tpu.memory_space<semaphore_mem>>) src(%dma_wait3A_64 : memref<4096xf32, #tpu.memory_space<hbm>>) dst(%dma_wait3A_63 : memref<4096xf32, #tpu.memory_space<vmem>>)
      tpu.yield
    }) : () -> ()
    %mul3A_23 = arith.constant 4096 : i32
    %mul3A_24 = arith.muli %select_n3A, %mul3A_23 : i32
    %add3A_25 = arith.constant 16384 : i32
    %add3A_26 = arith.addi %add3A_25, %mul3A_24 : i32
    "tpu.region"() ({
      %run_scoped3A = tpu.sem_alloc : memref<!tpu.dma_semaphore, #tpu.memory_space<semaphore_mem>>
      %dma_start3A = arith.constant 4096 : i32
      %dma_start3A_55 = tpu.memref_slice %arg5[%dma_start3A] : memref<24576xf32, #tpu.memory_space<vmem>> -> memref<4096xf32, #tpu.memory_space<vmem>>
      %dma_start3A_56 = tpu.memref_slice %arg2[%add3A_26] : memref<98304xf32, #tpu.memory_space<hbm>> -> memref<4096xf32, #tpu.memory_space<hbm>>
      %dma_start3A_57 = arith.constant 4096 : i32
      %dma_start3A_58 = tpu.memref_slice %arg5[%dma_start3A_57] : memref<24576xf32, #tpu.memory_space<vmem>> -> memref<4096xf32, #tpu.memory_space<vmem>>
      %dma_start3A_59 = tpu.memref_slice %arg2[%add3A_26] : memref<98304xf32, #tpu.memory_space<hbm>> -> memref<4096xf32, #tpu.memory_space<hbm>>
      tpu.enqueue_dma source(%dma_start3A_59 : memref<4096xf32, #tpu.memory_space<hbm>>) target(%dma_start3A_58 : memref<4096xf32, #tpu.memory_space<vmem>>) target_semaphore(%run_scoped3A : memref<!tpu.dma_semaphore, #tpu.memory_space<semaphore_mem>>)
      %dma_wait3A = arith.constant 4096 : i32
      %dma_wait3A_60 = tpu.memref_slice %arg5[%dma_wait3A] : memref<24576xf32, #tpu.memory_space<vmem>> -> memref<4096xf32, #tpu.memory_space<vmem>>
      %dma_wait3A_61 = tpu.memref_slice %arg2[%add3A_26] : memref<98304xf32, #tpu.memory_space<hbm>> -> memref<4096xf32, #tpu.memory_space<hbm>>
      %dma_wait3A_62 = arith.constant 4096 : i32
      %dma_wait3A_63 = tpu.memref_slice %arg5[%dma_wait3A_62] : memref<24576xf32, #tpu.memory_space<vmem>> -> memref<4096xf32, #tpu.memory_space<vmem>>
      %dma_wait3A_64 = tpu.memref_slice %arg2[%add3A_26] : memref<98304xf32, #tpu.memory_space<hbm>> -> memref<4096xf32, #tpu.memory_space<hbm>>
      tpu.wait_dma2 semaphore(%run_scoped3A : memref<!tpu.dma_semaphore, #tpu.memory_space<semaphore_mem>>) src(%dma_wait3A_64 : memref<4096xf32, #tpu.memory_space<hbm>>) dst(%dma_wait3A_63 : memref<4096xf32, #tpu.memory_space<vmem>>)
      tpu.yield
    }) : () -> ()
    %mul3A_27 = arith.constant 4096 : i32
    %mul3A_28 = arith.muli %select_n3A, %mul3A_27 : i32
    %add3A_29 = arith.constant 32768 : i32
    %add3A_30 = arith.addi %add3A_29, %mul3A_28 : i32
    "tpu.region"() ({
      %run_scoped3A = tpu.sem_alloc : memref<!tpu.dma_semaphore, #tpu.memory_space<semaphore_mem>>
      %dma_start3A = arith.constant 8192 : i32
      %dma_start3A_55 = tpu.memref_slice %arg5[%dma_start3A] : memref<24576xf32, #tpu.memory_space<vmem>> -> memref<4096xf32, #tpu.memory_space<vmem>>
      %dma_start3A_56 = tpu.memref_slice %arg2[%add3A_30] : memref<98304xf32, #tpu.memory_space<hbm>> -> memref<4096xf32, #tpu.memory_space<hbm>>
      %dma_start3A_57 = arith.constant 8192 : i32
      %dma_start3A_58 = tpu.memref_slice %arg5[%dma_start3A_57] : memref<24576xf32, #tpu.memory_space<vmem>> -> memref<4096xf32, #tpu.memory_space<vmem>>
      %dma_start3A_59 = tpu.memref_slice %arg2[%add3A_30] : memref<98304xf32, #tpu.memory_space<hbm>> -> memref<4096xf32, #tpu.memory_space<hbm>>
      tpu.enqueue_dma source(%dma_start3A_59 : memref<4096xf32, #tpu.memory_space<hbm>>) target(%dma_start3A_58 : memref<4096xf32, #tpu.memory_space<vmem>>) target_semaphore(%run_scoped3A : memref<!tpu.dma_semaphore, #tpu.memory_space<semaphore_mem>>)
      %dma_wait3A = arith.constant 8192 : i32
      %dma_wait3A_60 = tpu.memref_slice %arg5[%dma_wait3A] : memref<24576xf32, #tpu.memory_space<vmem>> -> memref<4096xf32, #tpu.memory_space<vmem>>
      %dma_wait3A_61 = tpu.memref_slice %arg2[%add3A_30] : memref<98304xf32, #tpu.memory_space<hbm>> -> memref<4096xf32, #tpu.memory_space<hbm>>
      %dma_wait3A_62 = arith.constant 8192 : i32
      %dma_wait3A_63 = tpu.memref_slice %arg5[%dma_wait3A_62] : memref<24576xf32, #tpu.memory_space<vmem>> -> memref<4096xf32, #tpu.memory_space<vmem>>
      %dma_wait3A_64 = tpu.memref_slice %arg2[%add3A_30] : memref<98304xf32, #tpu.memory_space<hbm>> -> memref<4096xf32, #tpu.memory_space<hbm>>
      tpu.wait_dma2 semaphore(%run_scoped3A : memref<!tpu.dma_semaphore, #tpu.memory_space<semaphore_mem>>) src(%dma_wait3A_64 : memref<4096xf32, #tpu.memory_space<hbm>>) dst(%dma_wait3A_63 : memref<4096xf32, #tpu.memory_space<vmem>>)
      tpu.yield
    }) : () -> ()
    %mul3A_31 = arith.constant 4096 : i32
    %mul3A_32 = arith.muli %select_n3A, %mul3A_31 : i32
    %add3A_33 = arith.constant 49152 : i32
    %add3A_34 = arith.addi %add3A_33, %mul3A_32 : i32
    "tpu.region"() ({
      %run_scoped3A = tpu.sem_alloc : memref<!tpu.dma_semaphore, #tpu.memory_space<semaphore_mem>>
      %dma_start3A = arith.constant 12288 : i32
      %dma_start3A_55 = tpu.memref_slice %arg5[%dma_start3A] : memref<24576xf32, #tpu.memory_space<vmem>> -> memref<4096xf32, #tpu.memory_space<vmem>>
      %dma_start3A_56 = tpu.memref_slice %arg2[%add3A_34] : memref<98304xf32, #tpu.memory_space<hbm>> -> memref<4096xf32, #tpu.memory_space<hbm>>
      %dma_start3A_57 = arith.constant 12288 : i32
      %dma_start3A_58 = tpu.memref_slice %arg5[%dma_start3A_57] : memref<24576xf32, #tpu.memory_space<vmem>> -> memref<4096xf32, #tpu.memory_space<vmem>>
      %dma_start3A_59 = tpu.memref_slice %arg2[%add3A_34] : memref<98304xf32, #tpu.memory_space<hbm>> -> memref<4096xf32, #tpu.memory_space<hbm>>
      tpu.enqueue_dma source(%dma_start3A_59 : memref<4096xf32, #tpu.memory_space<hbm>>) target(%dma_start3A_58 : memref<4096xf32, #tpu.memory_space<vmem>>) target_semaphore(%run_scoped3A : memref<!tpu.dma_semaphore, #tpu.memory_space<semaphore_mem>>)
      %dma_wait3A = arith.constant 12288 : i32
      %dma_wait3A_60 = tpu.memref_slice %arg5[%dma_wait3A] : memref<24576xf32, #tpu.memory_space<vmem>> -> memref<4096xf32, #tpu.memory_space<vmem>>
      %dma_wait3A_61 = tpu.memref_slice %arg2[%add3A_34] : memref<98304xf32, #tpu.memory_space<hbm>> -> memref<4096xf32, #tpu.memory_space<hbm>>
      %dma_wait3A_62 = arith.constant 12288 : i32
      %dma_wait3A_63 = tpu.memref_slice %arg5[%dma_wait3A_62] : memref<24576xf32, #tpu.memory_space<vmem>> -> memref<4096xf32, #tpu.memory_space<vmem>>
      %dma_wait3A_64 = tpu.memref_slice %arg2[%add3A_34] : memref<98304xf32, #tpu.memory_space<hbm>> -> memref<4096xf32, #tpu.memory_space<hbm>>
      tpu.wait_dma2 semaphore(%run_scoped3A : memref<!tpu.dma_semaphore, #tpu.memory_space<semaphore_mem>>) src(%dma_wait3A_64 : memref<4096xf32, #tpu.memory_space<hbm>>) dst(%dma_wait3A_63 : memref<4096xf32, #tpu.memory_space<vmem>>)
      tpu.yield
    }) : () -> ()
    %mul3A_35 = arith.constant 4096 : i32
    %mul3A_36 = arith.muli %select_n3A, %mul3A_35 : i32
    %add3A_37 = arith.constant 65536 : i32
    %add3A_38 = arith.addi %add3A_37, %mul3A_36 : i32
    "tpu.region"() ({
      %run_scoped3A = tpu.sem_alloc : memref<!tpu.dma_semaphore, #tpu.memory_space<semaphore_mem>>
      %dma_start3A = arith.constant 16384 : i32
      %dma_start3A_55 = tpu.memref_slice %arg5[%dma_start3A] : memref<24576xf32, #tpu.memory_space<vmem>> -> memref<4096xf32, #tpu.memory_space<vmem>>
      %dma_start3A_56 = tpu.memref_slice %arg2[%add3A_38] : memref<98304xf32, #tpu.memory_space<hbm>> -> memref<4096xf32, #tpu.memory_space<hbm>>
      %dma_start3A_57 = arith.constant 16384 : i32
      %dma_start3A_58 = tpu.memref_slice %arg5[%dma_start3A_57] : memref<24576xf32, #tpu.memory_space<vmem>> -> memref<4096xf32, #tpu.memory_space<vmem>>
      %dma_start3A_59 = tpu.memref_slice %arg2[%add3A_38] : memref<98304xf32, #tpu.memory_space<hbm>> -> memref<4096xf32, #tpu.memory_space<hbm>>
      tpu.enqueue_dma source(%dma_start3A_59 : memref<4096xf32, #tpu.memory_space<hbm>>) target(%dma_start3A_58 : memref<4096xf32, #tpu.memory_space<vmem>>) target_semaphore(%run_scoped3A : memref<!tpu.dma_semaphore, #tpu.memory_space<semaphore_mem>>)
      %dma_wait3A = arith.constant 16384 : i32
      %dma_wait3A_60 = tpu.memref_slice %arg5[%dma_wait3A] : memref<24576xf32, #tpu.memory_space<vmem>> -> memref<4096xf32, #tpu.memory_space<vmem>>
      %dma_wait3A_61 = tpu.memref_slice %arg2[%add3A_38] : memref<98304xf32, #tpu.memory_space<hbm>> -> memref<4096xf32, #tpu.memory_space<hbm>>
      %dma_wait3A_62 = arith.constant 16384 : i32
      %dma_wait3A_63 = tpu.memref_slice %arg5[%dma_wait3A_62] : memref<24576xf32, #tpu.memory_space<vmem>> -> memref<4096xf32, #tpu.memory_space<vmem>>
      %dma_wait3A_64 = tpu.memref_slice %arg2[%add3A_38] : memref<98304xf32, #tpu.memory_space<hbm>> -> memref<4096xf32, #tpu.memory_space<hbm>>
      tpu.wait_dma2 semaphore(%run_scoped3A : memref<!tpu.dma_semaphore, #tpu.memory_space<semaphore_mem>>) src(%dma_wait3A_64 : memref<4096xf32, #tpu.memory_space<hbm>>) dst(%dma_wait3A_63 : memref<4096xf32, #tpu.memory_space<vmem>>)
      tpu.yield
    }) : () -> ()
    %mul3A_39 = arith.constant 4096 : i32
    %mul3A_40 = arith.muli %select_n3A, %mul3A_39 : i32
    %add3A_41 = arith.constant 81920 : i32
    %add3A_42 = arith.addi %add3A_41, %mul3A_40 : i32
    "tpu.region"() ({
      %run_scoped3A = tpu.sem_alloc : memref<!tpu.dma_semaphore, #tpu.memory_space<semaphore_mem>>
      %dma_start3A = arith.constant 20480 : i32
      %dma_start3A_55 = tpu.memref_slice %arg5[%dma_start3A] : memref<24576xf32, #tpu.memory_space<vmem>> -> memref<4096xf32, #tpu.memory_space<vmem>>
      %dma_start3A_56 = tpu.memref_slice %arg2[%add3A_42] : memref<98304xf32, #tpu.memory_space<hbm>> -> memref<4096xf32, #tpu.memory_space<hbm>>
      %dma_start3A_57 = arith.constant 20480 : i32
      %dma_start3A_58 = tpu.memref_slice %arg5[%dma_start3A_57] : memref<24576xf32, #tpu.memory_space<vmem>> -> memref<4096xf32, #tpu.memory_space<vmem>>
      %dma_start3A_59 = tpu.memref_slice %arg2[%add3A_42] : memref<98304xf32, #tpu.memory_space<hbm>> -> memref<4096xf32, #tpu.memory_space<hbm>>
      tpu.enqueue_dma source(%dma_start3A_59 : memref<4096xf32, #tpu.memory_space<hbm>>) target(%dma_start3A_58 : memref<4096xf32, #tpu.memory_space<vmem>>) target_semaphore(%run_scoped3A : memref<!tpu.dma_semaphore, #tpu.memory_space<semaphore_mem>>)
      %dma_wait3A = arith.constant 20480 : i32
      %dma_wait3A_60 = tpu.memref_slice %arg5[%dma_wait3A] : memref<24576xf32, #tpu.memory_space<vmem>> -> memref<4096xf32, #tpu.memory_space<vmem>>
      %dma_wait3A_61 = tpu.memref_slice %arg2[%add3A_42] : memref<98304xf32, #tpu.memory_space<hbm>> -> memref<4096xf32, #tpu.memory_space<hbm>>
      %dma_wait3A_62 = arith.constant 20480 : i32
      %dma_wait3A_63 = tpu.memref_slice %arg5[%dma_wait3A_62] : memref<24576xf32, #tpu.memory_space<vmem>> -> memref<4096xf32, #tpu.memory_space<vmem>>
      %dma_wait3A_64 = tpu.memref_slice %arg2[%add3A_42] : memref<98304xf32, #tpu.memory_space<hbm>> -> memref<4096xf32, #tpu.memory_space<hbm>>
      tpu.wait_dma2 semaphore(%run_scoped3A : memref<!tpu.dma_semaphore, #tpu.memory_space<semaphore_mem>>) src(%dma_wait3A_64 : memref<4096xf32, #tpu.memory_space<hbm>>) dst(%dma_wait3A_63 : memref<4096xf32, #tpu.memory_space<vmem>>)
      tpu.yield
    }) : () -> ()
    "tpu.region"() ({
      %run_scoped3A = tpu.sem_alloc : memref<!tpu.dma_semaphore, #tpu.memory_space<semaphore_mem>>
      %dma_start3A = tpu.memref_slice %arg3[%mul3A_18] : memref<131072xi32, #tpu.memory_space<hbm>> -> memref<4096xi32, #tpu.memory_space<hbm>>
      %dma_start3A_55 = tpu.memref_slice %arg3[%mul3A_18] : memref<131072xi32, #tpu.memory_space<hbm>> -> memref<4096xi32, #tpu.memory_space<hbm>>
      tpu.enqueue_dma source(%dma_start3A_55 : memref<4096xi32, #tpu.memory_space<hbm>>) target(%arg6 : memref<4096xi32, #tpu.memory_space<vmem>>) target_semaphore(%run_scoped3A : memref<!tpu.dma_semaphore, #tpu.memory_space<semaphore_mem>>)
      %dma_wait3A = tpu.memref_slice %arg3[%mul3A_18] : memref<131072xi32, #tpu.memory_space<hbm>> -> memref<4096xi32, #tpu.memory_space<hbm>>
      %dma_wait3A_56 = tpu.memref_slice %arg3[%mul3A_18] : memref<131072xi32, #tpu.memory_space<hbm>> -> memref<4096xi32, #tpu.memory_space<hbm>>
      tpu.wait_dma2 semaphore(%run_scoped3A : memref<!tpu.dma_semaphore, #tpu.memory_space<semaphore_mem>>) src(%dma_wait3A_56 : memref<4096xi32, #tpu.memory_space<hbm>>) dst(%arg6 : memref<4096xi32, #tpu.memory_space<vmem>>)
      tpu.yield
    }) : () -> ()
    %iota3A = tpu.iota {dimensions = array<i32: 0>} : vector<16xi32>
    %while3A = arith.constant 0 : i32
    %while3A_43 = arith.constant 2 : i32
    %while3A_44 = arith.constant 0 : i32
    %while3A_45 = arith.subi %while3A_43, %while3A : i32
    %while3A_46 = arith.addi %while3A, %while3A_45 : i32
    %while3A_47 = arith.constant 1 : i32
    %while3A_48 = arith.divsi %while3A_45, %while3A_47 : i32
    %while3A_49 = arith.muli %while3A_48, %while3A_47 : i32
    %while3A_50 = arith.addi %while3A, %while3A_49 : i32
    %while3A_51 = arith.constant 1 : i32
    %while3A_52 = scf.for %while3A_55 = %while3A to %while3A_50 step %while3A_51 iter_args(%while3A_56 = %while3A_44) -> (i32)  : i32 {
      %while3A_57 = arith.constant 0 : i32
      %while3A_58 = arith.constant 128 : i32
      %while3A_59 = arith.constant 0 : i32
      %while3A_60 = arith.subi %while3A_58, %while3A_57 : i32
      %while3A_61 = arith.addi %while3A_57, %while3A_60 : i32
      %while3A_62 = arith.constant 1 : i32
      %while3A_63 = arith.divsi %while3A_60, %while3A_62 : i32
      %while3A_64 = arith.muli %while3A_63, %while3A_62 : i32
      %while3A_65 = arith.addi %while3A_57, %while3A_64 : i32
      %while3A_66 = arith.constant 1 : i32
      %while3A_67 = scf.for %while3A_76 = %while3A_57 to %while3A_65 step %while3A_66 iter_args(%while3A_77 = %while3A_59) -> (i32)  : i32 {
        %mul3A_78 = arith.constant 2048 : i32
        %mul3A_79 = arith.muli %while3A_55, %mul3A_78 : i32
        %mul3A_80 = arith.constant 16 : i32
        %mul3A_81 = arith.muli %while3A_76, %mul3A_80 : i32
        %add3A_82 = arith.addi %mul3A_79, %mul3A_81 : i32
        %get3A = arith.index_cast %add3A_82 : i32 to index
        %get3A_83 = tpu.vector_load %arg6[%get3A] {strides = array<i32>} : memref<4096xi32, #tpu.memory_space<vmem>>, vector<16xi32>,
        %mul3A_84 = arith.constant 16 : i32
        %mul3A_85 = arith.muli %while3A_76, %mul3A_84 : i32
        %add3A_86 = vector.broadcast %mul3A_85 : i32 to vector<16xi32>
        %add3A_87 = arith.addi %add3A_86, %iota3A : vector<16xi32>
        %mul3A_88 = arith.constant 8 : i32
        %mul3A_89 = vector.broadcast %mul3A_88 : i32 to vector<16xi32>
        %mul3A_90 = arith.muli %add3A_87, %mul3A_89 : vector<16xi32>
        %add3A_91 = arith.constant 0 : i32
        %add3A_92 = vector.broadcast %add3A_91 : i32 to vector<16xi32>
        %add3A_93 = arith.addi %get3A_83, %add3A_92 : vector<16xi32>
        %gather3A = tpu.vector_load_idx %arg5[%add3A_93] : memref<24576xf32, #tpu.memory_space<vmem>>[vector<16xi32>], vector<16xf32>,
        %add3A_94 = arith.constant 0 : i32
        %add3A_95 = vector.broadcast %add3A_94 : i32 to vector<16xi32>
        %add3A_96 = arith.addi %mul3A_90, %add3A_95 : vector<16xi32>
        tpu.vector_store_idx %arg7[%add3A_96], %gather3A : memref<16384xf32, #tpu.memory_space<vmem>>[vector<16xi32>], vector<16xf32>,
        %add3A_97 = arith.constant 4096 : i32
        %add3A_98 = vector.broadcast %add3A_97 : i32 to vector<16xi32>
        %add3A_99 = arith.addi %get3A_83, %add3A_98 : vector<16xi32>
        %gather3A_100 = tpu.vector_load_idx %arg5[%add3A_99] : memref<24576xf32, #tpu.memory_space<vmem>>[vector<16xi32>], vector<16xf32>,
        %add3A_101 = arith.constant 1 : i32
        %add3A_102 = vector.broadcast %add3A_101 : i32 to vector<16xi32>
        %add3A_103 = arith.addi %mul3A_90, %add3A_102 : vector<16xi32>
        tpu.vector_store_idx %arg7[%add3A_103], %gather3A_100 : memref<16384xf32, #tpu.memory_space<vmem>>[vector<16xi32>], vector<16xf32>,
        %add3A_104 = arith.constant 8192 : i32
        %add3A_105 = vector.broadcast %add3A_104 : i32 to vector<16xi32>
        %add3A_106 = arith.addi %get3A_83, %add3A_105 : vector<16xi32>
        %gather3A_107 = tpu.vector_load_idx %arg5[%add3A_106] : memref<24576xf32, #tpu.memory_space<vmem>>[vector<16xi32>], vector<16xf32>,
        %add3A_108 = arith.constant 2 : i32
        %add3A_109 = vector.broadcast %add3A_108 : i32 to vector<16xi32>
        %add3A_110 = arith.addi %mul3A_90, %add3A_109 : vector<16xi32>
        tpu.vector_store_idx %arg7[%add3A_110], %gather3A_107 : memref<16384xf32, #tpu.memory_space<vmem>>[vector<16xi32>], vector<16xf32>,
        %add3A_111 = arith.constant 12288 : i32
        %add3A_112 = vector.broadcast %add3A_111 : i32 to vector<16xi32>
        %add3A_113 = arith.addi %get3A_83, %add3A_112 : vector<16xi32>
        %gather3A_114 = tpu.vector_load_idx %arg5[%add3A_113] : memref<24576xf32, #tpu.memory_space<vmem>>[vector<16xi32>], vector<16xf32>,
        %add3A_115 = arith.constant 3 : i32
        %add3A_116 = vector.broadcast %add3A_115 : i32 to vector<16xi32>
        %add3A_117 = arith.addi %mul3A_90, %add3A_116 : vector<16xi32>
        tpu.vector_store_idx %arg7[%add3A_117], %gather3A_114 : memref<16384xf32, #tpu.memory_space<vmem>>[vector<16xi32>], vector<16xf32>,
        %add3A_118 = arith.constant 16384 : i32
        %add3A_119 = vector.broadcast %add3A_118 : i32 to vector<16xi32>
        %add3A_120 = arith.addi %get3A_83, %add3A_119 : vector<16xi32>
        %gather3A_121 = tpu.vector_load_idx %arg5[%add3A_120] : memref<24576xf32, #tpu.memory_space<vmem>>[vector<16xi32>], vector<16xf32>,
        %add3A_122 = arith.constant 4 : i32
        %add3A_123 = vector.broadcast %add3A_122 : i32 to vector<16xi32>
        %add3A_124 = arith.addi %mul3A_90, %add3A_123 : vector<16xi32>
        tpu.vector_store_idx %arg7[%add3A_124], %gather3A_121 : memref<16384xf32, #tpu.memory_space<vmem>>[vector<16xi32>], vector<16xf32>,
        %add3A_125 = arith.constant 20480 : i32
        %add3A_126 = vector.broadcast %add3A_125 : i32 to vector<16xi32>
        %add3A_127 = arith.addi %get3A_83, %add3A_126 : vector<16xi32>
        %gather3A_128 = tpu.vector_load_idx %arg5[%add3A_127] : memref<24576xf32, #tpu.memory_space<vmem>>[vector<16xi32>], vector<16xf32>,
        %add3A_129 = arith.constant 5 : i32
        %add3A_130 = vector.broadcast %add3A_129 : i32 to vector<16xi32>
        %add3A_131 = arith.addi %mul3A_90, %add3A_130 : vector<16xi32>
        tpu.vector_store_idx %arg7[%add3A_131], %gather3A_128 : memref<16384xf32, #tpu.memory_space<vmem>>[vector<16xi32>], vector<16xf32>,
        %while3A_132 = arith.constant 0 : i32
        scf.yield %while3A_132 : i32
      }
      %while3A_68 = arith.constant 1 : i32
      %while3A_69 = scf.for %while3A_76 = %while3A_65 to %while3A_61 step %while3A_68 iter_args(%while3A_77 = %while3A_67) -> (i32)  : i32 {
        %mul3A_78 = arith.constant 2048 : i32
        %mul3A_79 = arith.muli %while3A_55, %mul3A_78 : i32
        %mul3A_80 = arith.constant 16 : i32
        %mul3A_81 = arith.muli %while3A_76, %mul3A_80 : i32
        %add3A_82 = arith.addi %mul3A_79, %mul3A_81 : i32
        %get3A = arith.index_cast %add3A_82 : i32 to index
        %get3A_83 = tpu.vector_load %arg6[%get3A] {strides = array<i32>} : memref<4096xi32, #tpu.memory_space<vmem>>, vector<16xi32>,
        %mul3A_84 = arith.constant 16 : i32
        %mul3A_85 = arith.muli %while3A_76, %mul3A_84 : i32
        %add3A_86 = vector.broadcast %mul3A_85 : i32 to vector<16xi32>
        %add3A_87 = arith.addi %add3A_86, %iota3A : vector<16xi32>
        %mul3A_88 = arith.constant 8 : i32
        %mul3A_89 = vector.broadcast %mul3A_88 : i32 to vector<16xi32>
        %mul3A_90 = arith.muli %add3A_87, %mul3A_89 : vector<16xi32>
        %add3A_91 = arith.constant 0 : i32
        %add3A_92 = vector.broadcast %add3A_91 : i32 to vector<16xi32>
        %add3A_93 = arith.addi %get3A_83, %add3A_92 : vector<16xi32>
        %gather3A = tpu.vector_load_idx %arg5[%add3A_93] : memref<24576xf32, #tpu.memory_space<vmem>>[vector<16xi32>], vector<16xf32>,
        %add3A_94 = arith.constant 0 : i32
        %add3A_95 = vector.broadcast %add3A_94 : i32 to vector<16xi32>
        %add3A_96 = arith.addi %mul3A_90, %add3A_95 : vector<16xi32>
        tpu.vector_store_idx %arg7[%add3A_96], %gather3A : memref<16384xf32, #tpu.memory_space<vmem>>[vector<16xi32>], vector<16xf32>,
        %add3A_97 = arith.constant 4096 : i32
        %add3A_98 = vector.broadcast %add3A_97 : i32 to vector<16xi32>
        %add3A_99 = arith.addi %get3A_83, %add3A_98 : vector<16xi32>
        %gather3A_100 = tpu.vector_load_idx %arg5[%add3A_99] : memref<24576xf32, #tpu.memory_space<vmem>>[vector<16xi32>], vector<16xf32>,
        %add3A_101 = arith.constant 1 : i32
        %add3A_102 = vector.broadcast %add3A_101 : i32 to vector<16xi32>
        %add3A_103 = arith.addi %mul3A_90, %add3A_102 : vector<16xi32>
        tpu.vector_store_idx %arg7[%add3A_103], %gather3A_100 : memref<16384xf32, #tpu.memory_space<vmem>>[vector<16xi32>], vector<16xf32>,
        %add3A_104 = arith.constant 8192 : i32
        %add3A_105 = vector.broadcast %add3A_104 : i32 to vector<16xi32>
        %add3A_106 = arith.addi %get3A_83, %add3A_105 : vector<16xi32>
        %gather3A_107 = tpu.vector_load_idx %arg5[%add3A_106] : memref<24576xf32, #tpu.memory_space<vmem>>[vector<16xi32>], vector<16xf32>,
        %add3A_108 = arith.constant 2 : i32
        %add3A_109 = vector.broadcast %add3A_108 : i32 to vector<16xi32>
        %add3A_110 = arith.addi %mul3A_90, %add3A_109 : vector<16xi32>
        tpu.vector_store_idx %arg7[%add3A_110], %gather3A_107 : memref<16384xf32, #tpu.memory_space<vmem>>[vector<16xi32>], vector<16xf32>,
        %add3A_111 = arith.constant 12288 : i32
        %add3A_112 = vector.broadcast %add3A_111 : i32 to vector<16xi32>
        %add3A_113 = arith.addi %get3A_83, %add3A_112 : vector<16xi32>
        %gather3A_114 = tpu.vector_load_idx %arg5[%add3A_113] : memref<24576xf32, #tpu.memory_space<vmem>>[vector<16xi32>], vector<16xf32>,
        %add3A_115 = arith.constant 3 : i32
        %add3A_116 = vector.broadcast %add3A_115 : i32 to vector<16xi32>
        %add3A_117 = arith.addi %mul3A_90, %add3A_116 : vector<16xi32>
        tpu.vector_store_idx %arg7[%add3A_117], %gather3A_114 : memref<16384xf32, #tpu.memory_space<vmem>>[vector<16xi32>], vector<16xf32>,
        %add3A_118 = arith.constant 16384 : i32
        %add3A_119 = vector.broadcast %add3A_118 : i32 to vector<16xi32>
        %add3A_120 = arith.addi %get3A_83, %add3A_119 : vector<16xi32>
        %gather3A_121 = tpu.vector_load_idx %arg5[%add3A_120] : memref<24576xf32, #tpu.memory_space<vmem>>[vector<16xi32>], vector<16xf32>,
        %add3A_122 = arith.constant 4 : i32
        %add3A_123 = vector.broadcast %add3A_122 : i32 to vector<16xi32>
        %add3A_124 = arith.addi %mul3A_90, %add3A_123 : vector<16xi32>
        tpu.vector_store_idx %arg7[%add3A_124], %gather3A_121 : memref<16384xf32, #tpu.memory_space<vmem>>[vector<16xi32>], vector<16xf32>,
        %add3A_125 = arith.constant 20480 : i32
        %add3A_126 = vector.broadcast %add3A_125 : i32 to vector<16xi32>
        %add3A_127 = arith.addi %get3A_83, %add3A_126 : vector<16xi32>
        %gather3A_128 = tpu.vector_load_idx %arg5[%add3A_127] : memref<24576xf32, #tpu.memory_space<vmem>>[vector<16xi32>], vector<16xf32>,
        %add3A_129 = arith.constant 5 : i32
        %add3A_130 = vector.broadcast %add3A_129 : i32 to vector<16xi32>
        %add3A_131 = arith.addi %mul3A_90, %add3A_130 : vector<16xi32>
        tpu.vector_store_idx %arg7[%add3A_131], %gather3A_128 : memref<16384xf32, #tpu.memory_space<vmem>>[vector<16xi32>], vector<16xf32>,
        %while3A_132 = arith.constant 0 : i32
        scf.yield %while3A_132 : i32
      }
      %mul3A_70 = arith.constant 2048 : i32
      %mul3A_71 = arith.muli %while3A_55, %mul3A_70 : i32
      %add3A_72 = arith.addi %mul3A_18, %mul3A_71 : i32
      %mul3A_73 = arith.constant 8 : i32
      %mul3A_74 = arith.muli %add3A_72, %mul3A_73 : i32
      "tpu.region"() ({
        %run_scoped3A = tpu.sem_alloc : memref<!tpu.dma_semaphore, #tpu.memory_space<semaphore_mem>>
        %dma_start3A = tpu.memref_slice %arg4[%mul3A_74] : memref<1048576xf32, #tpu.memory_space<hbm>> -> memref<16384xf32, #tpu.memory_space<hbm>>
        %dma_start3A_76 = tpu.memref_slice %arg4[%mul3A_74] : memref<1048576xf32, #tpu.memory_space<hbm>> -> memref<16384xf32, #tpu.memory_space<hbm>>
        tpu.enqueue_dma source(%arg7 : memref<16384xf32, #tpu.memory_space<vmem>>) target(%dma_start3A_76 : memref<16384xf32, #tpu.memory_space<hbm>>) target_semaphore(%run_scoped3A : memref<!tpu.dma_semaphore, #tpu.memory_space<semaphore_mem>>)
        %dma_wait3A = tpu.memref_slice %arg4[%mul3A_74] : memref<1048576xf32, #tpu.memory_space<hbm>> -> memref<16384xf32, #tpu.memory_space<hbm>>
        %dma_wait3A_77 = tpu.memref_slice %arg4[%mul3A_74] : memref<1048576xf32, #tpu.memory_space<hbm>> -> memref<16384xf32, #tpu.memory_space<hbm>>
        tpu.wait_dma2 semaphore(%run_scoped3A : memref<!tpu.dma_semaphore, #tpu.memory_space<semaphore_mem>>) src(%arg7 : memref<16384xf32, #tpu.memory_space<vmem>>) dst(%dma_wait3A_77 : memref<16384xf32, #tpu.memory_space<hbm>>)
        tpu.yield
      }) : () -> ()
      %while3A_75 = arith.constant 0 : i32
      scf.yield %while3A_75 : i32
    }
    %while3A_53 = arith.constant 1 : i32
    %while3A_54 = scf.for %while3A_55 = %while3A_50 to %while3A_46 step %while3A_53 iter_args(%while3A_56 = %while3A_52) -> (i32)  : i32 {
      %while3A_57 = arith.constant 0 : i32
      %while3A_58 = arith.constant 128 : i32
      %while3A_59 = arith.constant 0 : i32
      %while3A_60 = arith.subi %while3A_58, %while3A_57 : i32
      %while3A_61 = arith.addi %while3A_57, %while3A_60 : i32
      %while3A_62 = arith.constant 1 : i32
      %while3A_63 = arith.divsi %while3A_60, %while3A_62 : i32
      %while3A_64 = arith.muli %while3A_63, %while3A_62 : i32
      %while3A_65 = arith.addi %while3A_57, %while3A_64 : i32
      %while3A_66 = arith.constant 1 : i32
      %while3A_67 = scf.for %while3A_76 = %while3A_57 to %while3A_65 step %while3A_66 iter_args(%while3A_77 = %while3A_59) -> (i32)  : i32 {
        %mul3A_78 = arith.constant 2048 : i32
        %mul3A_79 = arith.muli %while3A_55, %mul3A_78 : i32
        %mul3A_80 = arith.constant 16 : i32
        %mul3A_81 = arith.muli %while3A_76, %mul3A_80 : i32
        %add3A_82 = arith.addi %mul3A_79, %mul3A_81 : i32
        %get3A = arith.index_cast %add3A_82 : i32 to index
        %get3A_83 = tpu.vector_load %arg6[%get3A] {strides = array<i32>} : memref<4096xi32, #tpu.memory_space<vmem>>, vector<16xi32>,
        %mul3A_84 = arith.constant 16 : i32
        %mul3A_85 = arith.muli %while3A_76, %mul3A_84 : i32
        %add3A_86 = vector.broadcast %mul3A_85 : i32 to vector<16xi32>
        %add3A_87 = arith.addi %add3A_86, %iota3A : vector<16xi32>
        %mul3A_88 = arith.constant 8 : i32
        %mul3A_89 = vector.broadcast %mul3A_88 : i32 to vector<16xi32>
        %mul3A_90 = arith.muli %add3A_87, %mul3A_89 : vector<16xi32>
        %add3A_91 = arith.constant 0 : i32
        %add3A_92 = vector.broadcast %add3A_91 : i32 to vector<16xi32>
        %add3A_93 = arith.addi %get3A_83, %add3A_92 : vector<16xi32>
        %gather3A = tpu.vector_load_idx %arg5[%add3A_93] : memref<24576xf32, #tpu.memory_space<vmem>>[vector<16xi32>], vector<16xf32>,
        %add3A_94 = arith.constant 0 : i32
        %add3A_95 = vector.broadcast %add3A_94 : i32 to vector<16xi32>
        %add3A_96 = arith.addi %mul3A_90, %add3A_95 : vector<16xi32>
        tpu.vector_store_idx %arg7[%add3A_96], %gather3A : memref<16384xf32, #tpu.memory_space<vmem>>[vector<16xi32>], vector<16xf32>,
        %add3A_97 = arith.constant 4096 : i32
        %add3A_98 = vector.broadcast %add3A_97 : i32 to vector<16xi32>
        %add3A_99 = arith.addi %get3A_83, %add3A_98 : vector<16xi32>
        %gather3A_100 = tpu.vector_load_idx %arg5[%add3A_99] : memref<24576xf32, #tpu.memory_space<vmem>>[vector<16xi32>], vector<16xf32>,
        %add3A_101 = arith.constant 1 : i32
        %add3A_102 = vector.broadcast %add3A_101 : i32 to vector<16xi32>
        %add3A_103 = arith.addi %mul3A_90, %add3A_102 : vector<16xi32>
        tpu.vector_store_idx %arg7[%add3A_103], %gather3A_100 : memref<16384xf32, #tpu.memory_space<vmem>>[vector<16xi32>], vector<16xf32>,
        %add3A_104 = arith.constant 8192 : i32
        %add3A_105 = vector.broadcast %add3A_104 : i32 to vector<16xi32>
        %add3A_106 = arith.addi %get3A_83, %add3A_105 : vector<16xi32>
        %gather3A_107 = tpu.vector_load_idx %arg5[%add3A_106] : memref<24576xf32, #tpu.memory_space<vmem>>[vector<16xi32>], vector<16xf32>,
        %add3A_108 = arith.constant 2 : i32
        %add3A_109 = vector.broadcast %add3A_108 : i32 to vector<16xi32>
        %add3A_110 = arith.addi %mul3A_90, %add3A_109 : vector<16xi32>
        tpu.vector_store_idx %arg7[%add3A_110], %gather3A_107 : memref<16384xf32, #tpu.memory_space<vmem>>[vector<16xi32>], vector<16xf32>,
        %add3A_111 = arith.constant 12288 : i32
        %add3A_112 = vector.broadcast %add3A_111 : i32 to vector<16xi32>
        %add3A_113 = arith.addi %get3A_83, %add3A_112 : vector<16xi32>
        %gather3A_114 = tpu.vector_load_idx %arg5[%add3A_113] : memref<24576xf32, #tpu.memory_space<vmem>>[vector<16xi32>], vector<16xf32>,
        %add3A_115 = arith.constant 3 : i32
        %add3A_116 = vector.broadcast %add3A_115 : i32 to vector<16xi32>
        %add3A_117 = arith.addi %mul3A_90, %add3A_116 : vector<16xi32>
        tpu.vector_store_idx %arg7[%add3A_117], %gather3A_114 : memref<16384xf32, #tpu.memory_space<vmem>>[vector<16xi32>], vector<16xf32>,
        %add3A_118 = arith.constant 16384 : i32
        %add3A_119 = vector.broadcast %add3A_118 : i32 to vector<16xi32>
        %add3A_120 = arith.addi %get3A_83, %add3A_119 : vector<16xi32>
        %gather3A_121 = tpu.vector_load_idx %arg5[%add3A_120] : memref<24576xf32, #tpu.memory_space<vmem>>[vector<16xi32>], vector<16xf32>,
        %add3A_122 = arith.constant 4 : i32
        %add3A_123 = vector.broadcast %add3A_122 : i32 to vector<16xi32>
        %add3A_124 = arith.addi %mul3A_90, %add3A_123 : vector<16xi32>
        tpu.vector_store_idx %arg7[%add3A_124], %gather3A_121 : memref<16384xf32, #tpu.memory_space<vmem>>[vector<16xi32>], vector<16xf32>,
        %add3A_125 = arith.constant 20480 : i32
        %add3A_126 = vector.broadcast %add3A_125 : i32 to vector<16xi32>
        %add3A_127 = arith.addi %get3A_83, %add3A_126 : vector<16xi32>
        %gather3A_128 = tpu.vector_load_idx %arg5[%add3A_127] : memref<24576xf32, #tpu.memory_space<vmem>>[vector<16xi32>], vector<16xf32>,
        %add3A_129 = arith.constant 5 : i32
        %add3A_130 = vector.broadcast %add3A_129 : i32 to vector<16xi32>
        %add3A_131 = arith.addi %mul3A_90, %add3A_130 : vector<16xi32>
        tpu.vector_store_idx %arg7[%add3A_131], %gather3A_128 : memref<16384xf32, #tpu.memory_space<vmem>>[vector<16xi32>], vector<16xf32>,
        %while3A_132 = arith.constant 0 : i32
        scf.yield %while3A_132 : i32
      }
      %while3A_68 = arith.constant 1 : i32
      %while3A_69 = scf.for %while3A_76 = %while3A_65 to %while3A_61 step %while3A_68 iter_args(%while3A_77 = %while3A_67) -> (i32)  : i32 {
        %mul3A_78 = arith.constant 2048 : i32
        %mul3A_79 = arith.muli %while3A_55, %mul3A_78 : i32
        %mul3A_80 = arith.constant 16 : i32
        %mul3A_81 = arith.muli %while3A_76, %mul3A_80 : i32
        %add3A_82 = arith.addi %mul3A_79, %mul3A_81 : i32
        %get3A = arith.index_cast %add3A_82 : i32 to index
        %get3A_83 = tpu.vector_load %arg6[%get3A] {strides = array<i32>} : memref<4096xi32, #tpu.memory_space<vmem>>, vector<16xi32>,
        %mul3A_84 = arith.constant 16 : i32
        %mul3A_85 = arith.muli %while3A_76, %mul3A_84 : i32
        %add3A_86 = vector.broadcast %mul3A_85 : i32 to vector<16xi32>
        %add3A_87 = arith.addi %add3A_86, %iota3A : vector<16xi32>
        %mul3A_88 = arith.constant 8 : i32
        %mul3A_89 = vector.broadcast %mul3A_88 : i32 to vector<16xi32>
        %mul3A_90 = arith.muli %add3A_87, %mul3A_89 : vector<16xi32>
        %add3A_91 = arith.constant 0 : i32
        %add3A_92 = vector.broadcast %add3A_91 : i32 to vector<16xi32>
        %add3A_93 = arith.addi %get3A_83, %add3A_92 : vector<16xi32>
        %gather3A = tpu.vector_load_idx %arg5[%add3A_93] : memref<24576xf32, #tpu.memory_space<vmem>>[vector<16xi32>], vector<16xf32>,
        %add3A_94 = arith.constant 0 : i32
        %add3A_95 = vector.broadcast %add3A_94 : i32 to vector<16xi32>
        %add3A_96 = arith.addi %mul3A_90, %add3A_95 : vector<16xi32>
        tpu.vector_store_idx %arg7[%add3A_96], %gather3A : memref<16384xf32, #tpu.memory_space<vmem>>[vector<16xi32>], vector<16xf32>,
        %add3A_97 = arith.constant 4096 : i32
        %add3A_98 = vector.broadcast %add3A_97 : i32 to vector<16xi32>
        %add3A_99 = arith.addi %get3A_83, %add3A_98 : vector<16xi32>
        %gather3A_100 = tpu.vector_load_idx %arg5[%add3A_99] : memref<24576xf32, #tpu.memory_space<vmem>>[vector<16xi32>], vector<16xf32>,
        %add3A_101 = arith.constant 1 : i32
        %add3A_102 = vector.broadcast %add3A_101 : i32 to vector<16xi32>
        %add3A_103 = arith.addi %mul3A_90, %add3A_102 : vector<16xi32>
        tpu.vector_store_idx %arg7[%add3A_103], %gather3A_100 : memref<16384xf32, #tpu.memory_space<vmem>>[vector<16xi32>], vector<16xf32>,
        %add3A_104 = arith.constant 8192 : i32
        %add3A_105 = vector.broadcast %add3A_104 : i32 to vector<16xi32>
        %add3A_106 = arith.addi %get3A_83, %add3A_105 : vector<16xi32>
        %gather3A_107 = tpu.vector_load_idx %arg5[%add3A_106] : memref<24576xf32, #tpu.memory_space<vmem>>[vector<16xi32>], vector<16xf32>,
        %add3A_108 = arith.constant 2 : i32
        %add3A_109 = vector.broadcast %add3A_108 : i32 to vector<16xi32>
        %add3A_110 = arith.addi %mul3A_90, %add3A_109 : vector<16xi32>
        tpu.vector_store_idx %arg7[%add3A_110], %gather3A_107 : memref<16384xf32, #tpu.memory_space<vmem>>[vector<16xi32>], vector<16xf32>,
        %add3A_111 = arith.constant 12288 : i32
        %add3A_112 = vector.broadcast %add3A_111 : i32 to vector<16xi32>
        %add3A_113 = arith.addi %get3A_83, %add3A_112 : vector<16xi32>
        %gather3A_114 = tpu.vector_load_idx %arg5[%add3A_113] : memref<24576xf32, #tpu.memory_space<vmem>>[vector<16xi32>], vector<16xf32>,
        %add3A_115 = arith.constant 3 : i32
        %add3A_116 = vector.broadcast %add3A_115 : i32 to vector<16xi32>
        %add3A_117 = arith.addi %mul3A_90, %add3A_116 : vector<16xi32>
        tpu.vector_store_idx %arg7[%add3A_117], %gather3A_114 : memref<16384xf32, #tpu.memory_space<vmem>>[vector<16xi32>], vector<16xf32>,
        %add3A_118 = arith.constant 16384 : i32
        %add3A_119 = vector.broadcast %add3A_118 : i32 to vector<16xi32>
        %add3A_120 = arith.addi %get3A_83, %add3A_119 : vector<16xi32>
        %gather3A_121 = tpu.vector_load_idx %arg5[%add3A_120] : memref<24576xf32, #tpu.memory_space<vmem>>[vector<16xi32>], vector<16xf32>,
        %add3A_122 = arith.constant 4 : i32
        %add3A_123 = vector.broadcast %add3A_122 : i32 to vector<16xi32>
        %add3A_124 = arith.addi %mul3A_90, %add3A_123 : vector<16xi32>
        tpu.vector_store_idx %arg7[%add3A_124], %gather3A_121 : memref<16384xf32, #tpu.memory_space<vmem>>[vector<16xi32>], vector<16xf32>,
        %add3A_125 = arith.constant 20480 : i32
        %add3A_126 = vector.broadcast %add3A_125 : i32 to vector<16xi32>
        %add3A_127 = arith.addi %get3A_83, %add3A_126 : vector<16xi32>
        %gather3A_128 = tpu.vector_load_idx %arg5[%add3A_127] : memref<24576xf32, #tpu.memory_space<vmem>>[vector<16xi32>], vector<16xf32>,
        %add3A_129 = arith.constant 5 : i32
        %add3A_130 = vector.broadcast %add3A_129 : i32 to vector<16xi32>
        %add3A_131 = arith.addi %mul3A_90, %add3A_130 : vector<16xi32>
        tpu.vector_store_idx %arg7[%add3A_131], %gather3A_128 : memref<16384xf32, #tpu.memory_space<vmem>>[vector<16xi32>], vector<16xf32>,
        %while3A_132 = arith.constant 0 : i32
        scf.yield %while3A_132 : i32
      }
      %mul3A_70 = arith.constant 2048 : i32
      %mul3A_71 = arith.muli %while3A_55, %mul3A_70 : i32
      %add3A_72 = arith.addi %mul3A_18, %mul3A_71 : i32
      %mul3A_73 = arith.constant 8 : i32
      %mul3A_74 = arith.muli %add3A_72, %mul3A_73 : i32
      "tpu.region"() ({
        %run_scoped3A = tpu.sem_alloc : memref<!tpu.dma_semaphore, #tpu.memory_space<semaphore_mem>>
        %dma_start3A = tpu.memref_slice %arg4[%mul3A_74] : memref<1048576xf32, #tpu.memory_space<hbm>> -> memref<16384xf32, #tpu.memory_space<hbm>>
        %dma_start3A_76 = tpu.memref_slice %arg4[%mul3A_74] : memref<1048576xf32, #tpu.memory_space<hbm>> -> memref<16384xf32, #tpu.memory_space<hbm>>
        tpu.enqueue_dma source(%arg7 : memref<16384xf32, #tpu.memory_space<vmem>>) target(%dma_start3A_76 : memref<16384xf32, #tpu.memory_space<hbm>>) target_semaphore(%run_scoped3A : memref<!tpu.dma_semaphore, #tpu.memory_space<semaphore_mem>>)
        %dma_wait3A = tpu.memref_slice %arg4[%mul3A_74] : memref<1048576xf32, #tpu.memory_space<hbm>> -> memref<16384xf32, #tpu.memory_space<hbm>>
        %dma_wait3A_77 = tpu.memref_slice %arg4[%mul3A_74] : memref<1048576xf32, #tpu.memory_space<hbm>> -> memref<16384xf32, #tpu.memory_space<hbm>>
        tpu.wait_dma2 semaphore(%run_scoped3A : memref<!tpu.dma_semaphore, #tpu.memory_space<semaphore_mem>>) src(%arg7 : memref<16384xf32, #tpu.memory_space<vmem>>) dst(%dma_wait3A_77 : memref<16384xf32, #tpu.memory_space<hbm>>)
        tpu.yield
      }) : () -> ()
      %while3A_75 = arith.constant 0 : i32
      scf.yield %while3A_75 : i32
    }
    return
  }
}

module attributes {stable_mosaic.version = 14 : i64} {
  func.func @_knn_body(%arg0: i32, %arg1: i32, %arg2: memref<256x3xf32, #tpu.memory_space<vmem>>, %arg3: memref<1x3x4096xf32, #tpu.memory_space<vmem>>, %arg4: memref<256x32xi32, #tpu.memory_space<vmem>>) attributes {dimension_semantics = [#tpu.dimension_semantics<arbitrary>, #tpu.dimension_semantics<arbitrary>], iteration_bounds = array<i64: 4, 4>, scalar_prefetch = 0 : i64, scratch_operands = 0 : i64, tpu.core_type = #tpu.core_type<tc>, window_params = [{transform_indices = @transform_0, window_bounds = array<i64: 256, 3>}, {transform_indices = @transform_1, window_bounds = array<i64: 1, 3, 4096>}, {transform_indices = @transform_2, window_bounds = array<i64: 256, 32>}]} {
    %get3A = arith.constant 0 : index
    %get3A_0 = arith.constant 0 : index
    %get3A_1 = vector.load %arg2[%get3A, %get3A_0] : memref<256x3xf32, #tpu.memory_space<vmem>>, vector<256x3xf32>
    %slice3A = vector.extract_strided_slice %get3A_1 {offsets = [0, 0], sizes = [256, 1], strides = [1, 1]} : vector<256x3xf32> to vector<256x1xf32>
    %slice3A_2 = vector.extract_strided_slice %get3A_1 {offsets = [0, 1], sizes = [256, 1], strides = [1, 1]} : vector<256x3xf32> to vector<256x1xf32>
    %slice3A_3 = vector.extract_strided_slice %get3A_1 {offsets = [0, 2], sizes = [256, 1], strides = [1, 1]} : vector<256x3xf32> to vector<256x1xf32>
    %get3A_4 = arith.constant 0 : index
    %get3A_5 = arith.constant 0 : index
    %get3A_6 = arith.constant 0 : index
    %get3A_7 = vector.load %arg3[%get3A_4, %get3A_5, %get3A_6] : memref<1x3x4096xf32, #tpu.memory_space<vmem>>, vector<1x3x4096xf32>
    %get3A_8 = vector.shape_cast %get3A_7 : vector<1x3x4096xf32> to vector<3x4096xf32>
    %slice3A_9 = vector.extract_strided_slice %get3A_8 {offsets = [0, 0], sizes = [1, 4096], strides = [1, 1]} : vector<3x4096xf32> to vector<1x4096xf32>
    %slice3A_10 = vector.extract_strided_slice %get3A_8 {offsets = [1, 0], sizes = [1, 4096], strides = [1, 1]} : vector<3x4096xf32> to vector<1x4096xf32>
    %slice3A_11 = vector.extract_strided_slice %get3A_8 {offsets = [2, 0], sizes = [1, 4096], strides = [1, 1]} : vector<3x4096xf32> to vector<1x4096xf32>
    %sub3A = vector.broadcast %slice3A : vector<256x1xf32> to vector<256x4096xf32>
    %sub3A_12 = vector.broadcast %slice3A_9 : vector<1x4096xf32> to vector<256x4096xf32>
    %sub3A_13 = arith.subf %sub3A, %sub3A_12 : vector<256x4096xf32>
    %sub3A_14 = vector.broadcast %slice3A_2 : vector<256x1xf32> to vector<256x4096xf32>
    %sub3A_15 = vector.broadcast %slice3A_10 : vector<1x4096xf32> to vector<256x4096xf32>
    %sub3A_16 = arith.subf %sub3A_14, %sub3A_15 : vector<256x4096xf32>
    %sub3A_17 = vector.broadcast %slice3A_3 : vector<256x1xf32> to vector<256x4096xf32>
    %sub3A_18 = vector.broadcast %slice3A_11 : vector<1x4096xf32> to vector<256x4096xf32>
    %sub3A_19 = arith.subf %sub3A_17, %sub3A_18 : vector<256x4096xf32>
    %mul3A = arith.mulf %sub3A_13, %sub3A_13 : vector<256x4096xf32>
    %mul3A_20 = arith.mulf %sub3A_16, %sub3A_16 : vector<256x4096xf32>
    %add3A = arith.addf %mul3A, %mul3A_20 : vector<256x4096xf32>
    %mul3A_21 = arith.mulf %sub3A_19, %sub3A_19 : vector<256x4096xf32>
    %add3A_22 = arith.addf %add3A, %mul3A_21 : vector<256x4096xf32>
    %iota3A = tpu.iota {dimensions = array<i32: 1>} : vector<256x4096xi32>
    %reduce_min3A = arith.constant dense<0x7F800000> : vector<256xf32>
    %reduce_min3A_23 = vector.multi_reduction <minimumf>, %add3A_22, %reduce_min3A [1] : vector<256x4096xf32> to vector<256xf32>
    %broadcast_in_dim3A = vector.shape_cast %reduce_min3A_23 : vector<256xf32> to vector<256x1xf32>
    %eq3A = vector.broadcast %broadcast_in_dim3A : vector<256x1xf32> to vector<256x4096xf32>
    %eq3A_24 = arith.cmpf oeq, %add3A_22, %eq3A : vector<256x4096xf32>
    %jit3A = arith.constant 4096 : i32
    %broadcast_in_dim3A_25 = vector.broadcast %jit3A : i32 to vector<256x4096xi32>
    %select_n3A = arith.select %eq3A_24, %iota3A, %broadcast_in_dim3A_25 : vector<256x4096xi1>, vector<256x4096xi32>
    %reduce_min3A_26 = arith.constant dense<2147483647> : vector<256xi32>
    %reduce_min3A_27 = vector.multi_reduction <minsi>, %select_n3A, %reduce_min3A_26 [1] : vector<256x4096xi32> to vector<256xi32>
    %broadcast_in_dim3A_28 = vector.shape_cast %reduce_min3A_27 : vector<256xi32> to vector<256x1xi32>
    %swap3A = arith.constant 0 : index
    %swap3A_29 = arith.constant 0 : index
    %swap3A_30 = vector.load %arg4[%swap3A, %swap3A_29] : memref<256x32xi32, #tpu.memory_space<vmem>>, vector<256x1xi32>
    tpu.vector_store %arg4[%swap3A, %swap3A_29], %broadcast_in_dim3A_28 {strides = array<i32>} : memref<256x32xi32, #tpu.memory_space<vmem>>, vector<256x1xi32>,
    %eq3A_31 = vector.broadcast %broadcast_in_dim3A_28 : vector<256x1xi32> to vector<256x4096xi32>
    %eq3A_32 = arith.cmpi eq, %iota3A, %eq3A_31 : vector<256x4096xi32>
    %jit3A_33 = arith.constant 0x7F800000 : f32
    %broadcast_in_dim3A_34 = vector.broadcast %jit3A_33 : f32 to vector<256x4096xf32>
    %select_n3A_35 = arith.select %eq3A_32, %broadcast_in_dim3A_34, %add3A_22 : vector<256x4096xi1>, vector<256x4096xf32>
    %reduce_min3A_36 = arith.constant dense<0x7F800000> : vector<256xf32>
    %reduce_min3A_37 = vector.multi_reduction <minimumf>, %select_n3A_35, %reduce_min3A_36 [1] : vector<256x4096xf32> to vector<256xf32>
    %broadcast_in_dim3A_38 = vector.shape_cast %reduce_min3A_37 : vector<256xf32> to vector<256x1xf32>
    %eq3A_39 = vector.broadcast %broadcast_in_dim3A_38 : vector<256x1xf32> to vector<256x4096xf32>
    %eq3A_40 = arith.cmpf oeq, %select_n3A_35, %eq3A_39 : vector<256x4096xf32>
    %jit3A_41 = arith.constant 4096 : i32
    %broadcast_in_dim3A_42 = vector.broadcast %jit3A_41 : i32 to vector<256x4096xi32>
    %select_n3A_43 = arith.select %eq3A_40, %iota3A, %broadcast_in_dim3A_42 : vector<256x4096xi1>, vector<256x4096xi32>
    %reduce_min3A_44 = arith.constant dense<2147483647> : vector<256xi32>
    %reduce_min3A_45 = vector.multi_reduction <minsi>, %select_n3A_43, %reduce_min3A_44 [1] : vector<256x4096xi32> to vector<256xi32>
    %broadcast_in_dim3A_46 = vector.shape_cast %reduce_min3A_45 : vector<256xi32> to vector<256x1xi32>
    %swap3A_47 = arith.constant 0 : index
    %swap3A_48 = arith.constant 1 : index
    %swap3A_49 = vector.load %arg4[%swap3A_47, %swap3A_48] : memref<256x32xi32, #tpu.memory_space<vmem>>, vector<256x1xi32>
    tpu.vector_store %arg4[%swap3A_47, %swap3A_48], %broadcast_in_dim3A_46 {strides = array<i32>} : memref<256x32xi32, #tpu.memory_space<vmem>>, vector<256x1xi32>,
    %eq3A_50 = vector.broadcast %broadcast_in_dim3A_46 : vector<256x1xi32> to vector<256x4096xi32>
    %eq3A_51 = arith.cmpi eq, %iota3A, %eq3A_50 : vector<256x4096xi32>
    %jit3A_52 = arith.constant 0x7F800000 : f32
    %broadcast_in_dim3A_53 = vector.broadcast %jit3A_52 : f32 to vector<256x4096xf32>
    %select_n3A_54 = arith.select %eq3A_51, %broadcast_in_dim3A_53, %select_n3A_35 : vector<256x4096xi1>, vector<256x4096xf32>
    %reduce_min3A_55 = arith.constant dense<0x7F800000> : vector<256xf32>
    %reduce_min3A_56 = vector.multi_reduction <minimumf>, %select_n3A_54, %reduce_min3A_55 [1] : vector<256x4096xf32> to vector<256xf32>
    %broadcast_in_dim3A_57 = vector.shape_cast %reduce_min3A_56 : vector<256xf32> to vector<256x1xf32>
    %eq3A_58 = vector.broadcast %broadcast_in_dim3A_57 : vector<256x1xf32> to vector<256x4096xf32>
    %eq3A_59 = arith.cmpf oeq, %select_n3A_54, %eq3A_58 : vector<256x4096xf32>
    %jit3A_60 = arith.constant 4096 : i32
    %broadcast_in_dim3A_61 = vector.broadcast %jit3A_60 : i32 to vector<256x4096xi32>
    %select_n3A_62 = arith.select %eq3A_59, %iota3A, %broadcast_in_dim3A_61 : vector<256x4096xi1>, vector<256x4096xi32>
    %reduce_min3A_63 = arith.constant dense<2147483647> : vector<256xi32>
    %reduce_min3A_64 = vector.multi_reduction <minsi>, %select_n3A_62, %reduce_min3A_63 [1] : vector<256x4096xi32> to vector<256xi32>
    %broadcast_in_dim3A_65 = vector.shape_cast %reduce_min3A_64 : vector<256xi32> to vector<256x1xi32>
    %swap3A_66 = arith.constant 0 : index
    %swap3A_67 = arith.constant 2 : index
    %swap3A_68 = vector.load %arg4[%swap3A_66, %swap3A_67] : memref<256x32xi32, #tpu.memory_space<vmem>>, vector<256x1xi32>
    tpu.vector_store %arg4[%swap3A_66, %swap3A_67], %broadcast_in_dim3A_65 {strides = array<i32>} : memref<256x32xi32, #tpu.memory_space<vmem>>, vector<256x1xi32>,
    %eq3A_69 = vector.broadcast %broadcast_in_dim3A_65 : vector<256x1xi32> to vector<256x4096xi32>
    %eq3A_70 = arith.cmpi eq, %iota3A, %eq3A_69 : vector<256x4096xi32>
    %jit3A_71 = arith.constant 0x7F800000 : f32
    %broadcast_in_dim3A_72 = vector.broadcast %jit3A_71 : f32 to vector<256x4096xf32>
    %select_n3A_73 = arith.select %eq3A_70, %broadcast_in_dim3A_72, %select_n3A_54 : vector<256x4096xi1>, vector<256x4096xf32>
    %reduce_min3A_74 = arith.constant dense<0x7F800000> : vector<256xf32>
    %reduce_min3A_75 = vector.multi_reduction <minimumf>, %select_n3A_73, %reduce_min3A_74 [1] : vector<256x4096xf32> to vector<256xf32>
    %broadcast_in_dim3A_76 = vector.shape_cast %reduce_min3A_75 : vector<256xf32> to vector<256x1xf32>
    %eq3A_77 = vector.broadcast %broadcast_in_dim3A_76 : vector<256x1xf32> to vector<256x4096xf32>
    %eq3A_78 = arith.cmpf oeq, %select_n3A_73, %eq3A_77 : vector<256x4096xf32>
    %jit3A_79 = arith.constant 4096 : i32
    %broadcast_in_dim3A_80 = vector.broadcast %jit3A_79 : i32 to vector<256x4096xi32>
    %select_n3A_81 = arith.select %eq3A_78, %iota3A, %broadcast_in_dim3A_80 : vector<256x4096xi1>, vector<256x4096xi32>
    %reduce_min3A_82 = arith.constant dense<2147483647> : vector<256xi32>
    %reduce_min3A_83 = vector.multi_reduction <minsi>, %select_n3A_81, %reduce_min3A_82 [1] : vector<256x4096xi32> to vector<256xi32>
    %broadcast_in_dim3A_84 = vector.shape_cast %reduce_min3A_83 : vector<256xi32> to vector<256x1xi32>
    %swap3A_85 = arith.constant 0 : index
    %swap3A_86 = arith.constant 3 : index
    %swap3A_87 = vector.load %arg4[%swap3A_85, %swap3A_86] : memref<256x32xi32, #tpu.memory_space<vmem>>, vector<256x1xi32>
    tpu.vector_store %arg4[%swap3A_85, %swap3A_86], %broadcast_in_dim3A_84 {strides = array<i32>} : memref<256x32xi32, #tpu.memory_space<vmem>>, vector<256x1xi32>,
    %eq3A_88 = vector.broadcast %broadcast_in_dim3A_84 : vector<256x1xi32> to vector<256x4096xi32>
    %eq3A_89 = arith.cmpi eq, %iota3A, %eq3A_88 : vector<256x4096xi32>
    %jit3A_90 = arith.constant 0x7F800000 : f32
    %broadcast_in_dim3A_91 = vector.broadcast %jit3A_90 : f32 to vector<256x4096xf32>
    %select_n3A_92 = arith.select %eq3A_89, %broadcast_in_dim3A_91, %select_n3A_73 : vector<256x4096xi1>, vector<256x4096xf32>
    %reduce_min3A_93 = arith.constant dense<0x7F800000> : vector<256xf32>
    %reduce_min3A_94 = vector.multi_reduction <minimumf>, %select_n3A_92, %reduce_min3A_93 [1] : vector<256x4096xf32> to vector<256xf32>
    %broadcast_in_dim3A_95 = vector.shape_cast %reduce_min3A_94 : vector<256xf32> to vector<256x1xf32>
    %eq3A_96 = vector.broadcast %broadcast_in_dim3A_95 : vector<256x1xf32> to vector<256x4096xf32>
    %eq3A_97 = arith.cmpf oeq, %select_n3A_92, %eq3A_96 : vector<256x4096xf32>
    %jit3A_98 = arith.constant 4096 : i32
    %broadcast_in_dim3A_99 = vector.broadcast %jit3A_98 : i32 to vector<256x4096xi32>
    %select_n3A_100 = arith.select %eq3A_97, %iota3A, %broadcast_in_dim3A_99 : vector<256x4096xi1>, vector<256x4096xi32>
    %reduce_min3A_101 = arith.constant dense<2147483647> : vector<256xi32>
    %reduce_min3A_102 = vector.multi_reduction <minsi>, %select_n3A_100, %reduce_min3A_101 [1] : vector<256x4096xi32> to vector<256xi32>
    %broadcast_in_dim3A_103 = vector.shape_cast %reduce_min3A_102 : vector<256xi32> to vector<256x1xi32>
    %swap3A_104 = arith.constant 0 : index
    %swap3A_105 = arith.constant 4 : index
    %swap3A_106 = vector.load %arg4[%swap3A_104, %swap3A_105] : memref<256x32xi32, #tpu.memory_space<vmem>>, vector<256x1xi32>
    tpu.vector_store %arg4[%swap3A_104, %swap3A_105], %broadcast_in_dim3A_103 {strides = array<i32>} : memref<256x32xi32, #tpu.memory_space<vmem>>, vector<256x1xi32>,
    %eq3A_107 = vector.broadcast %broadcast_in_dim3A_103 : vector<256x1xi32> to vector<256x4096xi32>
    %eq3A_108 = arith.cmpi eq, %iota3A, %eq3A_107 : vector<256x4096xi32>
    %jit3A_109 = arith.constant 0x7F800000 : f32
    %broadcast_in_dim3A_110 = vector.broadcast %jit3A_109 : f32 to vector<256x4096xf32>
    %select_n3A_111 = arith.select %eq3A_108, %broadcast_in_dim3A_110, %select_n3A_92 : vector<256x4096xi1>, vector<256x4096xf32>
    %reduce_min3A_112 = arith.constant dense<0x7F800000> : vector<256xf32>
    %reduce_min3A_113 = vector.multi_reduction <minimumf>, %select_n3A_111, %reduce_min3A_112 [1] : vector<256x4096xf32> to vector<256xf32>
    %broadcast_in_dim3A_114 = vector.shape_cast %reduce_min3A_113 : vector<256xf32> to vector<256x1xf32>
    %eq3A_115 = vector.broadcast %broadcast_in_dim3A_114 : vector<256x1xf32> to vector<256x4096xf32>
    %eq3A_116 = arith.cmpf oeq, %select_n3A_111, %eq3A_115 : vector<256x4096xf32>
    %jit3A_117 = arith.constant 4096 : i32
    %broadcast_in_dim3A_118 = vector.broadcast %jit3A_117 : i32 to vector<256x4096xi32>
    %select_n3A_119 = arith.select %eq3A_116, %iota3A, %broadcast_in_dim3A_118 : vector<256x4096xi1>, vector<256x4096xi32>
    %reduce_min3A_120 = arith.constant dense<2147483647> : vector<256xi32>
    %reduce_min3A_121 = vector.multi_reduction <minsi>, %select_n3A_119, %reduce_min3A_120 [1] : vector<256x4096xi32> to vector<256xi32>
    %broadcast_in_dim3A_122 = vector.shape_cast %reduce_min3A_121 : vector<256xi32> to vector<256x1xi32>
    %swap3A_123 = arith.constant 0 : index
    %swap3A_124 = arith.constant 5 : index
    %swap3A_125 = vector.load %arg4[%swap3A_123, %swap3A_124] : memref<256x32xi32, #tpu.memory_space<vmem>>, vector<256x1xi32>
    tpu.vector_store %arg4[%swap3A_123, %swap3A_124], %broadcast_in_dim3A_122 {strides = array<i32>} : memref<256x32xi32, #tpu.memory_space<vmem>>, vector<256x1xi32>,
    %eq3A_126 = vector.broadcast %broadcast_in_dim3A_122 : vector<256x1xi32> to vector<256x4096xi32>
    %eq3A_127 = arith.cmpi eq, %iota3A, %eq3A_126 : vector<256x4096xi32>
    %jit3A_128 = arith.constant 0x7F800000 : f32
    %broadcast_in_dim3A_129 = vector.broadcast %jit3A_128 : f32 to vector<256x4096xf32>
    %select_n3A_130 = arith.select %eq3A_127, %broadcast_in_dim3A_129, %select_n3A_111 : vector<256x4096xi1>, vector<256x4096xf32>
    %reduce_min3A_131 = arith.constant dense<0x7F800000> : vector<256xf32>
    %reduce_min3A_132 = vector.multi_reduction <minimumf>, %select_n3A_130, %reduce_min3A_131 [1] : vector<256x4096xf32> to vector<256xf32>
    %broadcast_in_dim3A_133 = vector.shape_cast %reduce_min3A_132 : vector<256xf32> to vector<256x1xf32>
    %eq3A_134 = vector.broadcast %broadcast_in_dim3A_133 : vector<256x1xf32> to vector<256x4096xf32>
    %eq3A_135 = arith.cmpf oeq, %select_n3A_130, %eq3A_134 : vector<256x4096xf32>
    %jit3A_136 = arith.constant 4096 : i32
    %broadcast_in_dim3A_137 = vector.broadcast %jit3A_136 : i32 to vector<256x4096xi32>
    %select_n3A_138 = arith.select %eq3A_135, %iota3A, %broadcast_in_dim3A_137 : vector<256x4096xi1>, vector<256x4096xi32>
    %reduce_min3A_139 = arith.constant dense<2147483647> : vector<256xi32>
    %reduce_min3A_140 = vector.multi_reduction <minsi>, %select_n3A_138, %reduce_min3A_139 [1] : vector<256x4096xi32> to vector<256xi32>
    %broadcast_in_dim3A_141 = vector.shape_cast %reduce_min3A_140 : vector<256xi32> to vector<256x1xi32>
    %swap3A_142 = arith.constant 0 : index
    %swap3A_143 = arith.constant 6 : index
    %swap3A_144 = vector.load %arg4[%swap3A_142, %swap3A_143] : memref<256x32xi32, #tpu.memory_space<vmem>>, vector<256x1xi32>
    tpu.vector_store %arg4[%swap3A_142, %swap3A_143], %broadcast_in_dim3A_141 {strides = array<i32>} : memref<256x32xi32, #tpu.memory_space<vmem>>, vector<256x1xi32>,
    %eq3A_145 = vector.broadcast %broadcast_in_dim3A_141 : vector<256x1xi32> to vector<256x4096xi32>
    %eq3A_146 = arith.cmpi eq, %iota3A, %eq3A_145 : vector<256x4096xi32>
    %jit3A_147 = arith.constant 0x7F800000 : f32
    %broadcast_in_dim3A_148 = vector.broadcast %jit3A_147 : f32 to vector<256x4096xf32>
    %select_n3A_149 = arith.select %eq3A_146, %broadcast_in_dim3A_148, %select_n3A_130 : vector<256x4096xi1>, vector<256x4096xf32>
    %reduce_min3A_150 = arith.constant dense<0x7F800000> : vector<256xf32>
    %reduce_min3A_151 = vector.multi_reduction <minimumf>, %select_n3A_149, %reduce_min3A_150 [1] : vector<256x4096xf32> to vector<256xf32>
    %broadcast_in_dim3A_152 = vector.shape_cast %reduce_min3A_151 : vector<256xf32> to vector<256x1xf32>
    %eq3A_153 = vector.broadcast %broadcast_in_dim3A_152 : vector<256x1xf32> to vector<256x4096xf32>
    %eq3A_154 = arith.cmpf oeq, %select_n3A_149, %eq3A_153 : vector<256x4096xf32>
    %jit3A_155 = arith.constant 4096 : i32
    %broadcast_in_dim3A_156 = vector.broadcast %jit3A_155 : i32 to vector<256x4096xi32>
    %select_n3A_157 = arith.select %eq3A_154, %iota3A, %broadcast_in_dim3A_156 : vector<256x4096xi1>, vector<256x4096xi32>
    %reduce_min3A_158 = arith.constant dense<2147483647> : vector<256xi32>
    %reduce_min3A_159 = vector.multi_reduction <minsi>, %select_n3A_157, %reduce_min3A_158 [1] : vector<256x4096xi32> to vector<256xi32>
    %broadcast_in_dim3A_160 = vector.shape_cast %reduce_min3A_159 : vector<256xi32> to vector<256x1xi32>
    %swap3A_161 = arith.constant 0 : index
    %swap3A_162 = arith.constant 7 : index
    %swap3A_163 = vector.load %arg4[%swap3A_161, %swap3A_162] : memref<256x32xi32, #tpu.memory_space<vmem>>, vector<256x1xi32>
    tpu.vector_store %arg4[%swap3A_161, %swap3A_162], %broadcast_in_dim3A_160 {strides = array<i32>} : memref<256x32xi32, #tpu.memory_space<vmem>>, vector<256x1xi32>,
    %eq3A_164 = vector.broadcast %broadcast_in_dim3A_160 : vector<256x1xi32> to vector<256x4096xi32>
    %eq3A_165 = arith.cmpi eq, %iota3A, %eq3A_164 : vector<256x4096xi32>
    %jit3A_166 = arith.constant 0x7F800000 : f32
    %broadcast_in_dim3A_167 = vector.broadcast %jit3A_166 : f32 to vector<256x4096xf32>
    %select_n3A_168 = arith.select %eq3A_165, %broadcast_in_dim3A_167, %select_n3A_149 : vector<256x4096xi1>, vector<256x4096xf32>
    %reduce_min3A_169 = arith.constant dense<0x7F800000> : vector<256xf32>
    %reduce_min3A_170 = vector.multi_reduction <minimumf>, %select_n3A_168, %reduce_min3A_169 [1] : vector<256x4096xf32> to vector<256xf32>
    %broadcast_in_dim3A_171 = vector.shape_cast %reduce_min3A_170 : vector<256xf32> to vector<256x1xf32>
    %eq3A_172 = vector.broadcast %broadcast_in_dim3A_171 : vector<256x1xf32> to vector<256x4096xf32>
    %eq3A_173 = arith.cmpf oeq, %select_n3A_168, %eq3A_172 : vector<256x4096xf32>
    %jit3A_174 = arith.constant 4096 : i32
    %broadcast_in_dim3A_175 = vector.broadcast %jit3A_174 : i32 to vector<256x4096xi32>
    %select_n3A_176 = arith.select %eq3A_173, %iota3A, %broadcast_in_dim3A_175 : vector<256x4096xi1>, vector<256x4096xi32>
    %reduce_min3A_177 = arith.constant dense<2147483647> : vector<256xi32>
    %reduce_min3A_178 = vector.multi_reduction <minsi>, %select_n3A_176, %reduce_min3A_177 [1] : vector<256x4096xi32> to vector<256xi32>
    %broadcast_in_dim3A_179 = vector.shape_cast %reduce_min3A_178 : vector<256xi32> to vector<256x1xi32>
    %swap3A_180 = arith.constant 0 : index
    %swap3A_181 = arith.constant 8 : index
    %swap3A_182 = vector.load %arg4[%swap3A_180, %swap3A_181] : memref<256x32xi32, #tpu.memory_space<vmem>>, vector<256x1xi32>
    tpu.vector_store %arg4[%swap3A_180, %swap3A_181], %broadcast_in_dim3A_179 {strides = array<i32>} : memref<256x32xi32, #tpu.memory_space<vmem>>, vector<256x1xi32>,
    %eq3A_183 = vector.broadcast %broadcast_in_dim3A_179 : vector<256x1xi32> to vector<256x4096xi32>
    %eq3A_184 = arith.cmpi eq, %iota3A, %eq3A_183 : vector<256x4096xi32>
    %jit3A_185 = arith.constant 0x7F800000 : f32
    %broadcast_in_dim3A_186 = vector.broadcast %jit3A_185 : f32 to vector<256x4096xf32>
    %select_n3A_187 = arith.select %eq3A_184, %broadcast_in_dim3A_186, %select_n3A_168 : vector<256x4096xi1>, vector<256x4096xf32>
    %reduce_min3A_188 = arith.constant dense<0x7F800000> : vector<256xf32>
    %reduce_min3A_189 = vector.multi_reduction <minimumf>, %select_n3A_187, %reduce_min3A_188 [1] : vector<256x4096xf32> to vector<256xf32>
    %broadcast_in_dim3A_190 = vector.shape_cast %reduce_min3A_189 : vector<256xf32> to vector<256x1xf32>
    %eq3A_191 = vector.broadcast %broadcast_in_dim3A_190 : vector<256x1xf32> to vector<256x4096xf32>
    %eq3A_192 = arith.cmpf oeq, %select_n3A_187, %eq3A_191 : vector<256x4096xf32>
    %jit3A_193 = arith.constant 4096 : i32
    %broadcast_in_dim3A_194 = vector.broadcast %jit3A_193 : i32 to vector<256x4096xi32>
    %select_n3A_195 = arith.select %eq3A_192, %iota3A, %broadcast_in_dim3A_194 : vector<256x4096xi1>, vector<256x4096xi32>
    %reduce_min3A_196 = arith.constant dense<2147483647> : vector<256xi32>
    %reduce_min3A_197 = vector.multi_reduction <minsi>, %select_n3A_195, %reduce_min3A_196 [1] : vector<256x4096xi32> to vector<256xi32>
    %broadcast_in_dim3A_198 = vector.shape_cast %reduce_min3A_197 : vector<256xi32> to vector<256x1xi32>
    %swap3A_199 = arith.constant 0 : index
    %swap3A_200 = arith.constant 9 : index
    %swap3A_201 = vector.load %arg4[%swap3A_199, %swap3A_200] : memref<256x32xi32, #tpu.memory_space<vmem>>, vector<256x1xi32>
    tpu.vector_store %arg4[%swap3A_199, %swap3A_200], %broadcast_in_dim3A_198 {strides = array<i32>} : memref<256x32xi32, #tpu.memory_space<vmem>>, vector<256x1xi32>,
    %eq3A_202 = vector.broadcast %broadcast_in_dim3A_198 : vector<256x1xi32> to vector<256x4096xi32>
    %eq3A_203 = arith.cmpi eq, %iota3A, %eq3A_202 : vector<256x4096xi32>
    %jit3A_204 = arith.constant 0x7F800000 : f32
    %broadcast_in_dim3A_205 = vector.broadcast %jit3A_204 : f32 to vector<256x4096xf32>
    %select_n3A_206 = arith.select %eq3A_203, %broadcast_in_dim3A_205, %select_n3A_187 : vector<256x4096xi1>, vector<256x4096xf32>
    %reduce_min3A_207 = arith.constant dense<0x7F800000> : vector<256xf32>
    %reduce_min3A_208 = vector.multi_reduction <minimumf>, %select_n3A_206, %reduce_min3A_207 [1] : vector<256x4096xf32> to vector<256xf32>
    %broadcast_in_dim3A_209 = vector.shape_cast %reduce_min3A_208 : vector<256xf32> to vector<256x1xf32>
    %eq3A_210 = vector.broadcast %broadcast_in_dim3A_209 : vector<256x1xf32> to vector<256x4096xf32>
    %eq3A_211 = arith.cmpf oeq, %select_n3A_206, %eq3A_210 : vector<256x4096xf32>
    %jit3A_212 = arith.constant 4096 : i32
    %broadcast_in_dim3A_213 = vector.broadcast %jit3A_212 : i32 to vector<256x4096xi32>
    %select_n3A_214 = arith.select %eq3A_211, %iota3A, %broadcast_in_dim3A_213 : vector<256x4096xi1>, vector<256x4096xi32>
    %reduce_min3A_215 = arith.constant dense<2147483647> : vector<256xi32>
    %reduce_min3A_216 = vector.multi_reduction <minsi>, %select_n3A_214, %reduce_min3A_215 [1] : vector<256x4096xi32> to vector<256xi32>
    %broadcast_in_dim3A_217 = vector.shape_cast %reduce_min3A_216 : vector<256xi32> to vector<256x1xi32>
    %swap3A_218 = arith.constant 0 : index
    %swap3A_219 = arith.constant 10 : index
    %swap3A_220 = vector.load %arg4[%swap3A_218, %swap3A_219] : memref<256x32xi32, #tpu.memory_space<vmem>>, vector<256x1xi32>
    tpu.vector_store %arg4[%swap3A_218, %swap3A_219], %broadcast_in_dim3A_217 {strides = array<i32>} : memref<256x32xi32, #tpu.memory_space<vmem>>, vector<256x1xi32>,
    %eq3A_221 = vector.broadcast %broadcast_in_dim3A_217 : vector<256x1xi32> to vector<256x4096xi32>
    %eq3A_222 = arith.cmpi eq, %iota3A, %eq3A_221 : vector<256x4096xi32>
    %jit3A_223 = arith.constant 0x7F800000 : f32
    %broadcast_in_dim3A_224 = vector.broadcast %jit3A_223 : f32 to vector<256x4096xf32>
    %select_n3A_225 = arith.select %eq3A_222, %broadcast_in_dim3A_224, %select_n3A_206 : vector<256x4096xi1>, vector<256x4096xf32>
    %reduce_min3A_226 = arith.constant dense<0x7F800000> : vector<256xf32>
    %reduce_min3A_227 = vector.multi_reduction <minimumf>, %select_n3A_225, %reduce_min3A_226 [1] : vector<256x4096xf32> to vector<256xf32>
    %broadcast_in_dim3A_228 = vector.shape_cast %reduce_min3A_227 : vector<256xf32> to vector<256x1xf32>
    %eq3A_229 = vector.broadcast %broadcast_in_dim3A_228 : vector<256x1xf32> to vector<256x4096xf32>
    %eq3A_230 = arith.cmpf oeq, %select_n3A_225, %eq3A_229 : vector<256x4096xf32>
    %jit3A_231 = arith.constant 4096 : i32
    %broadcast_in_dim3A_232 = vector.broadcast %jit3A_231 : i32 to vector<256x4096xi32>
    %select_n3A_233 = arith.select %eq3A_230, %iota3A, %broadcast_in_dim3A_232 : vector<256x4096xi1>, vector<256x4096xi32>
    %reduce_min3A_234 = arith.constant dense<2147483647> : vector<256xi32>
    %reduce_min3A_235 = vector.multi_reduction <minsi>, %select_n3A_233, %reduce_min3A_234 [1] : vector<256x4096xi32> to vector<256xi32>
    %broadcast_in_dim3A_236 = vector.shape_cast %reduce_min3A_235 : vector<256xi32> to vector<256x1xi32>
    %swap3A_237 = arith.constant 0 : index
    %swap3A_238 = arith.constant 11 : index
    %swap3A_239 = vector.load %arg4[%swap3A_237, %swap3A_238] : memref<256x32xi32, #tpu.memory_space<vmem>>, vector<256x1xi32>
    tpu.vector_store %arg4[%swap3A_237, %swap3A_238], %broadcast_in_dim3A_236 {strides = array<i32>} : memref<256x32xi32, #tpu.memory_space<vmem>>, vector<256x1xi32>,
    %eq3A_240 = vector.broadcast %broadcast_in_dim3A_236 : vector<256x1xi32> to vector<256x4096xi32>
    %eq3A_241 = arith.cmpi eq, %iota3A, %eq3A_240 : vector<256x4096xi32>
    %jit3A_242 = arith.constant 0x7F800000 : f32
    %broadcast_in_dim3A_243 = vector.broadcast %jit3A_242 : f32 to vector<256x4096xf32>
    %select_n3A_244 = arith.select %eq3A_241, %broadcast_in_dim3A_243, %select_n3A_225 : vector<256x4096xi1>, vector<256x4096xf32>
    %reduce_min3A_245 = arith.constant dense<0x7F800000> : vector<256xf32>
    %reduce_min3A_246 = vector.multi_reduction <minimumf>, %select_n3A_244, %reduce_min3A_245 [1] : vector<256x4096xf32> to vector<256xf32>
    %broadcast_in_dim3A_247 = vector.shape_cast %reduce_min3A_246 : vector<256xf32> to vector<256x1xf32>
    %eq3A_248 = vector.broadcast %broadcast_in_dim3A_247 : vector<256x1xf32> to vector<256x4096xf32>
    %eq3A_249 = arith.cmpf oeq, %select_n3A_244, %eq3A_248 : vector<256x4096xf32>
    %jit3A_250 = arith.constant 4096 : i32
    %broadcast_in_dim3A_251 = vector.broadcast %jit3A_250 : i32 to vector<256x4096xi32>
    %select_n3A_252 = arith.select %eq3A_249, %iota3A, %broadcast_in_dim3A_251 : vector<256x4096xi1>, vector<256x4096xi32>
    %reduce_min3A_253 = arith.constant dense<2147483647> : vector<256xi32>
    %reduce_min3A_254 = vector.multi_reduction <minsi>, %select_n3A_252, %reduce_min3A_253 [1] : vector<256x4096xi32> to vector<256xi32>
    %broadcast_in_dim3A_255 = vector.shape_cast %reduce_min3A_254 : vector<256xi32> to vector<256x1xi32>
    %swap3A_256 = arith.constant 0 : index
    %swap3A_257 = arith.constant 12 : index
    %swap3A_258 = vector.load %arg4[%swap3A_256, %swap3A_257] : memref<256x32xi32, #tpu.memory_space<vmem>>, vector<256x1xi32>
    tpu.vector_store %arg4[%swap3A_256, %swap3A_257], %broadcast_in_dim3A_255 {strides = array<i32>} : memref<256x32xi32, #tpu.memory_space<vmem>>, vector<256x1xi32>,
    %eq3A_259 = vector.broadcast %broadcast_in_dim3A_255 : vector<256x1xi32> to vector<256x4096xi32>
    %eq3A_260 = arith.cmpi eq, %iota3A, %eq3A_259 : vector<256x4096xi32>
    %jit3A_261 = arith.constant 0x7F800000 : f32
    %broadcast_in_dim3A_262 = vector.broadcast %jit3A_261 : f32 to vector<256x4096xf32>
    %select_n3A_263 = arith.select %eq3A_260, %broadcast_in_dim3A_262, %select_n3A_244 : vector<256x4096xi1>, vector<256x4096xf32>
    %reduce_min3A_264 = arith.constant dense<0x7F800000> : vector<256xf32>
    %reduce_min3A_265 = vector.multi_reduction <minimumf>, %select_n3A_263, %reduce_min3A_264 [1] : vector<256x4096xf32> to vector<256xf32>
    %broadcast_in_dim3A_266 = vector.shape_cast %reduce_min3A_265 : vector<256xf32> to vector<256x1xf32>
    %eq3A_267 = vector.broadcast %broadcast_in_dim3A_266 : vector<256x1xf32> to vector<256x4096xf32>
    %eq3A_268 = arith.cmpf oeq, %select_n3A_263, %eq3A_267 : vector<256x4096xf32>
    %jit3A_269 = arith.constant 4096 : i32
    %broadcast_in_dim3A_270 = vector.broadcast %jit3A_269 : i32 to vector<256x4096xi32>
    %select_n3A_271 = arith.select %eq3A_268, %iota3A, %broadcast_in_dim3A_270 : vector<256x4096xi1>, vector<256x4096xi32>
    %reduce_min3A_272 = arith.constant dense<2147483647> : vector<256xi32>
    %reduce_min3A_273 = vector.multi_reduction <minsi>, %select_n3A_271, %reduce_min3A_272 [1] : vector<256x4096xi32> to vector<256xi32>
    %broadcast_in_dim3A_274 = vector.shape_cast %reduce_min3A_273 : vector<256xi32> to vector<256x1xi32>
    %swap3A_275 = arith.constant 0 : index
    %swap3A_276 = arith.constant 13 : index
    %swap3A_277 = vector.load %arg4[%swap3A_275, %swap3A_276] : memref<256x32xi32, #tpu.memory_space<vmem>>, vector<256x1xi32>
    tpu.vector_store %arg4[%swap3A_275, %swap3A_276], %broadcast_in_dim3A_274 {strides = array<i32>} : memref<256x32xi32, #tpu.memory_space<vmem>>, vector<256x1xi32>,
    %eq3A_278 = vector.broadcast %broadcast_in_dim3A_274 : vector<256x1xi32> to vector<256x4096xi32>
    %eq3A_279 = arith.cmpi eq, %iota3A, %eq3A_278 : vector<256x4096xi32>
    %jit3A_280 = arith.constant 0x7F800000 : f32
    %broadcast_in_dim3A_281 = vector.broadcast %jit3A_280 : f32 to vector<256x4096xf32>
    %select_n3A_282 = arith.select %eq3A_279, %broadcast_in_dim3A_281, %select_n3A_263 : vector<256x4096xi1>, vector<256x4096xf32>
    %reduce_min3A_283 = arith.constant dense<0x7F800000> : vector<256xf32>
    %reduce_min3A_284 = vector.multi_reduction <minimumf>, %select_n3A_282, %reduce_min3A_283 [1] : vector<256x4096xf32> to vector<256xf32>
    %broadcast_in_dim3A_285 = vector.shape_cast %reduce_min3A_284 : vector<256xf32> to vector<256x1xf32>
    %eq3A_286 = vector.broadcast %broadcast_in_dim3A_285 : vector<256x1xf32> to vector<256x4096xf32>
    %eq3A_287 = arith.cmpf oeq, %select_n3A_282, %eq3A_286 : vector<256x4096xf32>
    %jit3A_288 = arith.constant 4096 : i32
    %broadcast_in_dim3A_289 = vector.broadcast %jit3A_288 : i32 to vector<256x4096xi32>
    %select_n3A_290 = arith.select %eq3A_287, %iota3A, %broadcast_in_dim3A_289 : vector<256x4096xi1>, vector<256x4096xi32>
    %reduce_min3A_291 = arith.constant dense<2147483647> : vector<256xi32>
    %reduce_min3A_292 = vector.multi_reduction <minsi>, %select_n3A_290, %reduce_min3A_291 [1] : vector<256x4096xi32> to vector<256xi32>
    %broadcast_in_dim3A_293 = vector.shape_cast %reduce_min3A_292 : vector<256xi32> to vector<256x1xi32>
    %swap3A_294 = arith.constant 0 : index
    %swap3A_295 = arith.constant 14 : index
    %swap3A_296 = vector.load %arg4[%swap3A_294, %swap3A_295] : memref<256x32xi32, #tpu.memory_space<vmem>>, vector<256x1xi32>
    tpu.vector_store %arg4[%swap3A_294, %swap3A_295], %broadcast_in_dim3A_293 {strides = array<i32>} : memref<256x32xi32, #tpu.memory_space<vmem>>, vector<256x1xi32>,
    %eq3A_297 = vector.broadcast %broadcast_in_dim3A_293 : vector<256x1xi32> to vector<256x4096xi32>
    %eq3A_298 = arith.cmpi eq, %iota3A, %eq3A_297 : vector<256x4096xi32>
    %jit3A_299 = arith.constant 0x7F800000 : f32
    %broadcast_in_dim3A_300 = vector.broadcast %jit3A_299 : f32 to vector<256x4096xf32>
    %select_n3A_301 = arith.select %eq3A_298, %broadcast_in_dim3A_300, %select_n3A_282 : vector<256x4096xi1>, vector<256x4096xf32>
    %reduce_min3A_302 = arith.constant dense<0x7F800000> : vector<256xf32>
    %reduce_min3A_303 = vector.multi_reduction <minimumf>, %select_n3A_301, %reduce_min3A_302 [1] : vector<256x4096xf32> to vector<256xf32>
    %broadcast_in_dim3A_304 = vector.shape_cast %reduce_min3A_303 : vector<256xf32> to vector<256x1xf32>
    %eq3A_305 = vector.broadcast %broadcast_in_dim3A_304 : vector<256x1xf32> to vector<256x4096xf32>
    %eq3A_306 = arith.cmpf oeq, %select_n3A_301, %eq3A_305 : vector<256x4096xf32>
    %jit3A_307 = arith.constant 4096 : i32
    %broadcast_in_dim3A_308 = vector.broadcast %jit3A_307 : i32 to vector<256x4096xi32>
    %select_n3A_309 = arith.select %eq3A_306, %iota3A, %broadcast_in_dim3A_308 : vector<256x4096xi1>, vector<256x4096xi32>
    %reduce_min3A_310 = arith.constant dense<2147483647> : vector<256xi32>
    %reduce_min3A_311 = vector.multi_reduction <minsi>, %select_n3A_309, %reduce_min3A_310 [1] : vector<256x4096xi32> to vector<256xi32>
    %broadcast_in_dim3A_312 = vector.shape_cast %reduce_min3A_311 : vector<256xi32> to vector<256x1xi32>
    %swap3A_313 = arith.constant 0 : index
    %swap3A_314 = arith.constant 15 : index
    %swap3A_315 = vector.load %arg4[%swap3A_313, %swap3A_314] : memref<256x32xi32, #tpu.memory_space<vmem>>, vector<256x1xi32>
    tpu.vector_store %arg4[%swap3A_313, %swap3A_314], %broadcast_in_dim3A_312 {strides = array<i32>} : memref<256x32xi32, #tpu.memory_space<vmem>>, vector<256x1xi32>,
    %eq3A_316 = vector.broadcast %broadcast_in_dim3A_312 : vector<256x1xi32> to vector<256x4096xi32>
    %eq3A_317 = arith.cmpi eq, %iota3A, %eq3A_316 : vector<256x4096xi32>
    %jit3A_318 = arith.constant 0x7F800000 : f32
    %broadcast_in_dim3A_319 = vector.broadcast %jit3A_318 : f32 to vector<256x4096xf32>
    %select_n3A_320 = arith.select %eq3A_317, %broadcast_in_dim3A_319, %select_n3A_301 : vector<256x4096xi1>, vector<256x4096xf32>
    %reduce_min3A_321 = arith.constant dense<0x7F800000> : vector<256xf32>
    %reduce_min3A_322 = vector.multi_reduction <minimumf>, %select_n3A_320, %reduce_min3A_321 [1] : vector<256x4096xf32> to vector<256xf32>
    %broadcast_in_dim3A_323 = vector.shape_cast %reduce_min3A_322 : vector<256xf32> to vector<256x1xf32>
    %eq3A_324 = vector.broadcast %broadcast_in_dim3A_323 : vector<256x1xf32> to vector<256x4096xf32>
    %eq3A_325 = arith.cmpf oeq, %select_n3A_320, %eq3A_324 : vector<256x4096xf32>
    %jit3A_326 = arith.constant 4096 : i32
    %broadcast_in_dim3A_327 = vector.broadcast %jit3A_326 : i32 to vector<256x4096xi32>
    %select_n3A_328 = arith.select %eq3A_325, %iota3A, %broadcast_in_dim3A_327 : vector<256x4096xi1>, vector<256x4096xi32>
    %reduce_min3A_329 = arith.constant dense<2147483647> : vector<256xi32>
    %reduce_min3A_330 = vector.multi_reduction <minsi>, %select_n3A_328, %reduce_min3A_329 [1] : vector<256x4096xi32> to vector<256xi32>
    %broadcast_in_dim3A_331 = vector.shape_cast %reduce_min3A_330 : vector<256xi32> to vector<256x1xi32>
    %swap3A_332 = arith.constant 0 : index
    %swap3A_333 = arith.constant 16 : index
    %swap3A_334 = vector.load %arg4[%swap3A_332, %swap3A_333] : memref<256x32xi32, #tpu.memory_space<vmem>>, vector<256x1xi32>
    tpu.vector_store %arg4[%swap3A_332, %swap3A_333], %broadcast_in_dim3A_331 {strides = array<i32>} : memref<256x32xi32, #tpu.memory_space<vmem>>, vector<256x1xi32>,
    %eq3A_335 = vector.broadcast %broadcast_in_dim3A_331 : vector<256x1xi32> to vector<256x4096xi32>
    %eq3A_336 = arith.cmpi eq, %iota3A, %eq3A_335 : vector<256x4096xi32>
    %jit3A_337 = arith.constant 0x7F800000 : f32
    %broadcast_in_dim3A_338 = vector.broadcast %jit3A_337 : f32 to vector<256x4096xf32>
    %select_n3A_339 = arith.select %eq3A_336, %broadcast_in_dim3A_338, %select_n3A_320 : vector<256x4096xi1>, vector<256x4096xf32>
    %reduce_min3A_340 = arith.constant dense<0x7F800000> : vector<256xf32>
    %reduce_min3A_341 = vector.multi_reduction <minimumf>, %select_n3A_339, %reduce_min3A_340 [1] : vector<256x4096xf32> to vector<256xf32>
    %broadcast_in_dim3A_342 = vector.shape_cast %reduce_min3A_341 : vector<256xf32> to vector<256x1xf32>
    %eq3A_343 = vector.broadcast %broadcast_in_dim3A_342 : vector<256x1xf32> to vector<256x4096xf32>
    %eq3A_344 = arith.cmpf oeq, %select_n3A_339, %eq3A_343 : vector<256x4096xf32>
    %jit3A_345 = arith.constant 4096 : i32
    %broadcast_in_dim3A_346 = vector.broadcast %jit3A_345 : i32 to vector<256x4096xi32>
    %select_n3A_347 = arith.select %eq3A_344, %iota3A, %broadcast_in_dim3A_346 : vector<256x4096xi1>, vector<256x4096xi32>
    %reduce_min3A_348 = arith.constant dense<2147483647> : vector<256xi32>
    %reduce_min3A_349 = vector.multi_reduction <minsi>, %select_n3A_347, %reduce_min3A_348 [1] : vector<256x4096xi32> to vector<256xi32>
    %broadcast_in_dim3A_350 = vector.shape_cast %reduce_min3A_349 : vector<256xi32> to vector<256x1xi32>
    %swap3A_351 = arith.constant 0 : index
    %swap3A_352 = arith.constant 17 : index
    %swap3A_353 = vector.load %arg4[%swap3A_351, %swap3A_352] : memref<256x32xi32, #tpu.memory_space<vmem>>, vector<256x1xi32>
    tpu.vector_store %arg4[%swap3A_351, %swap3A_352], %broadcast_in_dim3A_350 {strides = array<i32>} : memref<256x32xi32, #tpu.memory_space<vmem>>, vector<256x1xi32>,
    %eq3A_354 = vector.broadcast %broadcast_in_dim3A_350 : vector<256x1xi32> to vector<256x4096xi32>
    %eq3A_355 = arith.cmpi eq, %iota3A, %eq3A_354 : vector<256x4096xi32>
    %jit3A_356 = arith.constant 0x7F800000 : f32
    %broadcast_in_dim3A_357 = vector.broadcast %jit3A_356 : f32 to vector<256x4096xf32>
    %select_n3A_358 = arith.select %eq3A_355, %broadcast_in_dim3A_357, %select_n3A_339 : vector<256x4096xi1>, vector<256x4096xf32>
    %reduce_min3A_359 = arith.constant dense<0x7F800000> : vector<256xf32>
    %reduce_min3A_360 = vector.multi_reduction <minimumf>, %select_n3A_358, %reduce_min3A_359 [1] : vector<256x4096xf32> to vector<256xf32>
    %broadcast_in_dim3A_361 = vector.shape_cast %reduce_min3A_360 : vector<256xf32> to vector<256x1xf32>
    %eq3A_362 = vector.broadcast %broadcast_in_dim3A_361 : vector<256x1xf32> to vector<256x4096xf32>
    %eq3A_363 = arith.cmpf oeq, %select_n3A_358, %eq3A_362 : vector<256x4096xf32>
    %jit3A_364 = arith.constant 4096 : i32
    %broadcast_in_dim3A_365 = vector.broadcast %jit3A_364 : i32 to vector<256x4096xi32>
    %select_n3A_366 = arith.select %eq3A_363, %iota3A, %broadcast_in_dim3A_365 : vector<256x4096xi1>, vector<256x4096xi32>
    %reduce_min3A_367 = arith.constant dense<2147483647> : vector<256xi32>
    %reduce_min3A_368 = vector.multi_reduction <minsi>, %select_n3A_366, %reduce_min3A_367 [1] : vector<256x4096xi32> to vector<256xi32>
    %broadcast_in_dim3A_369 = vector.shape_cast %reduce_min3A_368 : vector<256xi32> to vector<256x1xi32>
    %swap3A_370 = arith.constant 0 : index
    %swap3A_371 = arith.constant 18 : index
    %swap3A_372 = vector.load %arg4[%swap3A_370, %swap3A_371] : memref<256x32xi32, #tpu.memory_space<vmem>>, vector<256x1xi32>
    tpu.vector_store %arg4[%swap3A_370, %swap3A_371], %broadcast_in_dim3A_369 {strides = array<i32>} : memref<256x32xi32, #tpu.memory_space<vmem>>, vector<256x1xi32>,
    %eq3A_373 = vector.broadcast %broadcast_in_dim3A_369 : vector<256x1xi32> to vector<256x4096xi32>
    %eq3A_374 = arith.cmpi eq, %iota3A, %eq3A_373 : vector<256x4096xi32>
    %jit3A_375 = arith.constant 0x7F800000 : f32
    %broadcast_in_dim3A_376 = vector.broadcast %jit3A_375 : f32 to vector<256x4096xf32>
    %select_n3A_377 = arith.select %eq3A_374, %broadcast_in_dim3A_376, %select_n3A_358 : vector<256x4096xi1>, vector<256x4096xf32>
    %reduce_min3A_378 = arith.constant dense<0x7F800000> : vector<256xf32>
    %reduce_min3A_379 = vector.multi_reduction <minimumf>, %select_n3A_377, %reduce_min3A_378 [1] : vector<256x4096xf32> to vector<256xf32>
    %broadcast_in_dim3A_380 = vector.shape_cast %reduce_min3A_379 : vector<256xf32> to vector<256x1xf32>
    %eq3A_381 = vector.broadcast %broadcast_in_dim3A_380 : vector<256x1xf32> to vector<256x4096xf32>
    %eq3A_382 = arith.cmpf oeq, %select_n3A_377, %eq3A_381 : vector<256x4096xf32>
    %jit3A_383 = arith.constant 4096 : i32
    %broadcast_in_dim3A_384 = vector.broadcast %jit3A_383 : i32 to vector<256x4096xi32>
    %select_n3A_385 = arith.select %eq3A_382, %iota3A, %broadcast_in_dim3A_384 : vector<256x4096xi1>, vector<256x4096xi32>
    %reduce_min3A_386 = arith.constant dense<2147483647> : vector<256xi32>
    %reduce_min3A_387 = vector.multi_reduction <minsi>, %select_n3A_385, %reduce_min3A_386 [1] : vector<256x4096xi32> to vector<256xi32>
    %broadcast_in_dim3A_388 = vector.shape_cast %reduce_min3A_387 : vector<256xi32> to vector<256x1xi32>
    %swap3A_389 = arith.constant 0 : index
    %swap3A_390 = arith.constant 19 : index
    %swap3A_391 = vector.load %arg4[%swap3A_389, %swap3A_390] : memref<256x32xi32, #tpu.memory_space<vmem>>, vector<256x1xi32>
    tpu.vector_store %arg4[%swap3A_389, %swap3A_390], %broadcast_in_dim3A_388 {strides = array<i32>} : memref<256x32xi32, #tpu.memory_space<vmem>>, vector<256x1xi32>,
    %eq3A_392 = vector.broadcast %broadcast_in_dim3A_388 : vector<256x1xi32> to vector<256x4096xi32>
    %eq3A_393 = arith.cmpi eq, %iota3A, %eq3A_392 : vector<256x4096xi32>
    %jit3A_394 = arith.constant 0x7F800000 : f32
    %broadcast_in_dim3A_395 = vector.broadcast %jit3A_394 : f32 to vector<256x4096xf32>
    %select_n3A_396 = arith.select %eq3A_393, %broadcast_in_dim3A_395, %select_n3A_377 : vector<256x4096xi1>, vector<256x4096xf32>
    %reduce_min3A_397 = arith.constant dense<0x7F800000> : vector<256xf32>
    %reduce_min3A_398 = vector.multi_reduction <minimumf>, %select_n3A_396, %reduce_min3A_397 [1] : vector<256x4096xf32> to vector<256xf32>
    %broadcast_in_dim3A_399 = vector.shape_cast %reduce_min3A_398 : vector<256xf32> to vector<256x1xf32>
    %eq3A_400 = vector.broadcast %broadcast_in_dim3A_399 : vector<256x1xf32> to vector<256x4096xf32>
    %eq3A_401 = arith.cmpf oeq, %select_n3A_396, %eq3A_400 : vector<256x4096xf32>
    %jit3A_402 = arith.constant 4096 : i32
    %broadcast_in_dim3A_403 = vector.broadcast %jit3A_402 : i32 to vector<256x4096xi32>
    %select_n3A_404 = arith.select %eq3A_401, %iota3A, %broadcast_in_dim3A_403 : vector<256x4096xi1>, vector<256x4096xi32>
    %reduce_min3A_405 = arith.constant dense<2147483647> : vector<256xi32>
    %reduce_min3A_406 = vector.multi_reduction <minsi>, %select_n3A_404, %reduce_min3A_405 [1] : vector<256x4096xi32> to vector<256xi32>
    %broadcast_in_dim3A_407 = vector.shape_cast %reduce_min3A_406 : vector<256xi32> to vector<256x1xi32>
    %swap3A_408 = arith.constant 0 : index
    %swap3A_409 = arith.constant 20 : index
    %swap3A_410 = vector.load %arg4[%swap3A_408, %swap3A_409] : memref<256x32xi32, #tpu.memory_space<vmem>>, vector<256x1xi32>
    tpu.vector_store %arg4[%swap3A_408, %swap3A_409], %broadcast_in_dim3A_407 {strides = array<i32>} : memref<256x32xi32, #tpu.memory_space<vmem>>, vector<256x1xi32>,
    %eq3A_411 = vector.broadcast %broadcast_in_dim3A_407 : vector<256x1xi32> to vector<256x4096xi32>
    %eq3A_412 = arith.cmpi eq, %iota3A, %eq3A_411 : vector<256x4096xi32>
    %jit3A_413 = arith.constant 0x7F800000 : f32
    %broadcast_in_dim3A_414 = vector.broadcast %jit3A_413 : f32 to vector<256x4096xf32>
    %select_n3A_415 = arith.select %eq3A_412, %broadcast_in_dim3A_414, %select_n3A_396 : vector<256x4096xi1>, vector<256x4096xf32>
    %reduce_min3A_416 = arith.constant dense<0x7F800000> : vector<256xf32>
    %reduce_min3A_417 = vector.multi_reduction <minimumf>, %select_n3A_415, %reduce_min3A_416 [1] : vector<256x4096xf32> to vector<256xf32>
    %broadcast_in_dim3A_418 = vector.shape_cast %reduce_min3A_417 : vector<256xf32> to vector<256x1xf32>
    %eq3A_419 = vector.broadcast %broadcast_in_dim3A_418 : vector<256x1xf32> to vector<256x4096xf32>
    %eq3A_420 = arith.cmpf oeq, %select_n3A_415, %eq3A_419 : vector<256x4096xf32>
    %jit3A_421 = arith.constant 4096 : i32
    %broadcast_in_dim3A_422 = vector.broadcast %jit3A_421 : i32 to vector<256x4096xi32>
    %select_n3A_423 = arith.select %eq3A_420, %iota3A, %broadcast_in_dim3A_422 : vector<256x4096xi1>, vector<256x4096xi32>
    %reduce_min3A_424 = arith.constant dense<2147483647> : vector<256xi32>
    %reduce_min3A_425 = vector.multi_reduction <minsi>, %select_n3A_423, %reduce_min3A_424 [1] : vector<256x4096xi32> to vector<256xi32>
    %broadcast_in_dim3A_426 = vector.shape_cast %reduce_min3A_425 : vector<256xi32> to vector<256x1xi32>
    %swap3A_427 = arith.constant 0 : index
    %swap3A_428 = arith.constant 21 : index
    %swap3A_429 = vector.load %arg4[%swap3A_427, %swap3A_428] : memref<256x32xi32, #tpu.memory_space<vmem>>, vector<256x1xi32>
    tpu.vector_store %arg4[%swap3A_427, %swap3A_428], %broadcast_in_dim3A_426 {strides = array<i32>} : memref<256x32xi32, #tpu.memory_space<vmem>>, vector<256x1xi32>,
    %eq3A_430 = vector.broadcast %broadcast_in_dim3A_426 : vector<256x1xi32> to vector<256x4096xi32>
    %eq3A_431 = arith.cmpi eq, %iota3A, %eq3A_430 : vector<256x4096xi32>
    %jit3A_432 = arith.constant 0x7F800000 : f32
    %broadcast_in_dim3A_433 = vector.broadcast %jit3A_432 : f32 to vector<256x4096xf32>
    %select_n3A_434 = arith.select %eq3A_431, %broadcast_in_dim3A_433, %select_n3A_415 : vector<256x4096xi1>, vector<256x4096xf32>
    %reduce_min3A_435 = arith.constant dense<0x7F800000> : vector<256xf32>
    %reduce_min3A_436 = vector.multi_reduction <minimumf>, %select_n3A_434, %reduce_min3A_435 [1] : vector<256x4096xf32> to vector<256xf32>
    %broadcast_in_dim3A_437 = vector.shape_cast %reduce_min3A_436 : vector<256xf32> to vector<256x1xf32>
    %eq3A_438 = vector.broadcast %broadcast_in_dim3A_437 : vector<256x1xf32> to vector<256x4096xf32>
    %eq3A_439 = arith.cmpf oeq, %select_n3A_434, %eq3A_438 : vector<256x4096xf32>
    %jit3A_440 = arith.constant 4096 : i32
    %broadcast_in_dim3A_441 = vector.broadcast %jit3A_440 : i32 to vector<256x4096xi32>
    %select_n3A_442 = arith.select %eq3A_439, %iota3A, %broadcast_in_dim3A_441 : vector<256x4096xi1>, vector<256x4096xi32>
    %reduce_min3A_443 = arith.constant dense<2147483647> : vector<256xi32>
    %reduce_min3A_444 = vector.multi_reduction <minsi>, %select_n3A_442, %reduce_min3A_443 [1] : vector<256x4096xi32> to vector<256xi32>
    %broadcast_in_dim3A_445 = vector.shape_cast %reduce_min3A_444 : vector<256xi32> to vector<256x1xi32>
    %swap3A_446 = arith.constant 0 : index
    %swap3A_447 = arith.constant 22 : index
    %swap3A_448 = vector.load %arg4[%swap3A_446, %swap3A_447] : memref<256x32xi32, #tpu.memory_space<vmem>>, vector<256x1xi32>
    tpu.vector_store %arg4[%swap3A_446, %swap3A_447], %broadcast_in_dim3A_445 {strides = array<i32>} : memref<256x32xi32, #tpu.memory_space<vmem>>, vector<256x1xi32>,
    %eq3A_449 = vector.broadcast %broadcast_in_dim3A_445 : vector<256x1xi32> to vector<256x4096xi32>
    %eq3A_450 = arith.cmpi eq, %iota3A, %eq3A_449 : vector<256x4096xi32>
    %jit3A_451 = arith.constant 0x7F800000 : f32
    %broadcast_in_dim3A_452 = vector.broadcast %jit3A_451 : f32 to vector<256x4096xf32>
    %select_n3A_453 = arith.select %eq3A_450, %broadcast_in_dim3A_452, %select_n3A_434 : vector<256x4096xi1>, vector<256x4096xf32>
    %reduce_min3A_454 = arith.constant dense<0x7F800000> : vector<256xf32>
    %reduce_min3A_455 = vector.multi_reduction <minimumf>, %select_n3A_453, %reduce_min3A_454 [1] : vector<256x4096xf32> to vector<256xf32>
    %broadcast_in_dim3A_456 = vector.shape_cast %reduce_min3A_455 : vector<256xf32> to vector<256x1xf32>
    %eq3A_457 = vector.broadcast %broadcast_in_dim3A_456 : vector<256x1xf32> to vector<256x4096xf32>
    %eq3A_458 = arith.cmpf oeq, %select_n3A_453, %eq3A_457 : vector<256x4096xf32>
    %jit3A_459 = arith.constant 4096 : i32
    %broadcast_in_dim3A_460 = vector.broadcast %jit3A_459 : i32 to vector<256x4096xi32>
    %select_n3A_461 = arith.select %eq3A_458, %iota3A, %broadcast_in_dim3A_460 : vector<256x4096xi1>, vector<256x4096xi32>
    %reduce_min3A_462 = arith.constant dense<2147483647> : vector<256xi32>
    %reduce_min3A_463 = vector.multi_reduction <minsi>, %select_n3A_461, %reduce_min3A_462 [1] : vector<256x4096xi32> to vector<256xi32>
    %broadcast_in_dim3A_464 = vector.shape_cast %reduce_min3A_463 : vector<256xi32> to vector<256x1xi32>
    %swap3A_465 = arith.constant 0 : index
    %swap3A_466 = arith.constant 23 : index
    %swap3A_467 = vector.load %arg4[%swap3A_465, %swap3A_466] : memref<256x32xi32, #tpu.memory_space<vmem>>, vector<256x1xi32>
    tpu.vector_store %arg4[%swap3A_465, %swap3A_466], %broadcast_in_dim3A_464 {strides = array<i32>} : memref<256x32xi32, #tpu.memory_space<vmem>>, vector<256x1xi32>,
    %eq3A_468 = vector.broadcast %broadcast_in_dim3A_464 : vector<256x1xi32> to vector<256x4096xi32>
    %eq3A_469 = arith.cmpi eq, %iota3A, %eq3A_468 : vector<256x4096xi32>
    %jit3A_470 = arith.constant 0x7F800000 : f32
    %broadcast_in_dim3A_471 = vector.broadcast %jit3A_470 : f32 to vector<256x4096xf32>
    %select_n3A_472 = arith.select %eq3A_469, %broadcast_in_dim3A_471, %select_n3A_453 : vector<256x4096xi1>, vector<256x4096xf32>
    %reduce_min3A_473 = arith.constant dense<0x7F800000> : vector<256xf32>
    %reduce_min3A_474 = vector.multi_reduction <minimumf>, %select_n3A_472, %reduce_min3A_473 [1] : vector<256x4096xf32> to vector<256xf32>
    %broadcast_in_dim3A_475 = vector.shape_cast %reduce_min3A_474 : vector<256xf32> to vector<256x1xf32>
    %eq3A_476 = vector.broadcast %broadcast_in_dim3A_475 : vector<256x1xf32> to vector<256x4096xf32>
    %eq3A_477 = arith.cmpf oeq, %select_n3A_472, %eq3A_476 : vector<256x4096xf32>
    %jit3A_478 = arith.constant 4096 : i32
    %broadcast_in_dim3A_479 = vector.broadcast %jit3A_478 : i32 to vector<256x4096xi32>
    %select_n3A_480 = arith.select %eq3A_477, %iota3A, %broadcast_in_dim3A_479 : vector<256x4096xi1>, vector<256x4096xi32>
    %reduce_min3A_481 = arith.constant dense<2147483647> : vector<256xi32>
    %reduce_min3A_482 = vector.multi_reduction <minsi>, %select_n3A_480, %reduce_min3A_481 [1] : vector<256x4096xi32> to vector<256xi32>
    %broadcast_in_dim3A_483 = vector.shape_cast %reduce_min3A_482 : vector<256xi32> to vector<256x1xi32>
    %swap3A_484 = arith.constant 0 : index
    %swap3A_485 = arith.constant 24 : index
    %swap3A_486 = vector.load %arg4[%swap3A_484, %swap3A_485] : memref<256x32xi32, #tpu.memory_space<vmem>>, vector<256x1xi32>
    tpu.vector_store %arg4[%swap3A_484, %swap3A_485], %broadcast_in_dim3A_483 {strides = array<i32>} : memref<256x32xi32, #tpu.memory_space<vmem>>, vector<256x1xi32>,
    %eq3A_487 = vector.broadcast %broadcast_in_dim3A_483 : vector<256x1xi32> to vector<256x4096xi32>
    %eq3A_488 = arith.cmpi eq, %iota3A, %eq3A_487 : vector<256x4096xi32>
    %jit3A_489 = arith.constant 0x7F800000 : f32
    %broadcast_in_dim3A_490 = vector.broadcast %jit3A_489 : f32 to vector<256x4096xf32>
    %select_n3A_491 = arith.select %eq3A_488, %broadcast_in_dim3A_490, %select_n3A_472 : vector<256x4096xi1>, vector<256x4096xf32>
    %reduce_min3A_492 = arith.constant dense<0x7F800000> : vector<256xf32>
    %reduce_min3A_493 = vector.multi_reduction <minimumf>, %select_n3A_491, %reduce_min3A_492 [1] : vector<256x4096xf32> to vector<256xf32>
    %broadcast_in_dim3A_494 = vector.shape_cast %reduce_min3A_493 : vector<256xf32> to vector<256x1xf32>
    %eq3A_495 = vector.broadcast %broadcast_in_dim3A_494 : vector<256x1xf32> to vector<256x4096xf32>
    %eq3A_496 = arith.cmpf oeq, %select_n3A_491, %eq3A_495 : vector<256x4096xf32>
    %jit3A_497 = arith.constant 4096 : i32
    %broadcast_in_dim3A_498 = vector.broadcast %jit3A_497 : i32 to vector<256x4096xi32>
    %select_n3A_499 = arith.select %eq3A_496, %iota3A, %broadcast_in_dim3A_498 : vector<256x4096xi1>, vector<256x4096xi32>
    %reduce_min3A_500 = arith.constant dense<2147483647> : vector<256xi32>
    %reduce_min3A_501 = vector.multi_reduction <minsi>, %select_n3A_499, %reduce_min3A_500 [1] : vector<256x4096xi32> to vector<256xi32>
    %broadcast_in_dim3A_502 = vector.shape_cast %reduce_min3A_501 : vector<256xi32> to vector<256x1xi32>
    %swap3A_503 = arith.constant 0 : index
    %swap3A_504 = arith.constant 25 : index
    %swap3A_505 = vector.load %arg4[%swap3A_503, %swap3A_504] : memref<256x32xi32, #tpu.memory_space<vmem>>, vector<256x1xi32>
    tpu.vector_store %arg4[%swap3A_503, %swap3A_504], %broadcast_in_dim3A_502 {strides = array<i32>} : memref<256x32xi32, #tpu.memory_space<vmem>>, vector<256x1xi32>,
    %eq3A_506 = vector.broadcast %broadcast_in_dim3A_502 : vector<256x1xi32> to vector<256x4096xi32>
    %eq3A_507 = arith.cmpi eq, %iota3A, %eq3A_506 : vector<256x4096xi32>
    %jit3A_508 = arith.constant 0x7F800000 : f32
    %broadcast_in_dim3A_509 = vector.broadcast %jit3A_508 : f32 to vector<256x4096xf32>
    %select_n3A_510 = arith.select %eq3A_507, %broadcast_in_dim3A_509, %select_n3A_491 : vector<256x4096xi1>, vector<256x4096xf32>
    %reduce_min3A_511 = arith.constant dense<0x7F800000> : vector<256xf32>
    %reduce_min3A_512 = vector.multi_reduction <minimumf>, %select_n3A_510, %reduce_min3A_511 [1] : vector<256x4096xf32> to vector<256xf32>
    %broadcast_in_dim3A_513 = vector.shape_cast %reduce_min3A_512 : vector<256xf32> to vector<256x1xf32>
    %eq3A_514 = vector.broadcast %broadcast_in_dim3A_513 : vector<256x1xf32> to vector<256x4096xf32>
    %eq3A_515 = arith.cmpf oeq, %select_n3A_510, %eq3A_514 : vector<256x4096xf32>
    %jit3A_516 = arith.constant 4096 : i32
    %broadcast_in_dim3A_517 = vector.broadcast %jit3A_516 : i32 to vector<256x4096xi32>
    %select_n3A_518 = arith.select %eq3A_515, %iota3A, %broadcast_in_dim3A_517 : vector<256x4096xi1>, vector<256x4096xi32>
    %reduce_min3A_519 = arith.constant dense<2147483647> : vector<256xi32>
    %reduce_min3A_520 = vector.multi_reduction <minsi>, %select_n3A_518, %reduce_min3A_519 [1] : vector<256x4096xi32> to vector<256xi32>
    %broadcast_in_dim3A_521 = vector.shape_cast %reduce_min3A_520 : vector<256xi32> to vector<256x1xi32>
    %swap3A_522 = arith.constant 0 : index
    %swap3A_523 = arith.constant 26 : index
    %swap3A_524 = vector.load %arg4[%swap3A_522, %swap3A_523] : memref<256x32xi32, #tpu.memory_space<vmem>>, vector<256x1xi32>
    tpu.vector_store %arg4[%swap3A_522, %swap3A_523], %broadcast_in_dim3A_521 {strides = array<i32>} : memref<256x32xi32, #tpu.memory_space<vmem>>, vector<256x1xi32>,
    %eq3A_525 = vector.broadcast %broadcast_in_dim3A_521 : vector<256x1xi32> to vector<256x4096xi32>
    %eq3A_526 = arith.cmpi eq, %iota3A, %eq3A_525 : vector<256x4096xi32>
    %jit3A_527 = arith.constant 0x7F800000 : f32
    %broadcast_in_dim3A_528 = vector.broadcast %jit3A_527 : f32 to vector<256x4096xf32>
    %select_n3A_529 = arith.select %eq3A_526, %broadcast_in_dim3A_528, %select_n3A_510 : vector<256x4096xi1>, vector<256x4096xf32>
    %reduce_min3A_530 = arith.constant dense<0x7F800000> : vector<256xf32>
    %reduce_min3A_531 = vector.multi_reduction <minimumf>, %select_n3A_529, %reduce_min3A_530 [1] : vector<256x4096xf32> to vector<256xf32>
    %broadcast_in_dim3A_532 = vector.shape_cast %reduce_min3A_531 : vector<256xf32> to vector<256x1xf32>
    %eq3A_533 = vector.broadcast %broadcast_in_dim3A_532 : vector<256x1xf32> to vector<256x4096xf32>
    %eq3A_534 = arith.cmpf oeq, %select_n3A_529, %eq3A_533 : vector<256x4096xf32>
    %jit3A_535 = arith.constant 4096 : i32
    %broadcast_in_dim3A_536 = vector.broadcast %jit3A_535 : i32 to vector<256x4096xi32>
    %select_n3A_537 = arith.select %eq3A_534, %iota3A, %broadcast_in_dim3A_536 : vector<256x4096xi1>, vector<256x4096xi32>
    %reduce_min3A_538 = arith.constant dense<2147483647> : vector<256xi32>
    %reduce_min3A_539 = vector.multi_reduction <minsi>, %select_n3A_537, %reduce_min3A_538 [1] : vector<256x4096xi32> to vector<256xi32>
    %broadcast_in_dim3A_540 = vector.shape_cast %reduce_min3A_539 : vector<256xi32> to vector<256x1xi32>
    %swap3A_541 = arith.constant 0 : index
    %swap3A_542 = arith.constant 27 : index
    %swap3A_543 = vector.load %arg4[%swap3A_541, %swap3A_542] : memref<256x32xi32, #tpu.memory_space<vmem>>, vector<256x1xi32>
    tpu.vector_store %arg4[%swap3A_541, %swap3A_542], %broadcast_in_dim3A_540 {strides = array<i32>} : memref<256x32xi32, #tpu.memory_space<vmem>>, vector<256x1xi32>,
    %eq3A_544 = vector.broadcast %broadcast_in_dim3A_540 : vector<256x1xi32> to vector<256x4096xi32>
    %eq3A_545 = arith.cmpi eq, %iota3A, %eq3A_544 : vector<256x4096xi32>
    %jit3A_546 = arith.constant 0x7F800000 : f32
    %broadcast_in_dim3A_547 = vector.broadcast %jit3A_546 : f32 to vector<256x4096xf32>
    %select_n3A_548 = arith.select %eq3A_545, %broadcast_in_dim3A_547, %select_n3A_529 : vector<256x4096xi1>, vector<256x4096xf32>
    %reduce_min3A_549 = arith.constant dense<0x7F800000> : vector<256xf32>
    %reduce_min3A_550 = vector.multi_reduction <minimumf>, %select_n3A_548, %reduce_min3A_549 [1] : vector<256x4096xf32> to vector<256xf32>
    %broadcast_in_dim3A_551 = vector.shape_cast %reduce_min3A_550 : vector<256xf32> to vector<256x1xf32>
    %eq3A_552 = vector.broadcast %broadcast_in_dim3A_551 : vector<256x1xf32> to vector<256x4096xf32>
    %eq3A_553 = arith.cmpf oeq, %select_n3A_548, %eq3A_552 : vector<256x4096xf32>
    %jit3A_554 = arith.constant 4096 : i32
    %broadcast_in_dim3A_555 = vector.broadcast %jit3A_554 : i32 to vector<256x4096xi32>
    %select_n3A_556 = arith.select %eq3A_553, %iota3A, %broadcast_in_dim3A_555 : vector<256x4096xi1>, vector<256x4096xi32>
    %reduce_min3A_557 = arith.constant dense<2147483647> : vector<256xi32>
    %reduce_min3A_558 = vector.multi_reduction <minsi>, %select_n3A_556, %reduce_min3A_557 [1] : vector<256x4096xi32> to vector<256xi32>
    %broadcast_in_dim3A_559 = vector.shape_cast %reduce_min3A_558 : vector<256xi32> to vector<256x1xi32>
    %swap3A_560 = arith.constant 0 : index
    %swap3A_561 = arith.constant 28 : index
    %swap3A_562 = vector.load %arg4[%swap3A_560, %swap3A_561] : memref<256x32xi32, #tpu.memory_space<vmem>>, vector<256x1xi32>
    tpu.vector_store %arg4[%swap3A_560, %swap3A_561], %broadcast_in_dim3A_559 {strides = array<i32>} : memref<256x32xi32, #tpu.memory_space<vmem>>, vector<256x1xi32>,
    %eq3A_563 = vector.broadcast %broadcast_in_dim3A_559 : vector<256x1xi32> to vector<256x4096xi32>
    %eq3A_564 = arith.cmpi eq, %iota3A, %eq3A_563 : vector<256x4096xi32>
    %jit3A_565 = arith.constant 0x7F800000 : f32
    %broadcast_in_dim3A_566 = vector.broadcast %jit3A_565 : f32 to vector<256x4096xf32>
    %select_n3A_567 = arith.select %eq3A_564, %broadcast_in_dim3A_566, %select_n3A_548 : vector<256x4096xi1>, vector<256x4096xf32>
    %reduce_min3A_568 = arith.constant dense<0x7F800000> : vector<256xf32>
    %reduce_min3A_569 = vector.multi_reduction <minimumf>, %select_n3A_567, %reduce_min3A_568 [1] : vector<256x4096xf32> to vector<256xf32>
    %broadcast_in_dim3A_570 = vector.shape_cast %reduce_min3A_569 : vector<256xf32> to vector<256x1xf32>
    %eq3A_571 = vector.broadcast %broadcast_in_dim3A_570 : vector<256x1xf32> to vector<256x4096xf32>
    %eq3A_572 = arith.cmpf oeq, %select_n3A_567, %eq3A_571 : vector<256x4096xf32>
    %jit3A_573 = arith.constant 4096 : i32
    %broadcast_in_dim3A_574 = vector.broadcast %jit3A_573 : i32 to vector<256x4096xi32>
    %select_n3A_575 = arith.select %eq3A_572, %iota3A, %broadcast_in_dim3A_574 : vector<256x4096xi1>, vector<256x4096xi32>
    %reduce_min3A_576 = arith.constant dense<2147483647> : vector<256xi32>
    %reduce_min3A_577 = vector.multi_reduction <minsi>, %select_n3A_575, %reduce_min3A_576 [1] : vector<256x4096xi32> to vector<256xi32>
    %broadcast_in_dim3A_578 = vector.shape_cast %reduce_min3A_577 : vector<256xi32> to vector<256x1xi32>
    %swap3A_579 = arith.constant 0 : index
    %swap3A_580 = arith.constant 29 : index
    %swap3A_581 = vector.load %arg4[%swap3A_579, %swap3A_580] : memref<256x32xi32, #tpu.memory_space<vmem>>, vector<256x1xi32>
    tpu.vector_store %arg4[%swap3A_579, %swap3A_580], %broadcast_in_dim3A_578 {strides = array<i32>} : memref<256x32xi32, #tpu.memory_space<vmem>>, vector<256x1xi32>,
    %eq3A_582 = vector.broadcast %broadcast_in_dim3A_578 : vector<256x1xi32> to vector<256x4096xi32>
    %eq3A_583 = arith.cmpi eq, %iota3A, %eq3A_582 : vector<256x4096xi32>
    %jit3A_584 = arith.constant 0x7F800000 : f32
    %broadcast_in_dim3A_585 = vector.broadcast %jit3A_584 : f32 to vector<256x4096xf32>
    %select_n3A_586 = arith.select %eq3A_583, %broadcast_in_dim3A_585, %select_n3A_567 : vector<256x4096xi1>, vector<256x4096xf32>
    %reduce_min3A_587 = arith.constant dense<0x7F800000> : vector<256xf32>
    %reduce_min3A_588 = vector.multi_reduction <minimumf>, %select_n3A_586, %reduce_min3A_587 [1] : vector<256x4096xf32> to vector<256xf32>
    %broadcast_in_dim3A_589 = vector.shape_cast %reduce_min3A_588 : vector<256xf32> to vector<256x1xf32>
    %eq3A_590 = vector.broadcast %broadcast_in_dim3A_589 : vector<256x1xf32> to vector<256x4096xf32>
    %eq3A_591 = arith.cmpf oeq, %select_n3A_586, %eq3A_590 : vector<256x4096xf32>
    %jit3A_592 = arith.constant 4096 : i32
    %broadcast_in_dim3A_593 = vector.broadcast %jit3A_592 : i32 to vector<256x4096xi32>
    %select_n3A_594 = arith.select %eq3A_591, %iota3A, %broadcast_in_dim3A_593 : vector<256x4096xi1>, vector<256x4096xi32>
    %reduce_min3A_595 = arith.constant dense<2147483647> : vector<256xi32>
    %reduce_min3A_596 = vector.multi_reduction <minsi>, %select_n3A_594, %reduce_min3A_595 [1] : vector<256x4096xi32> to vector<256xi32>
    %broadcast_in_dim3A_597 = vector.shape_cast %reduce_min3A_596 : vector<256xi32> to vector<256x1xi32>
    %swap3A_598 = arith.constant 0 : index
    %swap3A_599 = arith.constant 30 : index
    %swap3A_600 = vector.load %arg4[%swap3A_598, %swap3A_599] : memref<256x32xi32, #tpu.memory_space<vmem>>, vector<256x1xi32>
    tpu.vector_store %arg4[%swap3A_598, %swap3A_599], %broadcast_in_dim3A_597 {strides = array<i32>} : memref<256x32xi32, #tpu.memory_space<vmem>>, vector<256x1xi32>,
    %eq3A_601 = vector.broadcast %broadcast_in_dim3A_597 : vector<256x1xi32> to vector<256x4096xi32>
    %eq3A_602 = arith.cmpi eq, %iota3A, %eq3A_601 : vector<256x4096xi32>
    %jit3A_603 = arith.constant 0x7F800000 : f32
    %broadcast_in_dim3A_604 = vector.broadcast %jit3A_603 : f32 to vector<256x4096xf32>
    %select_n3A_605 = arith.select %eq3A_602, %broadcast_in_dim3A_604, %select_n3A_586 : vector<256x4096xi1>, vector<256x4096xf32>
    %reduce_min3A_606 = arith.constant dense<0x7F800000> : vector<256xf32>
    %reduce_min3A_607 = vector.multi_reduction <minimumf>, %select_n3A_605, %reduce_min3A_606 [1] : vector<256x4096xf32> to vector<256xf32>
    %broadcast_in_dim3A_608 = vector.shape_cast %reduce_min3A_607 : vector<256xf32> to vector<256x1xf32>
    %eq3A_609 = vector.broadcast %broadcast_in_dim3A_608 : vector<256x1xf32> to vector<256x4096xf32>
    %eq3A_610 = arith.cmpf oeq, %select_n3A_605, %eq3A_609 : vector<256x4096xf32>
    %jit3A_611 = arith.constant 4096 : i32
    %broadcast_in_dim3A_612 = vector.broadcast %jit3A_611 : i32 to vector<256x4096xi32>
    %select_n3A_613 = arith.select %eq3A_610, %iota3A, %broadcast_in_dim3A_612 : vector<256x4096xi1>, vector<256x4096xi32>
    %reduce_min3A_614 = arith.constant dense<2147483647> : vector<256xi32>
    %reduce_min3A_615 = vector.multi_reduction <minsi>, %select_n3A_613, %reduce_min3A_614 [1] : vector<256x4096xi32> to vector<256xi32>
    %broadcast_in_dim3A_616 = vector.shape_cast %reduce_min3A_615 : vector<256xi32> to vector<256x1xi32>
    %swap3A_617 = arith.constant 0 : index
    %swap3A_618 = arith.constant 31 : index
    %swap3A_619 = vector.load %arg4[%swap3A_617, %swap3A_618] : memref<256x32xi32, #tpu.memory_space<vmem>>, vector<256x1xi32>
    tpu.vector_store %arg4[%swap3A_617, %swap3A_618], %broadcast_in_dim3A_616 {strides = array<i32>} : memref<256x32xi32, #tpu.memory_space<vmem>>, vector<256x1xi32>,
    return
  }
  func.func @transform_0(%arg0: i32, %arg1: i32) -> (i32, i32) {
    %mul3A = arith.constant 4 : i32
    %mul3A_0 = arith.muli %arg0, %mul3A : i32
    %add3A = arith.addi %mul3A_0, %arg1 : i32
    %c0_i32 = arith.constant 0 : i32
    %c0_i32_1 = arith.constant 0 : i32
    return %add3A, %c0_i32 : i32, i32
  }
  func.func @transform_1(%arg0: i32, %arg1: i32) -> (i32, i32, i32) {
    %c0_i32 = arith.constant 0 : i32
    %c0_i32_0 = arith.constant 0 : i32
    %c0_i32_1 = arith.constant 0 : i32
    return %arg0, %c0_i32, %c0_i32_0 : i32, i32, i32
  }
  func.func @transform_2(%arg0: i32, %arg1: i32) -> (i32, i32) {
    %mul3A = arith.constant 4 : i32
    %mul3A_0 = arith.muli %arg0, %mul3A : i32
    %add3A = arith.addi %mul3A_0, %arg1 : i32
    %c0_i32 = arith.constant 0 : i32
    %c0_i32_1 = arith.constant 0 : i32
    return %add3A, %c0_i32 : i32, i32
  }
}

module attributes {stable_mosaic.version = 14 : i64} {
  func.func @_fps_body(%arg0: memref<3x4x4096xf32, #tpu.memory_space<vmem>>, %arg1: memref<3x1024x4xf32, #tpu.memory_space<vmem>>) attributes {dimension_semantics = [], scalar_prefetch = 0 : i64, scratch_operands = 0 : i64, tpu.core_type = #tpu.core_type<tc>} {
    %get3A = arith.constant 0 : index
    %get3A_0 = arith.constant 0 : index
    %get3A_1 = arith.constant 0 : index
    %get3A_2 = vector.load %arg0[%get3A, %get3A_0, %get3A_1] : memref<3x4x4096xf32, #tpu.memory_space<vmem>>, vector<1x4x4096xf32>
    %get3A_3 = vector.shape_cast %get3A_2 : vector<1x4x4096xf32> to vector<4x4096xf32>
    %get3A_4 = arith.constant 1 : index
    %get3A_5 = arith.constant 0 : index
    %get3A_6 = arith.constant 0 : index
    %get3A_7 = vector.load %arg0[%get3A_4, %get3A_5, %get3A_6] : memref<3x4x4096xf32, #tpu.memory_space<vmem>>, vector<1x4x4096xf32>
    %get3A_8 = vector.shape_cast %get3A_7 : vector<1x4x4096xf32> to vector<4x4096xf32>
    %get3A_9 = arith.constant 2 : index
    %get3A_10 = arith.constant 0 : index
    %get3A_11 = arith.constant 0 : index
    %get3A_12 = vector.load %arg0[%get3A_9, %get3A_10, %get3A_11] : memref<3x4x4096xf32, #tpu.memory_space<vmem>>, vector<1x4x4096xf32>
    %get3A_13 = vector.shape_cast %get3A_12 : vector<1x4x4096xf32> to vector<4x4096xf32>
    %iota3A = tpu.iota {dimensions = array<i32: 1>} : vector<4x4096xi32>
    %slice3A = vector.extract_strided_slice %get3A_3 {offsets = [0, 0], sizes = [4, 1], strides = [1, 1]} : vector<4x4096xf32> to vector<4x1xf32>
    %slice3A_14 = vector.extract_strided_slice %get3A_8 {offsets = [0, 0], sizes = [4, 1], strides = [1, 1]} : vector<4x4096xf32> to vector<4x1xf32>
    %slice3A_15 = vector.extract_strided_slice %get3A_13 {offsets = [0, 0], sizes = [4, 1], strides = [1, 1]} : vector<4x4096xf32> to vector<4x1xf32>
    %squeeze3A = vector.shape_cast %slice3A : vector<4x1xf32> to vector<4xf32>
    %broadcast_in_dim3A = vector.shape_cast %squeeze3A : vector<4xf32> to vector<1x4xf32>
    %swap3A = arith.constant 0 : index
    %swap3A_16 = arith.constant 0 : index
    %swap3A_17 = arith.constant 0 : index
    %swap3A_18 = vector.load %arg1[%swap3A, %swap3A_16, %swap3A_17] : memref<3x1024x4xf32, #tpu.memory_space<vmem>>, vector<1x1x4xf32>
    %swap3A_19 = vector.shape_cast %swap3A_18 : vector<1x1x4xf32> to vector<1x4xf32>
    %swap3A_20 = vector.shape_cast %broadcast_in_dim3A : vector<1x4xf32> to vector<1x1x4xf32>
    tpu.vector_store %arg1[%swap3A, %swap3A_16, %swap3A_17], %swap3A_20 {strides = array<i32>} : memref<3x1024x4xf32, #tpu.memory_space<vmem>>, vector<1x1x4xf32>,
    %squeeze3A_21 = vector.shape_cast %slice3A_14 : vector<4x1xf32> to vector<4xf32>
    %broadcast_in_dim3A_22 = vector.shape_cast %squeeze3A_21 : vector<4xf32> to vector<1x4xf32>
    %swap3A_23 = arith.constant 1 : index
    %swap3A_24 = arith.constant 0 : index
    %swap3A_25 = arith.constant 0 : index
    %swap3A_26 = vector.load %arg1[%swap3A_23, %swap3A_24, %swap3A_25] : memref<3x1024x4xf32, #tpu.memory_space<vmem>>, vector<1x1x4xf32>
    %swap3A_27 = vector.shape_cast %swap3A_26 : vector<1x1x4xf32> to vector<1x4xf32>
    %swap3A_28 = vector.shape_cast %broadcast_in_dim3A_22 : vector<1x4xf32> to vector<1x1x4xf32>
    tpu.vector_store %arg1[%swap3A_23, %swap3A_24, %swap3A_25], %swap3A_28 {strides = array<i32>} : memref<3x1024x4xf32, #tpu.memory_space<vmem>>, vector<1x1x4xf32>,
    %squeeze3A_29 = vector.shape_cast %slice3A_15 : vector<4x1xf32> to vector<4xf32>
    %broadcast_in_dim3A_30 = vector.shape_cast %squeeze3A_29 : vector<4xf32> to vector<1x4xf32>
    %swap3A_31 = arith.constant 2 : index
    %swap3A_32 = arith.constant 0 : index
    %swap3A_33 = arith.constant 0 : index
    %swap3A_34 = vector.load %arg1[%swap3A_31, %swap3A_32, %swap3A_33] : memref<3x1024x4xf32, #tpu.memory_space<vmem>>, vector<1x1x4xf32>
    %swap3A_35 = vector.shape_cast %swap3A_34 : vector<1x1x4xf32> to vector<1x4xf32>
    %swap3A_36 = vector.shape_cast %broadcast_in_dim3A_30 : vector<1x4xf32> to vector<1x1x4xf32>
    tpu.vector_store %arg1[%swap3A_31, %swap3A_32, %swap3A_33], %swap3A_36 {strides = array<i32>} : memref<3x1024x4xf32, #tpu.memory_space<vmem>>, vector<1x1x4xf32>,
    %neg3A = arith.constant 0.000000e+00 : f32
    %neg3A_37 = vector.broadcast %neg3A : f32 to vector<4x1xf32>
    %neg3A_38 = arith.subf %neg3A_37, %slice3A : vector<4x1xf32>
    %add3A = vector.broadcast %neg3A_38 : vector<4x1xf32> to vector<4x4096xf32>
    %add3A_39 = arith.addf %get3A_3, %add3A : vector<4x4096xf32>
    %sub3A = arith.subf %add3A_39, %get3A_3 : vector<4x4096xf32>
    %sub3A_40 = arith.subf %add3A_39, %sub3A : vector<4x4096xf32>
    %sub3A_41 = arith.subf %get3A_3, %sub3A_40 : vector<4x4096xf32>
    %sub3A_42 = vector.broadcast %neg3A_38 : vector<4x1xf32> to vector<4x4096xf32>
    %sub3A_43 = arith.subf %sub3A_42, %sub3A : vector<4x4096xf32>
    %add3A_44 = arith.addf %sub3A_41, %sub3A_43 : vector<4x4096xf32>
    %mul3A = arith.mulf %add3A_39, %add3A_39 : vector<4x4096xf32>
    %mul3A_45 = arith.constant 4.097000e+03 : f32
    %mul3A_46 = vector.broadcast %mul3A_45 : f32 to vector<4x4096xf32>
    %mul3A_47 = arith.mulf %add3A_39, %mul3A_46 : vector<4x4096xf32>
    %sub3A_48 = arith.subf %mul3A_47, %add3A_39 : vector<4x4096xf32>
    %sub3A_49 = arith.subf %mul3A_47, %sub3A_48 : vector<4x4096xf32>
    %sub3A_50 = arith.subf %add3A_39, %sub3A_49 : vector<4x4096xf32>
    %mul3A_51 = arith.mulf %sub3A_49, %sub3A_49 : vector<4x4096xf32>
    %sub3A_52 = arith.subf %mul3A_51, %mul3A : vector<4x4096xf32>
    %mul3A_53 = arith.mulf %sub3A_49, %sub3A_50 : vector<4x4096xf32>
    %mul3A_54 = arith.constant 2.000000e+00 : f32
    %mul3A_55 = vector.broadcast %mul3A_54 : f32 to vector<4x4096xf32>
    %mul3A_56 = arith.mulf %mul3A_55, %mul3A_53 : vector<4x4096xf32>
    %add3A_57 = arith.addf %sub3A_52, %mul3A_56 : vector<4x4096xf32>
    %mul3A_58 = arith.mulf %sub3A_50, %sub3A_50 : vector<4x4096xf32>
    %add3A_59 = arith.addf %add3A_57, %mul3A_58 : vector<4x4096xf32>
    %mul3A_60 = arith.mulf %add3A_39, %add3A_44 : vector<4x4096xf32>
    %mul3A_61 = arith.constant 2.000000e+00 : f32
    %mul3A_62 = vector.broadcast %mul3A_61 : f32 to vector<4x4096xf32>
    %mul3A_63 = arith.mulf %mul3A_62, %mul3A_60 : vector<4x4096xf32>
    %add3A_64 = arith.addf %add3A_59, %mul3A_63 : vector<4x4096xf32>
    %add3A_65 = arith.addf %mul3A, %add3A_64 : vector<4x4096xf32>
    %sub3A_66 = arith.subf %add3A_65, %mul3A : vector<4x4096xf32>
    %sub3A_67 = arith.subf %add3A_64, %sub3A_66 : vector<4x4096xf32>
    %neg3A_68 = arith.constant 0.000000e+00 : f32
    %neg3A_69 = vector.broadcast %neg3A_68 : f32 to vector<4x1xf32>
    %neg3A_70 = arith.subf %neg3A_69, %slice3A_14 : vector<4x1xf32>
    %add3A_71 = vector.broadcast %neg3A_70 : vector<4x1xf32> to vector<4x4096xf32>
    %add3A_72 = arith.addf %get3A_8, %add3A_71 : vector<4x4096xf32>
    %sub3A_73 = arith.subf %add3A_72, %get3A_8 : vector<4x4096xf32>
    %sub3A_74 = arith.subf %add3A_72, %sub3A_73 : vector<4x4096xf32>
    %sub3A_75 = arith.subf %get3A_8, %sub3A_74 : vector<4x4096xf32>
    %sub3A_76 = vector.broadcast %neg3A_70 : vector<4x1xf32> to vector<4x4096xf32>
    %sub3A_77 = arith.subf %sub3A_76, %sub3A_73 : vector<4x4096xf32>
    %add3A_78 = arith.addf %sub3A_75, %sub3A_77 : vector<4x4096xf32>
    %mul3A_79 = arith.mulf %add3A_72, %add3A_72 : vector<4x4096xf32>
    %mul3A_80 = arith.constant 4.097000e+03 : f32
    %mul3A_81 = vector.broadcast %mul3A_80 : f32 to vector<4x4096xf32>
    %mul3A_82 = arith.mulf %add3A_72, %mul3A_81 : vector<4x4096xf32>
    %sub3A_83 = arith.subf %mul3A_82, %add3A_72 : vector<4x4096xf32>
    %sub3A_84 = arith.subf %mul3A_82, %sub3A_83 : vector<4x4096xf32>
    %sub3A_85 = arith.subf %add3A_72, %sub3A_84 : vector<4x4096xf32>
    %mul3A_86 = arith.mulf %sub3A_84, %sub3A_84 : vector<4x4096xf32>
    %sub3A_87 = arith.subf %mul3A_86, %mul3A_79 : vector<4x4096xf32>
    %mul3A_88 = arith.mulf %sub3A_84, %sub3A_85 : vector<4x4096xf32>
    %mul3A_89 = arith.constant 2.000000e+00 : f32
    %mul3A_90 = vector.broadcast %mul3A_89 : f32 to vector<4x4096xf32>
    %mul3A_91 = arith.mulf %mul3A_90, %mul3A_88 : vector<4x4096xf32>
    %add3A_92 = arith.addf %sub3A_87, %mul3A_91 : vector<4x4096xf32>
    %mul3A_93 = arith.mulf %sub3A_85, %sub3A_85 : vector<4x4096xf32>
    %add3A_94 = arith.addf %add3A_92, %mul3A_93 : vector<4x4096xf32>
    %mul3A_95 = arith.mulf %add3A_72, %add3A_78 : vector<4x4096xf32>
    %mul3A_96 = arith.constant 2.000000e+00 : f32
    %mul3A_97 = vector.broadcast %mul3A_96 : f32 to vector<4x4096xf32>
    %mul3A_98 = arith.mulf %mul3A_97, %mul3A_95 : vector<4x4096xf32>
    %add3A_99 = arith.addf %add3A_94, %mul3A_98 : vector<4x4096xf32>
    %add3A_100 = arith.addf %mul3A_79, %add3A_99 : vector<4x4096xf32>
    %sub3A_101 = arith.subf %add3A_100, %mul3A_79 : vector<4x4096xf32>
    %sub3A_102 = arith.subf %add3A_99, %sub3A_101 : vector<4x4096xf32>
    %neg3A_103 = arith.constant 0.000000e+00 : f32
    %neg3A_104 = vector.broadcast %neg3A_103 : f32 to vector<4x1xf32>
    %neg3A_105 = arith.subf %neg3A_104, %slice3A_15 : vector<4x1xf32>
    %add3A_106 = vector.broadcast %neg3A_105 : vector<4x1xf32> to vector<4x4096xf32>
    %add3A_107 = arith.addf %get3A_13, %add3A_106 : vector<4x4096xf32>
    %sub3A_108 = arith.subf %add3A_107, %get3A_13 : vector<4x4096xf32>
    %sub3A_109 = arith.subf %add3A_107, %sub3A_108 : vector<4x4096xf32>
    %sub3A_110 = arith.subf %get3A_13, %sub3A_109 : vector<4x4096xf32>
    %sub3A_111 = vector.broadcast %neg3A_105 : vector<4x1xf32> to vector<4x4096xf32>
    %sub3A_112 = arith.subf %sub3A_111, %sub3A_108 : vector<4x4096xf32>
    %add3A_113 = arith.addf %sub3A_110, %sub3A_112 : vector<4x4096xf32>
    %mul3A_114 = arith.mulf %add3A_107, %add3A_107 : vector<4x4096xf32>
    %mul3A_115 = arith.constant 4.097000e+03 : f32
    %mul3A_116 = vector.broadcast %mul3A_115 : f32 to vector<4x4096xf32>
    %mul3A_117 = arith.mulf %add3A_107, %mul3A_116 : vector<4x4096xf32>
    %sub3A_118 = arith.subf %mul3A_117, %add3A_107 : vector<4x4096xf32>
    %sub3A_119 = arith.subf %mul3A_117, %sub3A_118 : vector<4x4096xf32>
    %sub3A_120 = arith.subf %add3A_107, %sub3A_119 : vector<4x4096xf32>
    %mul3A_121 = arith.mulf %sub3A_119, %sub3A_119 : vector<4x4096xf32>
    %sub3A_122 = arith.subf %mul3A_121, %mul3A_114 : vector<4x4096xf32>
    %mul3A_123 = arith.mulf %sub3A_119, %sub3A_120 : vector<4x4096xf32>
    %mul3A_124 = arith.constant 2.000000e+00 : f32
    %mul3A_125 = vector.broadcast %mul3A_124 : f32 to vector<4x4096xf32>
    %mul3A_126 = arith.mulf %mul3A_125, %mul3A_123 : vector<4x4096xf32>
    %add3A_127 = arith.addf %sub3A_122, %mul3A_126 : vector<4x4096xf32>
    %mul3A_128 = arith.mulf %sub3A_120, %sub3A_120 : vector<4x4096xf32>
    %add3A_129 = arith.addf %add3A_127, %mul3A_128 : vector<4x4096xf32>
    %mul3A_130 = arith.mulf %add3A_107, %add3A_113 : vector<4x4096xf32>
    %mul3A_131 = arith.constant 2.000000e+00 : f32
    %mul3A_132 = vector.broadcast %mul3A_131 : f32 to vector<4x4096xf32>
    %mul3A_133 = arith.mulf %mul3A_132, %mul3A_130 : vector<4x4096xf32>
    %add3A_134 = arith.addf %add3A_129, %mul3A_133 : vector<4x4096xf32>
    %add3A_135 = arith.addf %mul3A_114, %add3A_134 : vector<4x4096xf32>
    %sub3A_136 = arith.subf %add3A_135, %mul3A_114 : vector<4x4096xf32>
    %sub3A_137 = arith.subf %add3A_134, %sub3A_136 : vector<4x4096xf32>
    %add3A_138 = arith.addf %add3A_65, %add3A_100 : vector<4x4096xf32>
    %sub3A_139 = arith.subf %add3A_138, %add3A_65 : vector<4x4096xf32>
    %sub3A_140 = arith.subf %add3A_138, %sub3A_139 : vector<4x4096xf32>
    %sub3A_141 = arith.subf %add3A_65, %sub3A_140 : vector<4x4096xf32>
    %sub3A_142 = arith.subf %add3A_100, %sub3A_139 : vector<4x4096xf32>
    %add3A_143 = arith.addf %sub3A_141, %sub3A_142 : vector<4x4096xf32>
    %add3A_144 = arith.addf %sub3A_67, %sub3A_102 : vector<4x4096xf32>
    %add3A_145 = arith.addf %add3A_143, %add3A_144 : vector<4x4096xf32>
    %add3A_146 = arith.addf %add3A_138, %add3A_145 : vector<4x4096xf32>
    %sub3A_147 = arith.subf %add3A_146, %add3A_138 : vector<4x4096xf32>
    %sub3A_148 = arith.subf %add3A_145, %sub3A_147 : vector<4x4096xf32>
    %add3A_149 = arith.addf %add3A_146, %add3A_135 : vector<4x4096xf32>
    %sub3A_150 = arith.subf %add3A_149, %add3A_146 : vector<4x4096xf32>
    %sub3A_151 = arith.subf %add3A_149, %sub3A_150 : vector<4x4096xf32>
    %sub3A_152 = arith.subf %add3A_146, %sub3A_151 : vector<4x4096xf32>
    %sub3A_153 = arith.subf %add3A_135, %sub3A_150 : vector<4x4096xf32>
    %add3A_154 = arith.addf %sub3A_152, %sub3A_153 : vector<4x4096xf32>
    %add3A_155 = arith.addf %sub3A_148, %sub3A_137 : vector<4x4096xf32>
    %add3A_156 = arith.addf %add3A_154, %add3A_155 : vector<4x4096xf32>
    %add3A_157 = arith.addf %add3A_149, %add3A_156 : vector<4x4096xf32>
    %sub3A_158 = arith.subf %add3A_157, %add3A_149 : vector<4x4096xf32>
    %sub3A_159 = arith.subf %add3A_156, %sub3A_158 : vector<4x4096xf32>
    %scan3A = arith.constant 1 : i32
    %scan3A_160 = arith.constant 1020 : i32
    %scan3A_161 = arith.addi %scan3A, %scan3A_160 : i32
    %scan3A_162 = arith.constant 4 : i32
    %scan3A_163:2 = scf.for %scan3A_734 = %scan3A to %scan3A_161 step %scan3A_162 iter_args(%scan3A_735 = %add3A_157, %scan3A_736 = %sub3A_159) -> (vector<4x4096xf32>, vector<4x4096xf32>)  : i32 {
      %reduce_max3A_737 = arith.constant dense<0xFF800000> : vector<4xf32>
      %reduce_max3A_738 = vector.multi_reduction <maximumf>, %scan3A_735, %reduce_max3A_737 [1] : vector<4x4096xf32> to vector<4xf32>
      %broadcast_in_dim3A_739 = vector.shape_cast %reduce_max3A_738 : vector<4xf32> to vector<4x1xf32>
      %eq3A_740 = vector.broadcast %broadcast_in_dim3A_739 : vector<4x1xf32> to vector<4x4096xf32>
      %eq3A_741 = arith.cmpf oeq, %scan3A_735, %eq3A_740 : vector<4x4096xf32>
      %convert_element_type3A_742 = arith.extui %eq3A_741 : vector<4x4096xi1> to vector<4x4096xi32>
      %convert_element_type3A_743 = arith.sitofp %convert_element_type3A_742 : vector<4x4096xi32> to vector<4x4096xf32>
      %reduce_sum3A_744 = arith.constant dense<0.000000e+00> : vector<4xf32>
      %reduce_sum3A_745 = vector.multi_reduction <add>, %convert_element_type3A_743, %reduce_sum3A_744 [1] : vector<4x4096xf32> to vector<4xf32>
      %broadcast_in_dim3A_746 = vector.shape_cast %reduce_sum3A_745 : vector<4xf32> to vector<4x1xf32>
      %mul3A_747 = arith.mulf %get3A_3, %convert_element_type3A_743 : vector<4x4096xf32>
      %reduce_sum3A_748 = arith.constant dense<0.000000e+00> : vector<4xf32>
      %reduce_sum3A_749 = vector.multi_reduction <add>, %mul3A_747, %reduce_sum3A_748 [1] : vector<4x4096xf32> to vector<4xf32>
      %broadcast_in_dim3A_750 = vector.shape_cast %reduce_sum3A_749 : vector<4xf32> to vector<4x1xf32>
      %mul3A_751 = arith.mulf %get3A_8, %convert_element_type3A_743 : vector<4x4096xf32>
      %reduce_sum3A_752 = arith.constant dense<0.000000e+00> : vector<4xf32>
      %reduce_sum3A_753 = vector.multi_reduction <add>, %mul3A_751, %reduce_sum3A_752 [1] : vector<4x4096xf32> to vector<4xf32>
      %broadcast_in_dim3A_754 = vector.shape_cast %reduce_sum3A_753 : vector<4xf32> to vector<4x1xf32>
      %mul3A_755 = arith.mulf %get3A_13, %convert_element_type3A_743 : vector<4x4096xf32>
      %reduce_sum3A_756 = arith.constant dense<0.000000e+00> : vector<4xf32>
      %reduce_sum3A_757 = vector.multi_reduction <add>, %mul3A_755, %reduce_sum3A_756 [1] : vector<4x4096xf32> to vector<4xf32>
      %broadcast_in_dim3A_758 = vector.shape_cast %reduce_sum3A_757 : vector<4xf32> to vector<4x1xf32>
      %reduce_max3A_759 = vector.shape_cast %broadcast_in_dim3A_746 : vector<4x1xf32> to vector<1x4x1xf32>
      %reduce_max3A_760 = arith.constant dense<0xFF800000> : vector<1xf32>
      %reduce_max3A_761 = vector.multi_reduction <maximumf>, %reduce_max3A_759, %reduce_max3A_760 [1, 2] : vector<1x4x1xf32> to vector<1xf32>
      %reduce_max3A_762 = vector.shape_cast %reduce_max3A_761 : vector<1xf32> to vector<1x1x1xf32>
      %reduce_max3A_763 = vector.extract %reduce_max3A_762[0, 0, 0] : f32 from vector<1x1x1xf32>
      %gt3A_764 = arith.constant 1.000000e+00 : f32
      %gt3A_765 = arith.cmpf ogt, %reduce_max3A_763, %gt3A_764 : f32
      %convert_element_type3A_766 = arith.extui %gt3A_765 : i1 to i32
      %cond3A_767 = arith.constant 0 : i32
      %cond3A_768 = arith.cmpi ne, %convert_element_type3A_766, %cond3A_767 : i32
      %cond3A_769:3 = scf.if %cond3A_768 -> (vector<4x1xf32>, vector<4x1xf32>, vector<4x1xf32>) {
        %jit3A = arith.constant 0xFFF0000000000000 : f64
        %convert_element_type3A_1507 = arith.truncf %jit3A : f64 to f32
        %broadcast_in_dim3A_1508 = vector.broadcast %convert_element_type3A_1507 : f32 to vector<4x4096xf32>
        %select_n3A_1509 = arith.select %eq3A_741, %scan3A_736, %broadcast_in_dim3A_1508 : vector<4x4096xi1>, vector<4x4096xf32>
        %reduce_max3A_1510 = arith.constant dense<0xFF800000> : vector<4xf32>
        %reduce_max3A_1511 = vector.multi_reduction <maximumf>, %select_n3A_1509, %reduce_max3A_1510 [1] : vector<4x4096xf32> to vector<4xf32>
        %broadcast_in_dim3A_1512 = vector.shape_cast %reduce_max3A_1511 : vector<4xf32> to vector<4x1xf32>
        %eq3A_1513 = vector.broadcast %broadcast_in_dim3A_1512 : vector<4x1xf32> to vector<4x4096xf32>
        %eq3A_1514 = arith.cmpf oeq, %scan3A_736, %eq3A_1513 : vector<4x4096xf32>
        %and3A_1515 = arith.andi %eq3A_741, %eq3A_1514 : vector<4x4096xi1>
        %jit3A_1516 = arith.constant 4096 : i32
        %broadcast_in_dim3A_1517 = vector.broadcast %jit3A_1516 : i32 to vector<4x4096xi32>
        %select_n3A_1518 = arith.select %and3A_1515, %iota3A, %broadcast_in_dim3A_1517 : vector<4x4096xi1>, vector<4x4096xi32>
        %reduce_min3A = arith.constant dense<2147483647> : vector<4xi32>
        %reduce_min3A_1519 = vector.multi_reduction <minsi>, %select_n3A_1518, %reduce_min3A [1] : vector<4x4096xi32> to vector<4xi32>
        %broadcast_in_dim3A_1520 = vector.shape_cast %reduce_min3A_1519 : vector<4xi32> to vector<4x1xi32>
        %eq3A_1521 = vector.broadcast %broadcast_in_dim3A_1520 : vector<4x1xi32> to vector<4x4096xi32>
        %eq3A_1522 = arith.cmpi eq, %iota3A, %eq3A_1521 : vector<4x4096xi32>
        %convert_element_type3A_1523 = arith.extui %eq3A_1522 : vector<4x4096xi1> to vector<4x4096xi32>
        %convert_element_type3A_1524 = arith.sitofp %convert_element_type3A_1523 : vector<4x4096xi32> to vector<4x4096xf32>
        %mul3A_1525 = arith.mulf %get3A_3, %convert_element_type3A_1524 : vector<4x4096xf32>
        %reduce_sum3A_1526 = arith.constant dense<0.000000e+00> : vector<4xf32>
        %reduce_sum3A_1527 = vector.multi_reduction <add>, %mul3A_1525, %reduce_sum3A_1526 [1] : vector<4x4096xf32> to vector<4xf32>
        %broadcast_in_dim3A_1528 = vector.shape_cast %reduce_sum3A_1527 : vector<4xf32> to vector<4x1xf32>
        %mul3A_1529 = arith.mulf %get3A_8, %convert_element_type3A_1524 : vector<4x4096xf32>
        %reduce_sum3A_1530 = arith.constant dense<0.000000e+00> : vector<4xf32>
        %reduce_sum3A_1531 = vector.multi_reduction <add>, %mul3A_1529, %reduce_sum3A_1530 [1] : vector<4x4096xf32> to vector<4xf32>
        %broadcast_in_dim3A_1532 = vector.shape_cast %reduce_sum3A_1531 : vector<4xf32> to vector<4x1xf32>
        %mul3A_1533 = arith.mulf %get3A_13, %convert_element_type3A_1524 : vector<4x4096xf32>
        %reduce_sum3A_1534 = arith.constant dense<0.000000e+00> : vector<4xf32>
        %reduce_sum3A_1535 = vector.multi_reduction <add>, %mul3A_1533, %reduce_sum3A_1534 [1] : vector<4x4096xf32> to vector<4xf32>
        %broadcast_in_dim3A_1536 = vector.shape_cast %reduce_sum3A_1535 : vector<4xf32> to vector<4x1xf32>
        scf.yield %broadcast_in_dim3A_1528, %broadcast_in_dim3A_1532, %broadcast_in_dim3A_1536 : vector<4x1xf32>, vector<4x1xf32>, vector<4x1xf32>
      } else {
        scf.yield %broadcast_in_dim3A_750, %broadcast_in_dim3A_754, %broadcast_in_dim3A_758 : vector<4x1xf32>, vector<4x1xf32>, vector<4x1xf32>
      }
      %squeeze3A_770 = vector.shape_cast %cond3A_769#0 : vector<4x1xf32> to vector<4xf32>
      %broadcast_in_dim3A_771 = vector.shape_cast %squeeze3A_770 : vector<4xf32> to vector<1x4xf32>
      %swap3A_772 = arith.constant 0 : index
      %swap3A_773 = arith.index_cast %scan3A_734 : i32 to index
      %swap3A_774 = arith.constant 0 : index
      %swap3A_775 = vector.load %arg1[%swap3A_772, %swap3A_773, %swap3A_774] : memref<3x1024x4xf32, #tpu.memory_space<vmem>>, vector<1x1x4xf32>
      %swap3A_776 = vector.shape_cast %swap3A_775 : vector<1x1x4xf32> to vector<1x4xf32>
      %swap3A_777 = vector.shape_cast %broadcast_in_dim3A_771 : vector<1x4xf32> to vector<1x1x4xf32>
      tpu.vector_store %arg1[%swap3A_772, %swap3A_773, %swap3A_774], %swap3A_777 {strides = array<i32>} : memref<3x1024x4xf32, #tpu.memory_space<vmem>>, vector<1x1x4xf32>,
      %squeeze3A_778 = vector.shape_cast %cond3A_769#1 : vector<4x1xf32> to vector<4xf32>
      %broadcast_in_dim3A_779 = vector.shape_cast %squeeze3A_778 : vector<4xf32> to vector<1x4xf32>
      %swap3A_780 = arith.constant 1 : index
      %swap3A_781 = arith.index_cast %scan3A_734 : i32 to index
      %swap3A_782 = arith.constant 0 : index
      %swap3A_783 = vector.load %arg1[%swap3A_780, %swap3A_781, %swap3A_782] : memref<3x1024x4xf32, #tpu.memory_space<vmem>>, vector<1x1x4xf32>
      %swap3A_784 = vector.shape_cast %swap3A_783 : vector<1x1x4xf32> to vector<1x4xf32>
      %swap3A_785 = vector.shape_cast %broadcast_in_dim3A_779 : vector<1x4xf32> to vector<1x1x4xf32>
      tpu.vector_store %arg1[%swap3A_780, %swap3A_781, %swap3A_782], %swap3A_785 {strides = array<i32>} : memref<3x1024x4xf32, #tpu.memory_space<vmem>>, vector<1x1x4xf32>,
      %squeeze3A_786 = vector.shape_cast %cond3A_769#2 : vector<4x1xf32> to vector<4xf32>
      %broadcast_in_dim3A_787 = vector.shape_cast %squeeze3A_786 : vector<4xf32> to vector<1x4xf32>
      %swap3A_788 = arith.constant 2 : index
      %swap3A_789 = arith.index_cast %scan3A_734 : i32 to index
      %swap3A_790 = arith.constant 0 : index
      %swap3A_791 = vector.load %arg1[%swap3A_788, %swap3A_789, %swap3A_790] : memref<3x1024x4xf32, #tpu.memory_space<vmem>>, vector<1x1x4xf32>
      %swap3A_792 = vector.shape_cast %swap3A_791 : vector<1x1x4xf32> to vector<1x4xf32>
      %swap3A_793 = vector.shape_cast %broadcast_in_dim3A_787 : vector<1x4xf32> to vector<1x1x4xf32>
      tpu.vector_store %arg1[%swap3A_788, %swap3A_789, %swap3A_790], %swap3A_793 {strides = array<i32>} : memref<3x1024x4xf32, #tpu.memory_space<vmem>>, vector<1x1x4xf32>,
      %neg3A_794 = arith.constant 0.000000e+00 : f32
      %neg3A_795 = vector.broadcast %neg3A_794 : f32 to vector<4x1xf32>
      %neg3A_796 = arith.subf %neg3A_795, %cond3A_769#0 : vector<4x1xf32>
      %add3A_797 = vector.broadcast %neg3A_796 : vector<4x1xf32> to vector<4x4096xf32>
      %add3A_798 = arith.addf %get3A_3, %add3A_797 : vector<4x4096xf32>
      %sub3A_799 = arith.subf %add3A_798, %get3A_3 : vector<4x4096xf32>
      %sub3A_800 = arith.subf %add3A_798, %sub3A_799 : vector<4x4096xf32>
      %sub3A_801 = arith.subf %get3A_3, %sub3A_800 : vector<4x4096xf32>
      %sub3A_802 = vector.broadcast %neg3A_796 : vector<4x1xf32> to vector<4x4096xf32>
      %sub3A_803 = arith.subf %sub3A_802, %sub3A_799 : vector<4x4096xf32>
      %add3A_804 = arith.addf %sub3A_801, %sub3A_803 : vector<4x4096xf32>
      %mul3A_805 = arith.mulf %add3A_798, %add3A_798 : vector<4x4096xf32>
      %mul3A_806 = arith.constant 4.097000e+03 : f32
      %mul3A_807 = vector.broadcast %mul3A_806 : f32 to vector<4x4096xf32>
      %mul3A_808 = arith.mulf %add3A_798, %mul3A_807 : vector<4x4096xf32>
      %sub3A_809 = arith.subf %mul3A_808, %add3A_798 : vector<4x4096xf32>
      %sub3A_810 = arith.subf %mul3A_808, %sub3A_809 : vector<4x4096xf32>
      %sub3A_811 = arith.subf %add3A_798, %sub3A_810 : vector<4x4096xf32>
      %mul3A_812 = arith.mulf %sub3A_810, %sub3A_810 : vector<4x4096xf32>
      %sub3A_813 = arith.subf %mul3A_812, %mul3A_805 : vector<4x4096xf32>
      %mul3A_814 = arith.mulf %sub3A_810, %sub3A_811 : vector<4x4096xf32>
      %mul3A_815 = arith.constant 2.000000e+00 : f32
      %mul3A_816 = vector.broadcast %mul3A_815 : f32 to vector<4x4096xf32>
      %mul3A_817 = arith.mulf %mul3A_816, %mul3A_814 : vector<4x4096xf32>
      %add3A_818 = arith.addf %sub3A_813, %mul3A_817 : vector<4x4096xf32>
      %mul3A_819 = arith.mulf %sub3A_811, %sub3A_811 : vector<4x4096xf32>
      %add3A_820 = arith.addf %add3A_818, %mul3A_819 : vector<4x4096xf32>
      %mul3A_821 = arith.mulf %add3A_798, %add3A_804 : vector<4x4096xf32>
      %mul3A_822 = arith.constant 2.000000e+00 : f32
      %mul3A_823 = vector.broadcast %mul3A_822 : f32 to vector<4x4096xf32>
      %mul3A_824 = arith.mulf %mul3A_823, %mul3A_821 : vector<4x4096xf32>
      %add3A_825 = arith.addf %add3A_820, %mul3A_824 : vector<4x4096xf32>
      %add3A_826 = arith.addf %mul3A_805, %add3A_825 : vector<4x4096xf32>
      %sub3A_827 = arith.subf %add3A_826, %mul3A_805 : vector<4x4096xf32>
      %sub3A_828 = arith.subf %add3A_825, %sub3A_827 : vector<4x4096xf32>
      %neg3A_829 = arith.constant 0.000000e+00 : f32
      %neg3A_830 = vector.broadcast %neg3A_829 : f32 to vector<4x1xf32>
      %neg3A_831 = arith.subf %neg3A_830, %cond3A_769#1 : vector<4x1xf32>
      %add3A_832 = vector.broadcast %neg3A_831 : vector<4x1xf32> to vector<4x4096xf32>
      %add3A_833 = arith.addf %get3A_8, %add3A_832 : vector<4x4096xf32>
      %sub3A_834 = arith.subf %add3A_833, %get3A_8 : vector<4x4096xf32>
      %sub3A_835 = arith.subf %add3A_833, %sub3A_834 : vector<4x4096xf32>
      %sub3A_836 = arith.subf %get3A_8, %sub3A_835 : vector<4x4096xf32>
      %sub3A_837 = vector.broadcast %neg3A_831 : vector<4x1xf32> to vector<4x4096xf32>
      %sub3A_838 = arith.subf %sub3A_837, %sub3A_834 : vector<4x4096xf32>
      %add3A_839 = arith.addf %sub3A_836, %sub3A_838 : vector<4x4096xf32>
      %mul3A_840 = arith.mulf %add3A_833, %add3A_833 : vector<4x4096xf32>
      %mul3A_841 = arith.constant 4.097000e+03 : f32
      %mul3A_842 = vector.broadcast %mul3A_841 : f32 to vector<4x4096xf32>
      %mul3A_843 = arith.mulf %add3A_833, %mul3A_842 : vector<4x4096xf32>
      %sub3A_844 = arith.subf %mul3A_843, %add3A_833 : vector<4x4096xf32>
      %sub3A_845 = arith.subf %mul3A_843, %sub3A_844 : vector<4x4096xf32>
      %sub3A_846 = arith.subf %add3A_833, %sub3A_845 : vector<4x4096xf32>
      %mul3A_847 = arith.mulf %sub3A_845, %sub3A_845 : vector<4x4096xf32>
      %sub3A_848 = arith.subf %mul3A_847, %mul3A_840 : vector<4x4096xf32>
      %mul3A_849 = arith.mulf %sub3A_845, %sub3A_846 : vector<4x4096xf32>
      %mul3A_850 = arith.constant 2.000000e+00 : f32
      %mul3A_851 = vector.broadcast %mul3A_850 : f32 to vector<4x4096xf32>
      %mul3A_852 = arith.mulf %mul3A_851, %mul3A_849 : vector<4x4096xf32>
      %add3A_853 = arith.addf %sub3A_848, %mul3A_852 : vector<4x4096xf32>
      %mul3A_854 = arith.mulf %sub3A_846, %sub3A_846 : vector<4x4096xf32>
      %add3A_855 = arith.addf %add3A_853, %mul3A_854 : vector<4x4096xf32>
      %mul3A_856 = arith.mulf %add3A_833, %add3A_839 : vector<4x4096xf32>
      %mul3A_857 = arith.constant 2.000000e+00 : f32
      %mul3A_858 = vector.broadcast %mul3A_857 : f32 to vector<4x4096xf32>
      %mul3A_859 = arith.mulf %mul3A_858, %mul3A_856 : vector<4x4096xf32>
      %add3A_860 = arith.addf %add3A_855, %mul3A_859 : vector<4x4096xf32>
      %add3A_861 = arith.addf %mul3A_840, %add3A_860 : vector<4x4096xf32>
      %sub3A_862 = arith.subf %add3A_861, %mul3A_840 : vector<4x4096xf32>
      %sub3A_863 = arith.subf %add3A_860, %sub3A_862 : vector<4x4096xf32>
      %neg3A_864 = arith.constant 0.000000e+00 : f32
      %neg3A_865 = vector.broadcast %neg3A_864 : f32 to vector<4x1xf32>
      %neg3A_866 = arith.subf %neg3A_865, %cond3A_769#2 : vector<4x1xf32>
      %add3A_867 = vector.broadcast %neg3A_866 : vector<4x1xf32> to vector<4x4096xf32>
      %add3A_868 = arith.addf %get3A_13, %add3A_867 : vector<4x4096xf32>
      %sub3A_869 = arith.subf %add3A_868, %get3A_13 : vector<4x4096xf32>
      %sub3A_870 = arith.subf %add3A_868, %sub3A_869 : vector<4x4096xf32>
      %sub3A_871 = arith.subf %get3A_13, %sub3A_870 : vector<4x4096xf32>
      %sub3A_872 = vector.broadcast %neg3A_866 : vector<4x1xf32> to vector<4x4096xf32>
      %sub3A_873 = arith.subf %sub3A_872, %sub3A_869 : vector<4x4096xf32>
      %add3A_874 = arith.addf %sub3A_871, %sub3A_873 : vector<4x4096xf32>
      %mul3A_875 = arith.mulf %add3A_868, %add3A_868 : vector<4x4096xf32>
      %mul3A_876 = arith.constant 4.097000e+03 : f32
      %mul3A_877 = vector.broadcast %mul3A_876 : f32 to vector<4x4096xf32>
      %mul3A_878 = arith.mulf %add3A_868, %mul3A_877 : vector<4x4096xf32>
      %sub3A_879 = arith.subf %mul3A_878, %add3A_868 : vector<4x4096xf32>
      %sub3A_880 = arith.subf %mul3A_878, %sub3A_879 : vector<4x4096xf32>
      %sub3A_881 = arith.subf %add3A_868, %sub3A_880 : vector<4x4096xf32>
      %mul3A_882 = arith.mulf %sub3A_880, %sub3A_880 : vector<4x4096xf32>
      %sub3A_883 = arith.subf %mul3A_882, %mul3A_875 : vector<4x4096xf32>
      %mul3A_884 = arith.mulf %sub3A_880, %sub3A_881 : vector<4x4096xf32>
      %mul3A_885 = arith.constant 2.000000e+00 : f32
      %mul3A_886 = vector.broadcast %mul3A_885 : f32 to vector<4x4096xf32>
      %mul3A_887 = arith.mulf %mul3A_886, %mul3A_884 : vector<4x4096xf32>
      %add3A_888 = arith.addf %sub3A_883, %mul3A_887 : vector<4x4096xf32>
      %mul3A_889 = arith.mulf %sub3A_881, %sub3A_881 : vector<4x4096xf32>
      %add3A_890 = arith.addf %add3A_888, %mul3A_889 : vector<4x4096xf32>
      %mul3A_891 = arith.mulf %add3A_868, %add3A_874 : vector<4x4096xf32>
      %mul3A_892 = arith.constant 2.000000e+00 : f32
      %mul3A_893 = vector.broadcast %mul3A_892 : f32 to vector<4x4096xf32>
      %mul3A_894 = arith.mulf %mul3A_893, %mul3A_891 : vector<4x4096xf32>
      %add3A_895 = arith.addf %add3A_890, %mul3A_894 : vector<4x4096xf32>
      %add3A_896 = arith.addf %mul3A_875, %add3A_895 : vector<4x4096xf32>
      %sub3A_897 = arith.subf %add3A_896, %mul3A_875 : vector<4x4096xf32>
      %sub3A_898 = arith.subf %add3A_895, %sub3A_897 : vector<4x4096xf32>
      %add3A_899 = arith.addf %add3A_826, %add3A_861 : vector<4x4096xf32>
      %sub3A_900 = arith.subf %add3A_899, %add3A_826 : vector<4x4096xf32>
      %sub3A_901 = arith.subf %add3A_899, %sub3A_900 : vector<4x4096xf32>
      %sub3A_902 = arith.subf %add3A_826, %sub3A_901 : vector<4x4096xf32>
      %sub3A_903 = arith.subf %add3A_861, %sub3A_900 : vector<4x4096xf32>
      %add3A_904 = arith.addf %sub3A_902, %sub3A_903 : vector<4x4096xf32>
      %add3A_905 = arith.addf %sub3A_828, %sub3A_863 : vector<4x4096xf32>
      %add3A_906 = arith.addf %add3A_904, %add3A_905 : vector<4x4096xf32>
      %add3A_907 = arith.addf %add3A_899, %add3A_906 : vector<4x4096xf32>
      %sub3A_908 = arith.subf %add3A_907, %add3A_899 : vector<4x4096xf32>
      %sub3A_909 = arith.subf %add3A_906, %sub3A_908 : vector<4x4096xf32>
      %add3A_910 = arith.addf %add3A_907, %add3A_896 : vector<4x4096xf32>
      %sub3A_911 = arith.subf %add3A_910, %add3A_907 : vector<4x4096xf32>
      %sub3A_912 = arith.subf %add3A_910, %sub3A_911 : vector<4x4096xf32>
      %sub3A_913 = arith.subf %add3A_907, %sub3A_912 : vector<4x4096xf32>
      %sub3A_914 = arith.subf %add3A_896, %sub3A_911 : vector<4x4096xf32>
      %add3A_915 = arith.addf %sub3A_913, %sub3A_914 : vector<4x4096xf32>
      %add3A_916 = arith.addf %sub3A_909, %sub3A_898 : vector<4x4096xf32>
      %add3A_917 = arith.addf %add3A_915, %add3A_916 : vector<4x4096xf32>
      %add3A_918 = arith.addf %add3A_910, %add3A_917 : vector<4x4096xf32>
      %sub3A_919 = arith.subf %add3A_918, %add3A_910 : vector<4x4096xf32>
      %sub3A_920 = arith.subf %add3A_917, %sub3A_919 : vector<4x4096xf32>
      %lt3A_921 = arith.cmpf olt, %add3A_918, %scan3A_735 : vector<4x4096xf32>
      %eq3A_922 = arith.cmpf oeq, %add3A_918, %scan3A_735 : vector<4x4096xf32>
      %lt3A_923 = arith.cmpf olt, %sub3A_920, %scan3A_736 : vector<4x4096xf32>
      %and3A_924 = arith.andi %eq3A_922, %lt3A_923 : vector<4x4096xi1>
      %or3A_925 = arith.ori %lt3A_921, %and3A_924 : vector<4x4096xi1>
      %select_n3A_926 = arith.select %or3A_925, %add3A_918, %scan3A_735 : vector<4x4096xi1>, vector<4x4096xf32>
      %select_n3A_927 = arith.select %or3A_925, %sub3A_920, %scan3A_736 : vector<4x4096xi1>, vector<4x4096xf32>
      %scan3A_928 = arith.constant 1 : i32
      %scan3A_929 = arith.addi %scan3A_734, %scan3A_928 : i32
      %reduce_max3A_930 = arith.constant dense<0xFF800000> : vector<4xf32>
      %reduce_max3A_931 = vector.multi_reduction <maximumf>, %select_n3A_926, %reduce_max3A_930 [1] : vector<4x4096xf32> to vector<4xf32>
      %broadcast_in_dim3A_932 = vector.shape_cast %reduce_max3A_931 : vector<4xf32> to vector<4x1xf32>
      %eq3A_933 = vector.broadcast %broadcast_in_dim3A_932 : vector<4x1xf32> to vector<4x4096xf32>
      %eq3A_934 = arith.cmpf oeq, %select_n3A_926, %eq3A_933 : vector<4x4096xf32>
      %convert_element_type3A_935 = arith.extui %eq3A_934 : vector<4x4096xi1> to vector<4x4096xi32>
      %convert_element_type3A_936 = arith.sitofp %convert_element_type3A_935 : vector<4x4096xi32> to vector<4x4096xf32>
      %reduce_sum3A_937 = arith.constant dense<0.000000e+00> : vector<4xf32>
      %reduce_sum3A_938 = vector.multi_reduction <add>, %convert_element_type3A_936, %reduce_sum3A_937 [1] : vector<4x4096xf32> to vector<4xf32>
      %broadcast_in_dim3A_939 = vector.shape_cast %reduce_sum3A_938 : vector<4xf32> to vector<4x1xf32>
      %mul3A_940 = arith.mulf %get3A_3, %convert_element_type3A_936 : vector<4x4096xf32>
      %reduce_sum3A_941 = arith.constant dense<0.000000e+00> : vector<4xf32>
      %reduce_sum3A_942 = vector.multi_reduction <add>, %mul3A_940, %reduce_sum3A_941 [1] : vector<4x4096xf32> to vector<4xf32>
      %broadcast_in_dim3A_943 = vector.shape_cast %reduce_sum3A_942 : vector<4xf32> to vector<4x1xf32>
      %mul3A_944 = arith.mulf %get3A_8, %convert_element_type3A_936 : vector<4x4096xf32>
      %reduce_sum3A_945 = arith.constant dense<0.000000e+00> : vector<4xf32>
      %reduce_sum3A_946 = vector.multi_reduction <add>, %mul3A_944, %reduce_sum3A_945 [1] : vector<4x4096xf32> to vector<4xf32>
      %broadcast_in_dim3A_947 = vector.shape_cast %reduce_sum3A_946 : vector<4xf32> to vector<4x1xf32>
      %mul3A_948 = arith.mulf %get3A_13, %convert_element_type3A_936 : vector<4x4096xf32>
      %reduce_sum3A_949 = arith.constant dense<0.000000e+00> : vector<4xf32>
      %reduce_sum3A_950 = vector.multi_reduction <add>, %mul3A_948, %reduce_sum3A_949 [1] : vector<4x4096xf32> to vector<4xf32>
      %broadcast_in_dim3A_951 = vector.shape_cast %reduce_sum3A_950 : vector<4xf32> to vector<4x1xf32>
      %reduce_max3A_952 = vector.shape_cast %broadcast_in_dim3A_939 : vector<4x1xf32> to vector<1x4x1xf32>
      %reduce_max3A_953 = arith.constant dense<0xFF800000> : vector<1xf32>
      %reduce_max3A_954 = vector.multi_reduction <maximumf>, %reduce_max3A_952, %reduce_max3A_953 [1, 2] : vector<1x4x1xf32> to vector<1xf32>
      %reduce_max3A_955 = vector.shape_cast %reduce_max3A_954 : vector<1xf32> to vector<1x1x1xf32>
      %reduce_max3A_956 = vector.extract %reduce_max3A_955[0, 0, 0] : f32 from vector<1x1x1xf32>
      %gt3A_957 = arith.constant 1.000000e+00 : f32
      %gt3A_958 = arith.cmpf ogt, %reduce_max3A_956, %gt3A_957 : f32
      %convert_element_type3A_959 = arith.extui %gt3A_958 : i1 to i32
      %cond3A_960 = arith.constant 0 : i32
      %cond3A_961 = arith.cmpi ne, %convert_element_type3A_959, %cond3A_960 : i32
      %cond3A_962:3 = scf.if %cond3A_961 -> (vector<4x1xf32>, vector<4x1xf32>, vector<4x1xf32>) {
        %jit3A = arith.constant 0xFFF0000000000000 : f64
        %convert_element_type3A_1507 = arith.truncf %jit3A : f64 to f32
        %broadcast_in_dim3A_1508 = vector.broadcast %convert_element_type3A_1507 : f32 to vector<4x4096xf32>
        %select_n3A_1509 = arith.select %eq3A_934, %select_n3A_927, %broadcast_in_dim3A_1508 : vector<4x4096xi1>, vector<4x4096xf32>
        %reduce_max3A_1510 = arith.constant dense<0xFF800000> : vector<4xf32>
        %reduce_max3A_1511 = vector.multi_reduction <maximumf>, %select_n3A_1509, %reduce_max3A_1510 [1] : vector<4x4096xf32> to vector<4xf32>
        %broadcast_in_dim3A_1512 = vector.shape_cast %reduce_max3A_1511 : vector<4xf32> to vector<4x1xf32>
        %eq3A_1513 = vector.broadcast %broadcast_in_dim3A_1512 : vector<4x1xf32> to vector<4x4096xf32>
        %eq3A_1514 = arith.cmpf oeq, %select_n3A_927, %eq3A_1513 : vector<4x4096xf32>
        %and3A_1515 = arith.andi %eq3A_934, %eq3A_1514 : vector<4x4096xi1>
        %jit3A_1516 = arith.constant 4096 : i32
        %broadcast_in_dim3A_1517 = vector.broadcast %jit3A_1516 : i32 to vector<4x4096xi32>
        %select_n3A_1518 = arith.select %and3A_1515, %iota3A, %broadcast_in_dim3A_1517 : vector<4x4096xi1>, vector<4x4096xi32>
        %reduce_min3A = arith.constant dense<2147483647> : vector<4xi32>
        %reduce_min3A_1519 = vector.multi_reduction <minsi>, %select_n3A_1518, %reduce_min3A [1] : vector<4x4096xi32> to vector<4xi32>
        %broadcast_in_dim3A_1520 = vector.shape_cast %reduce_min3A_1519 : vector<4xi32> to vector<4x1xi32>
        %eq3A_1521 = vector.broadcast %broadcast_in_dim3A_1520 : vector<4x1xi32> to vector<4x4096xi32>
        %eq3A_1522 = arith.cmpi eq, %iota3A, %eq3A_1521 : vector<4x4096xi32>
        %convert_element_type3A_1523 = arith.extui %eq3A_1522 : vector<4x4096xi1> to vector<4x4096xi32>
        %convert_element_type3A_1524 = arith.sitofp %convert_element_type3A_1523 : vector<4x4096xi32> to vector<4x4096xf32>
        %mul3A_1525 = arith.mulf %get3A_3, %convert_element_type3A_1524 : vector<4x4096xf32>
        %reduce_sum3A_1526 = arith.constant dense<0.000000e+00> : vector<4xf32>
        %reduce_sum3A_1527 = vector.multi_reduction <add>, %mul3A_1525, %reduce_sum3A_1526 [1] : vector<4x4096xf32> to vector<4xf32>
        %broadcast_in_dim3A_1528 = vector.shape_cast %reduce_sum3A_1527 : vector<4xf32> to vector<4x1xf32>
        %mul3A_1529 = arith.mulf %get3A_8, %convert_element_type3A_1524 : vector<4x4096xf32>
        %reduce_sum3A_1530 = arith.constant dense<0.000000e+00> : vector<4xf32>
        %reduce_sum3A_1531 = vector.multi_reduction <add>, %mul3A_1529, %reduce_sum3A_1530 [1] : vector<4x4096xf32> to vector<4xf32>
        %broadcast_in_dim3A_1532 = vector.shape_cast %reduce_sum3A_1531 : vector<4xf32> to vector<4x1xf32>
        %mul3A_1533 = arith.mulf %get3A_13, %convert_element_type3A_1524 : vector<4x4096xf32>
        %reduce_sum3A_1534 = arith.constant dense<0.000000e+00> : vector<4xf32>
        %reduce_sum3A_1535 = vector.multi_reduction <add>, %mul3A_1533, %reduce_sum3A_1534 [1] : vector<4x4096xf32> to vector<4xf32>
        %broadcast_in_dim3A_1536 = vector.shape_cast %reduce_sum3A_1535 : vector<4xf32> to vector<4x1xf32>
        scf.yield %broadcast_in_dim3A_1528, %broadcast_in_dim3A_1532, %broadcast_in_dim3A_1536 : vector<4x1xf32>, vector<4x1xf32>, vector<4x1xf32>
      } else {
        scf.yield %broadcast_in_dim3A_943, %broadcast_in_dim3A_947, %broadcast_in_dim3A_951 : vector<4x1xf32>, vector<4x1xf32>, vector<4x1xf32>
      }
      %squeeze3A_963 = vector.shape_cast %cond3A_962#0 : vector<4x1xf32> to vector<4xf32>
      %broadcast_in_dim3A_964 = vector.shape_cast %squeeze3A_963 : vector<4xf32> to vector<1x4xf32>
      %swap3A_965 = arith.constant 0 : index
      %swap3A_966 = arith.index_cast %scan3A_929 : i32 to index
      %swap3A_967 = arith.constant 0 : index
      %swap3A_968 = vector.load %arg1[%swap3A_965, %swap3A_966, %swap3A_967] : memref<3x1024x4xf32, #tpu.memory_space<vmem>>, vector<1x1x4xf32>
      %swap3A_969 = vector.shape_cast %swap3A_968 : vector<1x1x4xf32> to vector<1x4xf32>
      %swap3A_970 = vector.shape_cast %broadcast_in_dim3A_964 : vector<1x4xf32> to vector<1x1x4xf32>
      tpu.vector_store %arg1[%swap3A_965, %swap3A_966, %swap3A_967], %swap3A_970 {strides = array<i32>} : memref<3x1024x4xf32, #tpu.memory_space<vmem>>, vector<1x1x4xf32>,
      %squeeze3A_971 = vector.shape_cast %cond3A_962#1 : vector<4x1xf32> to vector<4xf32>
      %broadcast_in_dim3A_972 = vector.shape_cast %squeeze3A_971 : vector<4xf32> to vector<1x4xf32>
      %swap3A_973 = arith.constant 1 : index
      %swap3A_974 = arith.index_cast %scan3A_929 : i32 to index
      %swap3A_975 = arith.constant 0 : index
      %swap3A_976 = vector.load %arg1[%swap3A_973, %swap3A_974, %swap3A_975] : memref<3x1024x4xf32, #tpu.memory_space<vmem>>, vector<1x1x4xf32>
      %swap3A_977 = vector.shape_cast %swap3A_976 : vector<1x1x4xf32> to vector<1x4xf32>
      %swap3A_978 = vector.shape_cast %broadcast_in_dim3A_972 : vector<1x4xf32> to vector<1x1x4xf32>
      tpu.vector_store %arg1[%swap3A_973, %swap3A_974, %swap3A_975], %swap3A_978 {strides = array<i32>} : memref<3x1024x4xf32, #tpu.memory_space<vmem>>, vector<1x1x4xf32>,
      %squeeze3A_979 = vector.shape_cast %cond3A_962#2 : vector<4x1xf32> to vector<4xf32>
      %broadcast_in_dim3A_980 = vector.shape_cast %squeeze3A_979 : vector<4xf32> to vector<1x4xf32>
      %swap3A_981 = arith.constant 2 : index
      %swap3A_982 = arith.index_cast %scan3A_929 : i32 to index
      %swap3A_983 = arith.constant 0 : index
      %swap3A_984 = vector.load %arg1[%swap3A_981, %swap3A_982, %swap3A_983] : memref<3x1024x4xf32, #tpu.memory_space<vmem>>, vector<1x1x4xf32>
      %swap3A_985 = vector.shape_cast %swap3A_984 : vector<1x1x4xf32> to vector<1x4xf32>
      %swap3A_986 = vector.shape_cast %broadcast_in_dim3A_980 : vector<1x4xf32> to vector<1x1x4xf32>
      tpu.vector_store %arg1[%swap3A_981, %swap3A_982, %swap3A_983], %swap3A_986 {strides = array<i32>} : memref<3x1024x4xf32, #tpu.memory_space<vmem>>, vector<1x1x4xf32>,
      %neg3A_987 = arith.constant 0.000000e+00 : f32
      %neg3A_988 = vector.broadcast %neg3A_987 : f32 to vector<4x1xf32>
      %neg3A_989 = arith.subf %neg3A_988, %cond3A_962#0 : vector<4x1xf32>
      %add3A_990 = vector.broadcast %neg3A_989 : vector<4x1xf32> to vector<4x4096xf32>
      %add3A_991 = arith.addf %get3A_3, %add3A_990 : vector<4x4096xf32>
      %sub3A_992 = arith.subf %add3A_991, %get3A_3 : vector<4x4096xf32>
      %sub3A_993 = arith.subf %add3A_991, %sub3A_992 : vector<4x4096xf32>
      %sub3A_994 = arith.subf %get3A_3, %sub3A_993 : vector<4x4096xf32>
      %sub3A_995 = vector.broadcast %neg3A_989 : vector<4x1xf32> to vector<4x4096xf32>
      %sub3A_996 = arith.subf %sub3A_995, %sub3A_992 : vector<4x4096xf32>
      %add3A_997 = arith.addf %sub3A_994, %sub3A_996 : vector<4x4096xf32>
      %mul3A_998 = arith.mulf %add3A_991, %add3A_991 : vector<4x4096xf32>
      %mul3A_999 = arith.constant 4.097000e+03 : f32
      %mul3A_1000 = vector.broadcast %mul3A_999 : f32 to vector<4x4096xf32>
      %mul3A_1001 = arith.mulf %add3A_991, %mul3A_1000 : vector<4x4096xf32>
      %sub3A_1002 = arith.subf %mul3A_1001, %add3A_991 : vector<4x4096xf32>
      %sub3A_1003 = arith.subf %mul3A_1001, %sub3A_1002 : vector<4x4096xf32>
      %sub3A_1004 = arith.subf %add3A_991, %sub3A_1003 : vector<4x4096xf32>
      %mul3A_1005 = arith.mulf %sub3A_1003, %sub3A_1003 : vector<4x4096xf32>
      %sub3A_1006 = arith.subf %mul3A_1005, %mul3A_998 : vector<4x4096xf32>
      %mul3A_1007 = arith.mulf %sub3A_1003, %sub3A_1004 : vector<4x4096xf32>
      %mul3A_1008 = arith.constant 2.000000e+00 : f32
      %mul3A_1009 = vector.broadcast %mul3A_1008 : f32 to vector<4x4096xf32>
      %mul3A_1010 = arith.mulf %mul3A_1009, %mul3A_1007 : vector<4x4096xf32>
      %add3A_1011 = arith.addf %sub3A_1006, %mul3A_1010 : vector<4x4096xf32>
      %mul3A_1012 = arith.mulf %sub3A_1004, %sub3A_1004 : vector<4x4096xf32>
      %add3A_1013 = arith.addf %add3A_1011, %mul3A_1012 : vector<4x4096xf32>
      %mul3A_1014 = arith.mulf %add3A_991, %add3A_997 : vector<4x4096xf32>
      %mul3A_1015 = arith.constant 2.000000e+00 : f32
      %mul3A_1016 = vector.broadcast %mul3A_1015 : f32 to vector<4x4096xf32>
      %mul3A_1017 = arith.mulf %mul3A_1016, %mul3A_1014 : vector<4x4096xf32>
      %add3A_1018 = arith.addf %add3A_1013, %mul3A_1017 : vector<4x4096xf32>
      %add3A_1019 = arith.addf %mul3A_998, %add3A_1018 : vector<4x4096xf32>
      %sub3A_1020 = arith.subf %add3A_1019, %mul3A_998 : vector<4x4096xf32>
      %sub3A_1021 = arith.subf %add3A_1018, %sub3A_1020 : vector<4x4096xf32>
      %neg3A_1022 = arith.constant 0.000000e+00 : f32
      %neg3A_1023 = vector.broadcast %neg3A_1022 : f32 to vector<4x1xf32>
      %neg3A_1024 = arith.subf %neg3A_1023, %cond3A_962#1 : vector<4x1xf32>
      %add3A_1025 = vector.broadcast %neg3A_1024 : vector<4x1xf32> to vector<4x4096xf32>
      %add3A_1026 = arith.addf %get3A_8, %add3A_1025 : vector<4x4096xf32>
      %sub3A_1027 = arith.subf %add3A_1026, %get3A_8 : vector<4x4096xf32>
      %sub3A_1028 = arith.subf %add3A_1026, %sub3A_1027 : vector<4x4096xf32>
      %sub3A_1029 = arith.subf %get3A_8, %sub3A_1028 : vector<4x4096xf32>
      %sub3A_1030 = vector.broadcast %neg3A_1024 : vector<4x1xf32> to vector<4x4096xf32>
      %sub3A_1031 = arith.subf %sub3A_1030, %sub3A_1027 : vector<4x4096xf32>
      %add3A_1032 = arith.addf %sub3A_1029, %sub3A_1031 : vector<4x4096xf32>
      %mul3A_1033 = arith.mulf %add3A_1026, %add3A_1026 : vector<4x4096xf32>
      %mul3A_1034 = arith.constant 4.097000e+03 : f32
      %mul3A_1035 = vector.broadcast %mul3A_1034 : f32 to vector<4x4096xf32>
      %mul3A_1036 = arith.mulf %add3A_1026, %mul3A_1035 : vector<4x4096xf32>
      %sub3A_1037 = arith.subf %mul3A_1036, %add3A_1026 : vector<4x4096xf32>
      %sub3A_1038 = arith.subf %mul3A_1036, %sub3A_1037 : vector<4x4096xf32>
      %sub3A_1039 = arith.subf %add3A_1026, %sub3A_1038 : vector<4x4096xf32>
      %mul3A_1040 = arith.mulf %sub3A_1038, %sub3A_1038 : vector<4x4096xf32>
      %sub3A_1041 = arith.subf %mul3A_1040, %mul3A_1033 : vector<4x4096xf32>
      %mul3A_1042 = arith.mulf %sub3A_1038, %sub3A_1039 : vector<4x4096xf32>
      %mul3A_1043 = arith.constant 2.000000e+00 : f32
      %mul3A_1044 = vector.broadcast %mul3A_1043 : f32 to vector<4x4096xf32>
      %mul3A_1045 = arith.mulf %mul3A_1044, %mul3A_1042 : vector<4x4096xf32>
      %add3A_1046 = arith.addf %sub3A_1041, %mul3A_1045 : vector<4x4096xf32>
      %mul3A_1047 = arith.mulf %sub3A_1039, %sub3A_1039 : vector<4x4096xf32>
      %add3A_1048 = arith.addf %add3A_1046, %mul3A_1047 : vector<4x4096xf32>
      %mul3A_1049 = arith.mulf %add3A_1026, %add3A_1032 : vector<4x4096xf32>
      %mul3A_1050 = arith.constant 2.000000e+00 : f32
      %mul3A_1051 = vector.broadcast %mul3A_1050 : f32 to vector<4x4096xf32>
      %mul3A_1052 = arith.mulf %mul3A_1051, %mul3A_1049 : vector<4x4096xf32>
      %add3A_1053 = arith.addf %add3A_1048, %mul3A_1052 : vector<4x4096xf32>
      %add3A_1054 = arith.addf %mul3A_1033, %add3A_1053 : vector<4x4096xf32>
      %sub3A_1055 = arith.subf %add3A_1054, %mul3A_1033 : vector<4x4096xf32>
      %sub3A_1056 = arith.subf %add3A_1053, %sub3A_1055 : vector<4x4096xf32>
      %neg3A_1057 = arith.constant 0.000000e+00 : f32
      %neg3A_1058 = vector.broadcast %neg3A_1057 : f32 to vector<4x1xf32>
      %neg3A_1059 = arith.subf %neg3A_1058, %cond3A_962#2 : vector<4x1xf32>
      %add3A_1060 = vector.broadcast %neg3A_1059 : vector<4x1xf32> to vector<4x4096xf32>
      %add3A_1061 = arith.addf %get3A_13, %add3A_1060 : vector<4x4096xf32>
      %sub3A_1062 = arith.subf %add3A_1061, %get3A_13 : vector<4x4096xf32>
      %sub3A_1063 = arith.subf %add3A_1061, %sub3A_1062 : vector<4x4096xf32>
      %sub3A_1064 = arith.subf %get3A_13, %sub3A_1063 : vector<4x4096xf32>
      %sub3A_1065 = vector.broadcast %neg3A_1059 : vector<4x1xf32> to vector<4x4096xf32>
      %sub3A_1066 = arith.subf %sub3A_1065, %sub3A_1062 : vector<4x4096xf32>
      %add3A_1067 = arith.addf %sub3A_1064, %sub3A_1066 : vector<4x4096xf32>
      %mul3A_1068 = arith.mulf %add3A_1061, %add3A_1061 : vector<4x4096xf32>
      %mul3A_1069 = arith.constant 4.097000e+03 : f32
      %mul3A_1070 = vector.broadcast %mul3A_1069 : f32 to vector<4x4096xf32>
      %mul3A_1071 = arith.mulf %add3A_1061, %mul3A_1070 : vector<4x4096xf32>
      %sub3A_1072 = arith.subf %mul3A_1071, %add3A_1061 : vector<4x4096xf32>
      %sub3A_1073 = arith.subf %mul3A_1071, %sub3A_1072 : vector<4x4096xf32>
      %sub3A_1074 = arith.subf %add3A_1061, %sub3A_1073 : vector<4x4096xf32>
      %mul3A_1075 = arith.mulf %sub3A_1073, %sub3A_1073 : vector<4x4096xf32>
      %sub3A_1076 = arith.subf %mul3A_1075, %mul3A_1068 : vector<4x4096xf32>
      %mul3A_1077 = arith.mulf %sub3A_1073, %sub3A_1074 : vector<4x4096xf32>
      %mul3A_1078 = arith.constant 2.000000e+00 : f32
      %mul3A_1079 = vector.broadcast %mul3A_1078 : f32 to vector<4x4096xf32>
      %mul3A_1080 = arith.mulf %mul3A_1079, %mul3A_1077 : vector<4x4096xf32>
      %add3A_1081 = arith.addf %sub3A_1076, %mul3A_1080 : vector<4x4096xf32>
      %mul3A_1082 = arith.mulf %sub3A_1074, %sub3A_1074 : vector<4x4096xf32>
      %add3A_1083 = arith.addf %add3A_1081, %mul3A_1082 : vector<4x4096xf32>
      %mul3A_1084 = arith.mulf %add3A_1061, %add3A_1067 : vector<4x4096xf32>
      %mul3A_1085 = arith.constant 2.000000e+00 : f32
      %mul3A_1086 = vector.broadcast %mul3A_1085 : f32 to vector<4x4096xf32>
      %mul3A_1087 = arith.mulf %mul3A_1086, %mul3A_1084 : vector<4x4096xf32>
      %add3A_1088 = arith.addf %add3A_1083, %mul3A_1087 : vector<4x4096xf32>
      %add3A_1089 = arith.addf %mul3A_1068, %add3A_1088 : vector<4x4096xf32>
      %sub3A_1090 = arith.subf %add3A_1089, %mul3A_1068 : vector<4x4096xf32>
      %sub3A_1091 = arith.subf %add3A_1088, %sub3A_1090 : vector<4x4096xf32>
      %add3A_1092 = arith.addf %add3A_1019, %add3A_1054 : vector<4x4096xf32>
      %sub3A_1093 = arith.subf %add3A_1092, %add3A_1019 : vector<4x4096xf32>
      %sub3A_1094 = arith.subf %add3A_1092, %sub3A_1093 : vector<4x4096xf32>
      %sub3A_1095 = arith.subf %add3A_1019, %sub3A_1094 : vector<4x4096xf32>
      %sub3A_1096 = arith.subf %add3A_1054, %sub3A_1093 : vector<4x4096xf32>
      %add3A_1097 = arith.addf %sub3A_1095, %sub3A_1096 : vector<4x4096xf32>
      %add3A_1098 = arith.addf %sub3A_1021, %sub3A_1056 : vector<4x4096xf32>
      %add3A_1099 = arith.addf %add3A_1097, %add3A_1098 : vector<4x4096xf32>
      %add3A_1100 = arith.addf %add3A_1092, %add3A_1099 : vector<4x4096xf32>
      %sub3A_1101 = arith.subf %add3A_1100, %add3A_1092 : vector<4x4096xf32>
      %sub3A_1102 = arith.subf %add3A_1099, %sub3A_1101 : vector<4x4096xf32>
      %add3A_1103 = arith.addf %add3A_1100, %add3A_1089 : vector<4x4096xf32>
      %sub3A_1104 = arith.subf %add3A_1103, %add3A_1100 : vector<4x4096xf32>
      %sub3A_1105 = arith.subf %add3A_1103, %sub3A_1104 : vector<4x4096xf32>
      %sub3A_1106 = arith.subf %add3A_1100, %sub3A_1105 : vector<4x4096xf32>
      %sub3A_1107 = arith.subf %add3A_1089, %sub3A_1104 : vector<4x4096xf32>
      %add3A_1108 = arith.addf %sub3A_1106, %sub3A_1107 : vector<4x4096xf32>
      %add3A_1109 = arith.addf %sub3A_1102, %sub3A_1091 : vector<4x4096xf32>
      %add3A_1110 = arith.addf %add3A_1108, %add3A_1109 : vector<4x4096xf32>
      %add3A_1111 = arith.addf %add3A_1103, %add3A_1110 : vector<4x4096xf32>
      %sub3A_1112 = arith.subf %add3A_1111, %add3A_1103 : vector<4x4096xf32>
      %sub3A_1113 = arith.subf %add3A_1110, %sub3A_1112 : vector<4x4096xf32>
      %lt3A_1114 = arith.cmpf olt, %add3A_1111, %select_n3A_926 : vector<4x4096xf32>
      %eq3A_1115 = arith.cmpf oeq, %add3A_1111, %select_n3A_926 : vector<4x4096xf32>
      %lt3A_1116 = arith.cmpf olt, %sub3A_1113, %select_n3A_927 : vector<4x4096xf32>
      %and3A_1117 = arith.andi %eq3A_1115, %lt3A_1116 : vector<4x4096xi1>
      %or3A_1118 = arith.ori %lt3A_1114, %and3A_1117 : vector<4x4096xi1>
      %select_n3A_1119 = arith.select %or3A_1118, %add3A_1111, %select_n3A_926 : vector<4x4096xi1>, vector<4x4096xf32>
      %select_n3A_1120 = arith.select %or3A_1118, %sub3A_1113, %select_n3A_927 : vector<4x4096xi1>, vector<4x4096xf32>
      %scan3A_1121 = arith.constant 2 : i32
      %scan3A_1122 = arith.addi %scan3A_734, %scan3A_1121 : i32
      %reduce_max3A_1123 = arith.constant dense<0xFF800000> : vector<4xf32>
      %reduce_max3A_1124 = vector.multi_reduction <maximumf>, %select_n3A_1119, %reduce_max3A_1123 [1] : vector<4x4096xf32> to vector<4xf32>
      %broadcast_in_dim3A_1125 = vector.shape_cast %reduce_max3A_1124 : vector<4xf32> to vector<4x1xf32>
      %eq3A_1126 = vector.broadcast %broadcast_in_dim3A_1125 : vector<4x1xf32> to vector<4x4096xf32>
      %eq3A_1127 = arith.cmpf oeq, %select_n3A_1119, %eq3A_1126 : vector<4x4096xf32>
      %convert_element_type3A_1128 = arith.extui %eq3A_1127 : vector<4x4096xi1> to vector<4x4096xi32>
      %convert_element_type3A_1129 = arith.sitofp %convert_element_type3A_1128 : vector<4x4096xi32> to vector<4x4096xf32>
      %reduce_sum3A_1130 = arith.constant dense<0.000000e+00> : vector<4xf32>
      %reduce_sum3A_1131 = vector.multi_reduction <add>, %convert_element_type3A_1129, %reduce_sum3A_1130 [1] : vector<4x4096xf32> to vector<4xf32>
      %broadcast_in_dim3A_1132 = vector.shape_cast %reduce_sum3A_1131 : vector<4xf32> to vector<4x1xf32>
      %mul3A_1133 = arith.mulf %get3A_3, %convert_element_type3A_1129 : vector<4x4096xf32>
      %reduce_sum3A_1134 = arith.constant dense<0.000000e+00> : vector<4xf32>
      %reduce_sum3A_1135 = vector.multi_reduction <add>, %mul3A_1133, %reduce_sum3A_1134 [1] : vector<4x4096xf32> to vector<4xf32>
      %broadcast_in_dim3A_1136 = vector.shape_cast %reduce_sum3A_1135 : vector<4xf32> to vector<4x1xf32>
      %mul3A_1137 = arith.mulf %get3A_8, %convert_element_type3A_1129 : vector<4x4096xf32>
      %reduce_sum3A_1138 = arith.constant dense<0.000000e+00> : vector<4xf32>
      %reduce_sum3A_1139 = vector.multi_reduction <add>, %mul3A_1137, %reduce_sum3A_1138 [1] : vector<4x4096xf32> to vector<4xf32>
      %broadcast_in_dim3A_1140 = vector.shape_cast %reduce_sum3A_1139 : vector<4xf32> to vector<4x1xf32>
      %mul3A_1141 = arith.mulf %get3A_13, %convert_element_type3A_1129 : vector<4x4096xf32>
      %reduce_sum3A_1142 = arith.constant dense<0.000000e+00> : vector<4xf32>
      %reduce_sum3A_1143 = vector.multi_reduction <add>, %mul3A_1141, %reduce_sum3A_1142 [1] : vector<4x4096xf32> to vector<4xf32>
      %broadcast_in_dim3A_1144 = vector.shape_cast %reduce_sum3A_1143 : vector<4xf32> to vector<4x1xf32>
      %reduce_max3A_1145 = vector.shape_cast %broadcast_in_dim3A_1132 : vector<4x1xf32> to vector<1x4x1xf32>
      %reduce_max3A_1146 = arith.constant dense<0xFF800000> : vector<1xf32>
      %reduce_max3A_1147 = vector.multi_reduction <maximumf>, %reduce_max3A_1145, %reduce_max3A_1146 [1, 2] : vector<1x4x1xf32> to vector<1xf32>
      %reduce_max3A_1148 = vector.shape_cast %reduce_max3A_1147 : vector<1xf32> to vector<1x1x1xf32>
      %reduce_max3A_1149 = vector.extract %reduce_max3A_1148[0, 0, 0] : f32 from vector<1x1x1xf32>
      %gt3A_1150 = arith.constant 1.000000e+00 : f32
      %gt3A_1151 = arith.cmpf ogt, %reduce_max3A_1149, %gt3A_1150 : f32
      %convert_element_type3A_1152 = arith.extui %gt3A_1151 : i1 to i32
      %cond3A_1153 = arith.constant 0 : i32
      %cond3A_1154 = arith.cmpi ne, %convert_element_type3A_1152, %cond3A_1153 : i32
      %cond3A_1155:3 = scf.if %cond3A_1154 -> (vector<4x1xf32>, vector<4x1xf32>, vector<4x1xf32>) {
        %jit3A = arith.constant 0xFFF0000000000000 : f64
        %convert_element_type3A_1507 = arith.truncf %jit3A : f64 to f32
        %broadcast_in_dim3A_1508 = vector.broadcast %convert_element_type3A_1507 : f32 to vector<4x4096xf32>
        %select_n3A_1509 = arith.select %eq3A_1127, %select_n3A_1120, %broadcast_in_dim3A_1508 : vector<4x4096xi1>, vector<4x4096xf32>
        %reduce_max3A_1510 = arith.constant dense<0xFF800000> : vector<4xf32>
        %reduce_max3A_1511 = vector.multi_reduction <maximumf>, %select_n3A_1509, %reduce_max3A_1510 [1] : vector<4x4096xf32> to vector<4xf32>
        %broadcast_in_dim3A_1512 = vector.shape_cast %reduce_max3A_1511 : vector<4xf32> to vector<4x1xf32>
        %eq3A_1513 = vector.broadcast %broadcast_in_dim3A_1512 : vector<4x1xf32> to vector<4x4096xf32>
        %eq3A_1514 = arith.cmpf oeq, %select_n3A_1120, %eq3A_1513 : vector<4x4096xf32>
        %and3A_1515 = arith.andi %eq3A_1127, %eq3A_1514 : vector<4x4096xi1>
        %jit3A_1516 = arith.constant 4096 : i32
        %broadcast_in_dim3A_1517 = vector.broadcast %jit3A_1516 : i32 to vector<4x4096xi32>
        %select_n3A_1518 = arith.select %and3A_1515, %iota3A, %broadcast_in_dim3A_1517 : vector<4x4096xi1>, vector<4x4096xi32>
        %reduce_min3A = arith.constant dense<2147483647> : vector<4xi32>
        %reduce_min3A_1519 = vector.multi_reduction <minsi>, %select_n3A_1518, %reduce_min3A [1] : vector<4x4096xi32> to vector<4xi32>
        %broadcast_in_dim3A_1520 = vector.shape_cast %reduce_min3A_1519 : vector<4xi32> to vector<4x1xi32>
        %eq3A_1521 = vector.broadcast %broadcast_in_dim3A_1520 : vector<4x1xi32> to vector<4x4096xi32>
        %eq3A_1522 = arith.cmpi eq, %iota3A, %eq3A_1521 : vector<4x4096xi32>
        %convert_element_type3A_1523 = arith.extui %eq3A_1522 : vector<4x4096xi1> to vector<4x4096xi32>
        %convert_element_type3A_1524 = arith.sitofp %convert_element_type3A_1523 : vector<4x4096xi32> to vector<4x4096xf32>
        %mul3A_1525 = arith.mulf %get3A_3, %convert_element_type3A_1524 : vector<4x4096xf32>
        %reduce_sum3A_1526 = arith.constant dense<0.000000e+00> : vector<4xf32>
        %reduce_sum3A_1527 = vector.multi_reduction <add>, %mul3A_1525, %reduce_sum3A_1526 [1] : vector<4x4096xf32> to vector<4xf32>
        %broadcast_in_dim3A_1528 = vector.shape_cast %reduce_sum3A_1527 : vector<4xf32> to vector<4x1xf32>
        %mul3A_1529 = arith.mulf %get3A_8, %convert_element_type3A_1524 : vector<4x4096xf32>
        %reduce_sum3A_1530 = arith.constant dense<0.000000e+00> : vector<4xf32>
        %reduce_sum3A_1531 = vector.multi_reduction <add>, %mul3A_1529, %reduce_sum3A_1530 [1] : vector<4x4096xf32> to vector<4xf32>
        %broadcast_in_dim3A_1532 = vector.shape_cast %reduce_sum3A_1531 : vector<4xf32> to vector<4x1xf32>
        %mul3A_1533 = arith.mulf %get3A_13, %convert_element_type3A_1524 : vector<4x4096xf32>
        %reduce_sum3A_1534 = arith.constant dense<0.000000e+00> : vector<4xf32>
        %reduce_sum3A_1535 = vector.multi_reduction <add>, %mul3A_1533, %reduce_sum3A_1534 [1] : vector<4x4096xf32> to vector<4xf32>
        %broadcast_in_dim3A_1536 = vector.shape_cast %reduce_sum3A_1535 : vector<4xf32> to vector<4x1xf32>
        scf.yield %broadcast_in_dim3A_1528, %broadcast_in_dim3A_1532, %broadcast_in_dim3A_1536 : vector<4x1xf32>, vector<4x1xf32>, vector<4x1xf32>
      } else {
        scf.yield %broadcast_in_dim3A_1136, %broadcast_in_dim3A_1140, %broadcast_in_dim3A_1144 : vector<4x1xf32>, vector<4x1xf32>, vector<4x1xf32>
      }
      %squeeze3A_1156 = vector.shape_cast %cond3A_1155#0 : vector<4x1xf32> to vector<4xf32>
      %broadcast_in_dim3A_1157 = vector.shape_cast %squeeze3A_1156 : vector<4xf32> to vector<1x4xf32>
      %swap3A_1158 = arith.constant 0 : index
      %swap3A_1159 = arith.index_cast %scan3A_1122 : i32 to index
      %swap3A_1160 = arith.constant 0 : index
      %swap3A_1161 = vector.load %arg1[%swap3A_1158, %swap3A_1159, %swap3A_1160] : memref<3x1024x4xf32, #tpu.memory_space<vmem>>, vector<1x1x4xf32>
      %swap3A_1162 = vector.shape_cast %swap3A_1161 : vector<1x1x4xf32> to vector<1x4xf32>
      %swap3A_1163 = vector.shape_cast %broadcast_in_dim3A_1157 : vector<1x4xf32> to vector<1x1x4xf32>
      tpu.vector_store %arg1[%swap3A_1158, %swap3A_1159, %swap3A_1160], %swap3A_1163 {strides = array<i32>} : memref<3x1024x4xf32, #tpu.memory_space<vmem>>, vector<1x1x4xf32>,
      %squeeze3A_1164 = vector.shape_cast %cond3A_1155#1 : vector<4x1xf32> to vector<4xf32>
      %broadcast_in_dim3A_1165 = vector.shape_cast %squeeze3A_1164 : vector<4xf32> to vector<1x4xf32>
      %swap3A_1166 = arith.constant 1 : index
      %swap3A_1167 = arith.index_cast %scan3A_1122 : i32 to index
      %swap3A_1168 = arith.constant 0 : index
      %swap3A_1169 = vector.load %arg1[%swap3A_1166, %swap3A_1167, %swap3A_1168] : memref<3x1024x4xf32, #tpu.memory_space<vmem>>, vector<1x1x4xf32>
      %swap3A_1170 = vector.shape_cast %swap3A_1169 : vector<1x1x4xf32> to vector<1x4xf32>
      %swap3A_1171 = vector.shape_cast %broadcast_in_dim3A_1165 : vector<1x4xf32> to vector<1x1x4xf32>
      tpu.vector_store %arg1[%swap3A_1166, %swap3A_1167, %swap3A_1168], %swap3A_1171 {strides = array<i32>} : memref<3x1024x4xf32, #tpu.memory_space<vmem>>, vector<1x1x4xf32>,
      %squeeze3A_1172 = vector.shape_cast %cond3A_1155#2 : vector<4x1xf32> to vector<4xf32>
      %broadcast_in_dim3A_1173 = vector.shape_cast %squeeze3A_1172 : vector<4xf32> to vector<1x4xf32>
      %swap3A_1174 = arith.constant 2 : index
      %swap3A_1175 = arith.index_cast %scan3A_1122 : i32 to index
      %swap3A_1176 = arith.constant 0 : index
      %swap3A_1177 = vector.load %arg1[%swap3A_1174, %swap3A_1175, %swap3A_1176] : memref<3x1024x4xf32, #tpu.memory_space<vmem>>, vector<1x1x4xf32>
      %swap3A_1178 = vector.shape_cast %swap3A_1177 : vector<1x1x4xf32> to vector<1x4xf32>
      %swap3A_1179 = vector.shape_cast %broadcast_in_dim3A_1173 : vector<1x4xf32> to vector<1x1x4xf32>
      tpu.vector_store %arg1[%swap3A_1174, %swap3A_1175, %swap3A_1176], %swap3A_1179 {strides = array<i32>} : memref<3x1024x4xf32, #tpu.memory_space<vmem>>, vector<1x1x4xf32>,
      %neg3A_1180 = arith.constant 0.000000e+00 : f32
      %neg3A_1181 = vector.broadcast %neg3A_1180 : f32 to vector<4x1xf32>
      %neg3A_1182 = arith.subf %neg3A_1181, %cond3A_1155#0 : vector<4x1xf32>
      %add3A_1183 = vector.broadcast %neg3A_1182 : vector<4x1xf32> to vector<4x4096xf32>
      %add3A_1184 = arith.addf %get3A_3, %add3A_1183 : vector<4x4096xf32>
      %sub3A_1185 = arith.subf %add3A_1184, %get3A_3 : vector<4x4096xf32>
      %sub3A_1186 = arith.subf %add3A_1184, %sub3A_1185 : vector<4x4096xf32>
      %sub3A_1187 = arith.subf %get3A_3, %sub3A_1186 : vector<4x4096xf32>
      %sub3A_1188 = vector.broadcast %neg3A_1182 : vector<4x1xf32> to vector<4x4096xf32>
      %sub3A_1189 = arith.subf %sub3A_1188, %sub3A_1185 : vector<4x4096xf32>
      %add3A_1190 = arith.addf %sub3A_1187, %sub3A_1189 : vector<4x4096xf32>
      %mul3A_1191 = arith.mulf %add3A_1184, %add3A_1184 : vector<4x4096xf32>
      %mul3A_1192 = arith.constant 4.097000e+03 : f32
      %mul3A_1193 = vector.broadcast %mul3A_1192 : f32 to vector<4x4096xf32>
      %mul3A_1194 = arith.mulf %add3A_1184, %mul3A_1193 : vector<4x4096xf32>
      %sub3A_1195 = arith.subf %mul3A_1194, %add3A_1184 : vector<4x4096xf32>
      %sub3A_1196 = arith.subf %mul3A_1194, %sub3A_1195 : vector<4x4096xf32>
      %sub3A_1197 = arith.subf %add3A_1184, %sub3A_1196 : vector<4x4096xf32>
      %mul3A_1198 = arith.mulf %sub3A_1196, %sub3A_1196 : vector<4x4096xf32>
      %sub3A_1199 = arith.subf %mul3A_1198, %mul3A_1191 : vector<4x4096xf32>
      %mul3A_1200 = arith.mulf %sub3A_1196, %sub3A_1197 : vector<4x4096xf32>
      %mul3A_1201 = arith.constant 2.000000e+00 : f32
      %mul3A_1202 = vector.broadcast %mul3A_1201 : f32 to vector<4x4096xf32>
      %mul3A_1203 = arith.mulf %mul3A_1202, %mul3A_1200 : vector<4x4096xf32>
      %add3A_1204 = arith.addf %sub3A_1199, %mul3A_1203 : vector<4x4096xf32>
      %mul3A_1205 = arith.mulf %sub3A_1197, %sub3A_1197 : vector<4x4096xf32>
      %add3A_1206 = arith.addf %add3A_1204, %mul3A_1205 : vector<4x4096xf32>
      %mul3A_1207 = arith.mulf %add3A_1184, %add3A_1190 : vector<4x4096xf32>
      %mul3A_1208 = arith.constant 2.000000e+00 : f32
      %mul3A_1209 = vector.broadcast %mul3A_1208 : f32 to vector<4x4096xf32>
      %mul3A_1210 = arith.mulf %mul3A_1209, %mul3A_1207 : vector<4x4096xf32>
      %add3A_1211 = arith.addf %add3A_1206, %mul3A_1210 : vector<4x4096xf32>
      %add3A_1212 = arith.addf %mul3A_1191, %add3A_1211 : vector<4x4096xf32>
      %sub3A_1213 = arith.subf %add3A_1212, %mul3A_1191 : vector<4x4096xf32>
      %sub3A_1214 = arith.subf %add3A_1211, %sub3A_1213 : vector<4x4096xf32>
      %neg3A_1215 = arith.constant 0.000000e+00 : f32
      %neg3A_1216 = vector.broadcast %neg3A_1215 : f32 to vector<4x1xf32>
      %neg3A_1217 = arith.subf %neg3A_1216, %cond3A_1155#1 : vector<4x1xf32>
      %add3A_1218 = vector.broadcast %neg3A_1217 : vector<4x1xf32> to vector<4x4096xf32>
      %add3A_1219 = arith.addf %get3A_8, %add3A_1218 : vector<4x4096xf32>
      %sub3A_1220 = arith.subf %add3A_1219, %get3A_8 : vector<4x4096xf32>
      %sub3A_1221 = arith.subf %add3A_1219, %sub3A_1220 : vector<4x4096xf32>
      %sub3A_1222 = arith.subf %get3A_8, %sub3A_1221 : vector<4x4096xf32>
      %sub3A_1223 = vector.broadcast %neg3A_1217 : vector<4x1xf32> to vector<4x4096xf32>
      %sub3A_1224 = arith.subf %sub3A_1223, %sub3A_1220 : vector<4x4096xf32>
      %add3A_1225 = arith.addf %sub3A_1222, %sub3A_1224 : vector<4x4096xf32>
      %mul3A_1226 = arith.mulf %add3A_1219, %add3A_1219 : vector<4x4096xf32>
      %mul3A_1227 = arith.constant 4.097000e+03 : f32
      %mul3A_1228 = vector.broadcast %mul3A_1227 : f32 to vector<4x4096xf32>
      %mul3A_1229 = arith.mulf %add3A_1219, %mul3A_1228 : vector<4x4096xf32>
      %sub3A_1230 = arith.subf %mul3A_1229, %add3A_1219 : vector<4x4096xf32>
      %sub3A_1231 = arith.subf %mul3A_1229, %sub3A_1230 : vector<4x4096xf32>
      %sub3A_1232 = arith.subf %add3A_1219, %sub3A_1231 : vector<4x4096xf32>
      %mul3A_1233 = arith.mulf %sub3A_1231, %sub3A_1231 : vector<4x4096xf32>
      %sub3A_1234 = arith.subf %mul3A_1233, %mul3A_1226 : vector<4x4096xf32>
      %mul3A_1235 = arith.mulf %sub3A_1231, %sub3A_1232 : vector<4x4096xf32>
      %mul3A_1236 = arith.constant 2.000000e+00 : f32
      %mul3A_1237 = vector.broadcast %mul3A_1236 : f32 to vector<4x4096xf32>
      %mul3A_1238 = arith.mulf %mul3A_1237, %mul3A_1235 : vector<4x4096xf32>
      %add3A_1239 = arith.addf %sub3A_1234, %mul3A_1238 : vector<4x4096xf32>
      %mul3A_1240 = arith.mulf %sub3A_1232, %sub3A_1232 : vector<4x4096xf32>
      %add3A_1241 = arith.addf %add3A_1239, %mul3A_1240 : vector<4x4096xf32>
      %mul3A_1242 = arith.mulf %add3A_1219, %add3A_1225 : vector<4x4096xf32>
      %mul3A_1243 = arith.constant 2.000000e+00 : f32
      %mul3A_1244 = vector.broadcast %mul3A_1243 : f32 to vector<4x4096xf32>
      %mul3A_1245 = arith.mulf %mul3A_1244, %mul3A_1242 : vector<4x4096xf32>
      %add3A_1246 = arith.addf %add3A_1241, %mul3A_1245 : vector<4x4096xf32>
      %add3A_1247 = arith.addf %mul3A_1226, %add3A_1246 : vector<4x4096xf32>
      %sub3A_1248 = arith.subf %add3A_1247, %mul3A_1226 : vector<4x4096xf32>
      %sub3A_1249 = arith.subf %add3A_1246, %sub3A_1248 : vector<4x4096xf32>
      %neg3A_1250 = arith.constant 0.000000e+00 : f32
      %neg3A_1251 = vector.broadcast %neg3A_1250 : f32 to vector<4x1xf32>
      %neg3A_1252 = arith.subf %neg3A_1251, %cond3A_1155#2 : vector<4x1xf32>
      %add3A_1253 = vector.broadcast %neg3A_1252 : vector<4x1xf32> to vector<4x4096xf32>
      %add3A_1254 = arith.addf %get3A_13, %add3A_1253 : vector<4x4096xf32>
      %sub3A_1255 = arith.subf %add3A_1254, %get3A_13 : vector<4x4096xf32>
      %sub3A_1256 = arith.subf %add3A_1254, %sub3A_1255 : vector<4x4096xf32>
      %sub3A_1257 = arith.subf %get3A_13, %sub3A_1256 : vector<4x4096xf32>
      %sub3A_1258 = vector.broadcast %neg3A_1252 : vector<4x1xf32> to vector<4x4096xf32>
      %sub3A_1259 = arith.subf %sub3A_1258, %sub3A_1255 : vector<4x4096xf32>
      %add3A_1260 = arith.addf %sub3A_1257, %sub3A_1259 : vector<4x4096xf32>
      %mul3A_1261 = arith.mulf %add3A_1254, %add3A_1254 : vector<4x4096xf32>
      %mul3A_1262 = arith.constant 4.097000e+03 : f32
      %mul3A_1263 = vector.broadcast %mul3A_1262 : f32 to vector<4x4096xf32>
      %mul3A_1264 = arith.mulf %add3A_1254, %mul3A_1263 : vector<4x4096xf32>
      %sub3A_1265 = arith.subf %mul3A_1264, %add3A_1254 : vector<4x4096xf32>
      %sub3A_1266 = arith.subf %mul3A_1264, %sub3A_1265 : vector<4x4096xf32>
      %sub3A_1267 = arith.subf %add3A_1254, %sub3A_1266 : vector<4x4096xf32>
      %mul3A_1268 = arith.mulf %sub3A_1266, %sub3A_1266 : vector<4x4096xf32>
      %sub3A_1269 = arith.subf %mul3A_1268, %mul3A_1261 : vector<4x4096xf32>
      %mul3A_1270 = arith.mulf %sub3A_1266, %sub3A_1267 : vector<4x4096xf32>
      %mul3A_1271 = arith.constant 2.000000e+00 : f32
      %mul3A_1272 = vector.broadcast %mul3A_1271 : f32 to vector<4x4096xf32>
      %mul3A_1273 = arith.mulf %mul3A_1272, %mul3A_1270 : vector<4x4096xf32>
      %add3A_1274 = arith.addf %sub3A_1269, %mul3A_1273 : vector<4x4096xf32>
      %mul3A_1275 = arith.mulf %sub3A_1267, %sub3A_1267 : vector<4x4096xf32>
      %add3A_1276 = arith.addf %add3A_1274, %mul3A_1275 : vector<4x4096xf32>
      %mul3A_1277 = arith.mulf %add3A_1254, %add3A_1260 : vector<4x4096xf32>
      %mul3A_1278 = arith.constant 2.000000e+00 : f32
      %mul3A_1279 = vector.broadcast %mul3A_1278 : f32 to vector<4x4096xf32>
      %mul3A_1280 = arith.mulf %mul3A_1279, %mul3A_1277 : vector<4x4096xf32>
      %add3A_1281 = arith.addf %add3A_1276, %mul3A_1280 : vector<4x4096xf32>
      %add3A_1282 = arith.addf %mul3A_1261, %add3A_1281 : vector<4x4096xf32>
      %sub3A_1283 = arith.subf %add3A_1282, %mul3A_1261 : vector<4x4096xf32>
      %sub3A_1284 = arith.subf %add3A_1281, %sub3A_1283 : vector<4x4096xf32>
      %add3A_1285 = arith.addf %add3A_1212, %add3A_1247 : vector<4x4096xf32>
      %sub3A_1286 = arith.subf %add3A_1285, %add3A_1212 : vector<4x4096xf32>
      %sub3A_1287 = arith.subf %add3A_1285, %sub3A_1286 : vector<4x4096xf32>
      %sub3A_1288 = arith.subf %add3A_1212, %sub3A_1287 : vector<4x4096xf32>
      %sub3A_1289 = arith.subf %add3A_1247, %sub3A_1286 : vector<4x4096xf32>
      %add3A_1290 = arith.addf %sub3A_1288, %sub3A_1289 : vector<4x4096xf32>
      %add3A_1291 = arith.addf %sub3A_1214, %sub3A_1249 : vector<4x4096xf32>
      %add3A_1292 = arith.addf %add3A_1290, %add3A_1291 : vector<4x4096xf32>
      %add3A_1293 = arith.addf %add3A_1285, %add3A_1292 : vector<4x4096xf32>
      %sub3A_1294 = arith.subf %add3A_1293, %add3A_1285 : vector<4x4096xf32>
      %sub3A_1295 = arith.subf %add3A_1292, %sub3A_1294 : vector<4x4096xf32>
      %add3A_1296 = arith.addf %add3A_1293, %add3A_1282 : vector<4x4096xf32>
      %sub3A_1297 = arith.subf %add3A_1296, %add3A_1293 : vector<4x4096xf32>
      %sub3A_1298 = arith.subf %add3A_1296, %sub3A_1297 : vector<4x4096xf32>
      %sub3A_1299 = arith.subf %add3A_1293, %sub3A_1298 : vector<4x4096xf32>
      %sub3A_1300 = arith.subf %add3A_1282, %sub3A_1297 : vector<4x4096xf32>
      %add3A_1301 = arith.addf %sub3A_1299, %sub3A_1300 : vector<4x4096xf32>
      %add3A_1302 = arith.addf %sub3A_1295, %sub3A_1284 : vector<4x4096xf32>
      %add3A_1303 = arith.addf %add3A_1301, %add3A_1302 : vector<4x4096xf32>
      %add3A_1304 = arith.addf %add3A_1296, %add3A_1303 : vector<4x4096xf32>
      %sub3A_1305 = arith.subf %add3A_1304, %add3A_1296 : vector<4x4096xf32>
      %sub3A_1306 = arith.subf %add3A_1303, %sub3A_1305 : vector<4x4096xf32>
      %lt3A_1307 = arith.cmpf olt, %add3A_1304, %select_n3A_1119 : vector<4x4096xf32>
      %eq3A_1308 = arith.cmpf oeq, %add3A_1304, %select_n3A_1119 : vector<4x4096xf32>
      %lt3A_1309 = arith.cmpf olt, %sub3A_1306, %select_n3A_1120 : vector<4x4096xf32>
      %and3A_1310 = arith.andi %eq3A_1308, %lt3A_1309 : vector<4x4096xi1>
      %or3A_1311 = arith.ori %lt3A_1307, %and3A_1310 : vector<4x4096xi1>
      %select_n3A_1312 = arith.select %or3A_1311, %add3A_1304, %select_n3A_1119 : vector<4x4096xi1>, vector<4x4096xf32>
      %select_n3A_1313 = arith.select %or3A_1311, %sub3A_1306, %select_n3A_1120 : vector<4x4096xi1>, vector<4x4096xf32>
      %scan3A_1314 = arith.constant 3 : i32
      %scan3A_1315 = arith.addi %scan3A_734, %scan3A_1314 : i32
      %reduce_max3A_1316 = arith.constant dense<0xFF800000> : vector<4xf32>
      %reduce_max3A_1317 = vector.multi_reduction <maximumf>, %select_n3A_1312, %reduce_max3A_1316 [1] : vector<4x4096xf32> to vector<4xf32>
      %broadcast_in_dim3A_1318 = vector.shape_cast %reduce_max3A_1317 : vector<4xf32> to vector<4x1xf32>
      %eq3A_1319 = vector.broadcast %broadcast_in_dim3A_1318 : vector<4x1xf32> to vector<4x4096xf32>
      %eq3A_1320 = arith.cmpf oeq, %select_n3A_1312, %eq3A_1319 : vector<4x4096xf32>
      %convert_element_type3A_1321 = arith.extui %eq3A_1320 : vector<4x4096xi1> to vector<4x4096xi32>
      %convert_element_type3A_1322 = arith.sitofp %convert_element_type3A_1321 : vector<4x4096xi32> to vector<4x4096xf32>
      %reduce_sum3A_1323 = arith.constant dense<0.000000e+00> : vector<4xf32>
      %reduce_sum3A_1324 = vector.multi_reduction <add>, %convert_element_type3A_1322, %reduce_sum3A_1323 [1] : vector<4x4096xf32> to vector<4xf32>
      %broadcast_in_dim3A_1325 = vector.shape_cast %reduce_sum3A_1324 : vector<4xf32> to vector<4x1xf32>
      %mul3A_1326 = arith.mulf %get3A_3, %convert_element_type3A_1322 : vector<4x4096xf32>
      %reduce_sum3A_1327 = arith.constant dense<0.000000e+00> : vector<4xf32>
      %reduce_sum3A_1328 = vector.multi_reduction <add>, %mul3A_1326, %reduce_sum3A_1327 [1] : vector<4x4096xf32> to vector<4xf32>
      %broadcast_in_dim3A_1329 = vector.shape_cast %reduce_sum3A_1328 : vector<4xf32> to vector<4x1xf32>
      %mul3A_1330 = arith.mulf %get3A_8, %convert_element_type3A_1322 : vector<4x4096xf32>
      %reduce_sum3A_1331 = arith.constant dense<0.000000e+00> : vector<4xf32>
      %reduce_sum3A_1332 = vector.multi_reduction <add>, %mul3A_1330, %reduce_sum3A_1331 [1] : vector<4x4096xf32> to vector<4xf32>
      %broadcast_in_dim3A_1333 = vector.shape_cast %reduce_sum3A_1332 : vector<4xf32> to vector<4x1xf32>
      %mul3A_1334 = arith.mulf %get3A_13, %convert_element_type3A_1322 : vector<4x4096xf32>
      %reduce_sum3A_1335 = arith.constant dense<0.000000e+00> : vector<4xf32>
      %reduce_sum3A_1336 = vector.multi_reduction <add>, %mul3A_1334, %reduce_sum3A_1335 [1] : vector<4x4096xf32> to vector<4xf32>
      %broadcast_in_dim3A_1337 = vector.shape_cast %reduce_sum3A_1336 : vector<4xf32> to vector<4x1xf32>
      %reduce_max3A_1338 = vector.shape_cast %broadcast_in_dim3A_1325 : vector<4x1xf32> to vector<1x4x1xf32>
      %reduce_max3A_1339 = arith.constant dense<0xFF800000> : vector<1xf32>
      %reduce_max3A_1340 = vector.multi_reduction <maximumf>, %reduce_max3A_1338, %reduce_max3A_1339 [1, 2] : vector<1x4x1xf32> to vector<1xf32>
      %reduce_max3A_1341 = vector.shape_cast %reduce_max3A_1340 : vector<1xf32> to vector<1x1x1xf32>
      %reduce_max3A_1342 = vector.extract %reduce_max3A_1341[0, 0, 0] : f32 from vector<1x1x1xf32>
      %gt3A_1343 = arith.constant 1.000000e+00 : f32
      %gt3A_1344 = arith.cmpf ogt, %reduce_max3A_1342, %gt3A_1343 : f32
      %convert_element_type3A_1345 = arith.extui %gt3A_1344 : i1 to i32
      %cond3A_1346 = arith.constant 0 : i32
      %cond3A_1347 = arith.cmpi ne, %convert_element_type3A_1345, %cond3A_1346 : i32
      %cond3A_1348:3 = scf.if %cond3A_1347 -> (vector<4x1xf32>, vector<4x1xf32>, vector<4x1xf32>) {
        %jit3A = arith.constant 0xFFF0000000000000 : f64
        %convert_element_type3A_1507 = arith.truncf %jit3A : f64 to f32
        %broadcast_in_dim3A_1508 = vector.broadcast %convert_element_type3A_1507 : f32 to vector<4x4096xf32>
        %select_n3A_1509 = arith.select %eq3A_1320, %select_n3A_1313, %broadcast_in_dim3A_1508 : vector<4x4096xi1>, vector<4x4096xf32>
        %reduce_max3A_1510 = arith.constant dense<0xFF800000> : vector<4xf32>
        %reduce_max3A_1511 = vector.multi_reduction <maximumf>, %select_n3A_1509, %reduce_max3A_1510 [1] : vector<4x4096xf32> to vector<4xf32>
        %broadcast_in_dim3A_1512 = vector.shape_cast %reduce_max3A_1511 : vector<4xf32> to vector<4x1xf32>
        %eq3A_1513 = vector.broadcast %broadcast_in_dim3A_1512 : vector<4x1xf32> to vector<4x4096xf32>
        %eq3A_1514 = arith.cmpf oeq, %select_n3A_1313, %eq3A_1513 : vector<4x4096xf32>
        %and3A_1515 = arith.andi %eq3A_1320, %eq3A_1514 : vector<4x4096xi1>
        %jit3A_1516 = arith.constant 4096 : i32
        %broadcast_in_dim3A_1517 = vector.broadcast %jit3A_1516 : i32 to vector<4x4096xi32>
        %select_n3A_1518 = arith.select %and3A_1515, %iota3A, %broadcast_in_dim3A_1517 : vector<4x4096xi1>, vector<4x4096xi32>
        %reduce_min3A = arith.constant dense<2147483647> : vector<4xi32>
        %reduce_min3A_1519 = vector.multi_reduction <minsi>, %select_n3A_1518, %reduce_min3A [1] : vector<4x4096xi32> to vector<4xi32>
        %broadcast_in_dim3A_1520 = vector.shape_cast %reduce_min3A_1519 : vector<4xi32> to vector<4x1xi32>
        %eq3A_1521 = vector.broadcast %broadcast_in_dim3A_1520 : vector<4x1xi32> to vector<4x4096xi32>
        %eq3A_1522 = arith.cmpi eq, %iota3A, %eq3A_1521 : vector<4x4096xi32>
        %convert_element_type3A_1523 = arith.extui %eq3A_1522 : vector<4x4096xi1> to vector<4x4096xi32>
        %convert_element_type3A_1524 = arith.sitofp %convert_element_type3A_1523 : vector<4x4096xi32> to vector<4x4096xf32>
        %mul3A_1525 = arith.mulf %get3A_3, %convert_element_type3A_1524 : vector<4x4096xf32>
        %reduce_sum3A_1526 = arith.constant dense<0.000000e+00> : vector<4xf32>
        %reduce_sum3A_1527 = vector.multi_reduction <add>, %mul3A_1525, %reduce_sum3A_1526 [1] : vector<4x4096xf32> to vector<4xf32>
        %broadcast_in_dim3A_1528 = vector.shape_cast %reduce_sum3A_1527 : vector<4xf32> to vector<4x1xf32>
        %mul3A_1529 = arith.mulf %get3A_8, %convert_element_type3A_1524 : vector<4x4096xf32>
        %reduce_sum3A_1530 = arith.constant dense<0.000000e+00> : vector<4xf32>
        %reduce_sum3A_1531 = vector.multi_reduction <add>, %mul3A_1529, %reduce_sum3A_1530 [1] : vector<4x4096xf32> to vector<4xf32>
        %broadcast_in_dim3A_1532 = vector.shape_cast %reduce_sum3A_1531 : vector<4xf32> to vector<4x1xf32>
        %mul3A_1533 = arith.mulf %get3A_13, %convert_element_type3A_1524 : vector<4x4096xf32>
        %reduce_sum3A_1534 = arith.constant dense<0.000000e+00> : vector<4xf32>
        %reduce_sum3A_1535 = vector.multi_reduction <add>, %mul3A_1533, %reduce_sum3A_1534 [1] : vector<4x4096xf32> to vector<4xf32>
        %broadcast_in_dim3A_1536 = vector.shape_cast %reduce_sum3A_1535 : vector<4xf32> to vector<4x1xf32>
        scf.yield %broadcast_in_dim3A_1528, %broadcast_in_dim3A_1532, %broadcast_in_dim3A_1536 : vector<4x1xf32>, vector<4x1xf32>, vector<4x1xf32>
      } else {
        scf.yield %broadcast_in_dim3A_1329, %broadcast_in_dim3A_1333, %broadcast_in_dim3A_1337 : vector<4x1xf32>, vector<4x1xf32>, vector<4x1xf32>
      }
      %squeeze3A_1349 = vector.shape_cast %cond3A_1348#0 : vector<4x1xf32> to vector<4xf32>
      %broadcast_in_dim3A_1350 = vector.shape_cast %squeeze3A_1349 : vector<4xf32> to vector<1x4xf32>
      %swap3A_1351 = arith.constant 0 : index
      %swap3A_1352 = arith.index_cast %scan3A_1315 : i32 to index
      %swap3A_1353 = arith.constant 0 : index
      %swap3A_1354 = vector.load %arg1[%swap3A_1351, %swap3A_1352, %swap3A_1353] : memref<3x1024x4xf32, #tpu.memory_space<vmem>>, vector<1x1x4xf32>
      %swap3A_1355 = vector.shape_cast %swap3A_1354 : vector<1x1x4xf32> to vector<1x4xf32>
      %swap3A_1356 = vector.shape_cast %broadcast_in_dim3A_1350 : vector<1x4xf32> to vector<1x1x4xf32>
      tpu.vector_store %arg1[%swap3A_1351, %swap3A_1352, %swap3A_1353], %swap3A_1356 {strides = array<i32>} : memref<3x1024x4xf32, #tpu.memory_space<vmem>>, vector<1x1x4xf32>,
      %squeeze3A_1357 = vector.shape_cast %cond3A_1348#1 : vector<4x1xf32> to vector<4xf32>
      %broadcast_in_dim3A_1358 = vector.shape_cast %squeeze3A_1357 : vector<4xf32> to vector<1x4xf32>
      %swap3A_1359 = arith.constant 1 : index
      %swap3A_1360 = arith.index_cast %scan3A_1315 : i32 to index
      %swap3A_1361 = arith.constant 0 : index
      %swap3A_1362 = vector.load %arg1[%swap3A_1359, %swap3A_1360, %swap3A_1361] : memref<3x1024x4xf32, #tpu.memory_space<vmem>>, vector<1x1x4xf32>
      %swap3A_1363 = vector.shape_cast %swap3A_1362 : vector<1x1x4xf32> to vector<1x4xf32>
      %swap3A_1364 = vector.shape_cast %broadcast_in_dim3A_1358 : vector<1x4xf32> to vector<1x1x4xf32>
      tpu.vector_store %arg1[%swap3A_1359, %swap3A_1360, %swap3A_1361], %swap3A_1364 {strides = array<i32>} : memref<3x1024x4xf32, #tpu.memory_space<vmem>>, vector<1x1x4xf32>,
      %squeeze3A_1365 = vector.shape_cast %cond3A_1348#2 : vector<4x1xf32> to vector<4xf32>
      %broadcast_in_dim3A_1366 = vector.shape_cast %squeeze3A_1365 : vector<4xf32> to vector<1x4xf32>
      %swap3A_1367 = arith.constant 2 : index
      %swap3A_1368 = arith.index_cast %scan3A_1315 : i32 to index
      %swap3A_1369 = arith.constant 0 : index
      %swap3A_1370 = vector.load %arg1[%swap3A_1367, %swap3A_1368, %swap3A_1369] : memref<3x1024x4xf32, #tpu.memory_space<vmem>>, vector<1x1x4xf32>
      %swap3A_1371 = vector.shape_cast %swap3A_1370 : vector<1x1x4xf32> to vector<1x4xf32>
      %swap3A_1372 = vector.shape_cast %broadcast_in_dim3A_1366 : vector<1x4xf32> to vector<1x1x4xf32>
      tpu.vector_store %arg1[%swap3A_1367, %swap3A_1368, %swap3A_1369], %swap3A_1372 {strides = array<i32>} : memref<3x1024x4xf32, #tpu.memory_space<vmem>>, vector<1x1x4xf32>,
      %neg3A_1373 = arith.constant 0.000000e+00 : f32
      %neg3A_1374 = vector.broadcast %neg3A_1373 : f32 to vector<4x1xf32>
      %neg3A_1375 = arith.subf %neg3A_1374, %cond3A_1348#0 : vector<4x1xf32>
      %add3A_1376 = vector.broadcast %neg3A_1375 : vector<4x1xf32> to vector<4x4096xf32>
      %add3A_1377 = arith.addf %get3A_3, %add3A_1376 : vector<4x4096xf32>
      %sub3A_1378 = arith.subf %add3A_1377, %get3A_3 : vector<4x4096xf32>
      %sub3A_1379 = arith.subf %add3A_1377, %sub3A_1378 : vector<4x4096xf32>
      %sub3A_1380 = arith.subf %get3A_3, %sub3A_1379 : vector<4x4096xf32>
      %sub3A_1381 = vector.broadcast %neg3A_1375 : vector<4x1xf32> to vector<4x4096xf32>
      %sub3A_1382 = arith.subf %sub3A_1381, %sub3A_1378 : vector<4x4096xf32>
      %add3A_1383 = arith.addf %sub3A_1380, %sub3A_1382 : vector<4x4096xf32>
      %mul3A_1384 = arith.mulf %add3A_1377, %add3A_1377 : vector<4x4096xf32>
      %mul3A_1385 = arith.constant 4.097000e+03 : f32
      %mul3A_1386 = vector.broadcast %mul3A_1385 : f32 to vector<4x4096xf32>
      %mul3A_1387 = arith.mulf %add3A_1377, %mul3A_1386 : vector<4x4096xf32>
      %sub3A_1388 = arith.subf %mul3A_1387, %add3A_1377 : vector<4x4096xf32>
      %sub3A_1389 = arith.subf %mul3A_1387, %sub3A_1388 : vector<4x4096xf32>
      %sub3A_1390 = arith.subf %add3A_1377, %sub3A_1389 : vector<4x4096xf32>
      %mul3A_1391 = arith.mulf %sub3A_1389, %sub3A_1389 : vector<4x4096xf32>
      %sub3A_1392 = arith.subf %mul3A_1391, %mul3A_1384 : vector<4x4096xf32>
      %mul3A_1393 = arith.mulf %sub3A_1389, %sub3A_1390 : vector<4x4096xf32>
      %mul3A_1394 = arith.constant 2.000000e+00 : f32
      %mul3A_1395 = vector.broadcast %mul3A_1394 : f32 to vector<4x4096xf32>
      %mul3A_1396 = arith.mulf %mul3A_1395, %mul3A_1393 : vector<4x4096xf32>
      %add3A_1397 = arith.addf %sub3A_1392, %mul3A_1396 : vector<4x4096xf32>
      %mul3A_1398 = arith.mulf %sub3A_1390, %sub3A_1390 : vector<4x4096xf32>
      %add3A_1399 = arith.addf %add3A_1397, %mul3A_1398 : vector<4x4096xf32>
      %mul3A_1400 = arith.mulf %add3A_1377, %add3A_1383 : vector<4x4096xf32>
      %mul3A_1401 = arith.constant 2.000000e+00 : f32
      %mul3A_1402 = vector.broadcast %mul3A_1401 : f32 to vector<4x4096xf32>
      %mul3A_1403 = arith.mulf %mul3A_1402, %mul3A_1400 : vector<4x4096xf32>
      %add3A_1404 = arith.addf %add3A_1399, %mul3A_1403 : vector<4x4096xf32>
      %add3A_1405 = arith.addf %mul3A_1384, %add3A_1404 : vector<4x4096xf32>
      %sub3A_1406 = arith.subf %add3A_1405, %mul3A_1384 : vector<4x4096xf32>
      %sub3A_1407 = arith.subf %add3A_1404, %sub3A_1406 : vector<4x4096xf32>
      %neg3A_1408 = arith.constant 0.000000e+00 : f32
      %neg3A_1409 = vector.broadcast %neg3A_1408 : f32 to vector<4x1xf32>
      %neg3A_1410 = arith.subf %neg3A_1409, %cond3A_1348#1 : vector<4x1xf32>
      %add3A_1411 = vector.broadcast %neg3A_1410 : vector<4x1xf32> to vector<4x4096xf32>
      %add3A_1412 = arith.addf %get3A_8, %add3A_1411 : vector<4x4096xf32>
      %sub3A_1413 = arith.subf %add3A_1412, %get3A_8 : vector<4x4096xf32>
      %sub3A_1414 = arith.subf %add3A_1412, %sub3A_1413 : vector<4x4096xf32>
      %sub3A_1415 = arith.subf %get3A_8, %sub3A_1414 : vector<4x4096xf32>
      %sub3A_1416 = vector.broadcast %neg3A_1410 : vector<4x1xf32> to vector<4x4096xf32>
      %sub3A_1417 = arith.subf %sub3A_1416, %sub3A_1413 : vector<4x4096xf32>
      %add3A_1418 = arith.addf %sub3A_1415, %sub3A_1417 : vector<4x4096xf32>
      %mul3A_1419 = arith.mulf %add3A_1412, %add3A_1412 : vector<4x4096xf32>
      %mul3A_1420 = arith.constant 4.097000e+03 : f32
      %mul3A_1421 = vector.broadcast %mul3A_1420 : f32 to vector<4x4096xf32>
      %mul3A_1422 = arith.mulf %add3A_1412, %mul3A_1421 : vector<4x4096xf32>
      %sub3A_1423 = arith.subf %mul3A_1422, %add3A_1412 : vector<4x4096xf32>
      %sub3A_1424 = arith.subf %mul3A_1422, %sub3A_1423 : vector<4x4096xf32>
      %sub3A_1425 = arith.subf %add3A_1412, %sub3A_1424 : vector<4x4096xf32>
      %mul3A_1426 = arith.mulf %sub3A_1424, %sub3A_1424 : vector<4x4096xf32>
      %sub3A_1427 = arith.subf %mul3A_1426, %mul3A_1419 : vector<4x4096xf32>
      %mul3A_1428 = arith.mulf %sub3A_1424, %sub3A_1425 : vector<4x4096xf32>
      %mul3A_1429 = arith.constant 2.000000e+00 : f32
      %mul3A_1430 = vector.broadcast %mul3A_1429 : f32 to vector<4x4096xf32>
      %mul3A_1431 = arith.mulf %mul3A_1430, %mul3A_1428 : vector<4x4096xf32>
      %add3A_1432 = arith.addf %sub3A_1427, %mul3A_1431 : vector<4x4096xf32>
      %mul3A_1433 = arith.mulf %sub3A_1425, %sub3A_1425 : vector<4x4096xf32>
      %add3A_1434 = arith.addf %add3A_1432, %mul3A_1433 : vector<4x4096xf32>
      %mul3A_1435 = arith.mulf %add3A_1412, %add3A_1418 : vector<4x4096xf32>
      %mul3A_1436 = arith.constant 2.000000e+00 : f32
      %mul3A_1437 = vector.broadcast %mul3A_1436 : f32 to vector<4x4096xf32>
      %mul3A_1438 = arith.mulf %mul3A_1437, %mul3A_1435 : vector<4x4096xf32>
      %add3A_1439 = arith.addf %add3A_1434, %mul3A_1438 : vector<4x4096xf32>
      %add3A_1440 = arith.addf %mul3A_1419, %add3A_1439 : vector<4x4096xf32>
      %sub3A_1441 = arith.subf %add3A_1440, %mul3A_1419 : vector<4x4096xf32>
      %sub3A_1442 = arith.subf %add3A_1439, %sub3A_1441 : vector<4x4096xf32>
      %neg3A_1443 = arith.constant 0.000000e+00 : f32
      %neg3A_1444 = vector.broadcast %neg3A_1443 : f32 to vector<4x1xf32>
      %neg3A_1445 = arith.subf %neg3A_1444, %cond3A_1348#2 : vector<4x1xf32>
      %add3A_1446 = vector.broadcast %neg3A_1445 : vector<4x1xf32> to vector<4x4096xf32>
      %add3A_1447 = arith.addf %get3A_13, %add3A_1446 : vector<4x4096xf32>
      %sub3A_1448 = arith.subf %add3A_1447, %get3A_13 : vector<4x4096xf32>
      %sub3A_1449 = arith.subf %add3A_1447, %sub3A_1448 : vector<4x4096xf32>
      %sub3A_1450 = arith.subf %get3A_13, %sub3A_1449 : vector<4x4096xf32>
      %sub3A_1451 = vector.broadcast %neg3A_1445 : vector<4x1xf32> to vector<4x4096xf32>
      %sub3A_1452 = arith.subf %sub3A_1451, %sub3A_1448 : vector<4x4096xf32>
      %add3A_1453 = arith.addf %sub3A_1450, %sub3A_1452 : vector<4x4096xf32>
      %mul3A_1454 = arith.mulf %add3A_1447, %add3A_1447 : vector<4x4096xf32>
      %mul3A_1455 = arith.constant 4.097000e+03 : f32
      %mul3A_1456 = vector.broadcast %mul3A_1455 : f32 to vector<4x4096xf32>
      %mul3A_1457 = arith.mulf %add3A_1447, %mul3A_1456 : vector<4x4096xf32>
      %sub3A_1458 = arith.subf %mul3A_1457, %add3A_1447 : vector<4x4096xf32>
      %sub3A_1459 = arith.subf %mul3A_1457, %sub3A_1458 : vector<4x4096xf32>
      %sub3A_1460 = arith.subf %add3A_1447, %sub3A_1459 : vector<4x4096xf32>
      %mul3A_1461 = arith.mulf %sub3A_1459, %sub3A_1459 : vector<4x4096xf32>
      %sub3A_1462 = arith.subf %mul3A_1461, %mul3A_1454 : vector<4x4096xf32>
      %mul3A_1463 = arith.mulf %sub3A_1459, %sub3A_1460 : vector<4x4096xf32>
      %mul3A_1464 = arith.constant 2.000000e+00 : f32
      %mul3A_1465 = vector.broadcast %mul3A_1464 : f32 to vector<4x4096xf32>
      %mul3A_1466 = arith.mulf %mul3A_1465, %mul3A_1463 : vector<4x4096xf32>
      %add3A_1467 = arith.addf %sub3A_1462, %mul3A_1466 : vector<4x4096xf32>
      %mul3A_1468 = arith.mulf %sub3A_1460, %sub3A_1460 : vector<4x4096xf32>
      %add3A_1469 = arith.addf %add3A_1467, %mul3A_1468 : vector<4x4096xf32>
      %mul3A_1470 = arith.mulf %add3A_1447, %add3A_1453 : vector<4x4096xf32>
      %mul3A_1471 = arith.constant 2.000000e+00 : f32
      %mul3A_1472 = vector.broadcast %mul3A_1471 : f32 to vector<4x4096xf32>
      %mul3A_1473 = arith.mulf %mul3A_1472, %mul3A_1470 : vector<4x4096xf32>
      %add3A_1474 = arith.addf %add3A_1469, %mul3A_1473 : vector<4x4096xf32>
      %add3A_1475 = arith.addf %mul3A_1454, %add3A_1474 : vector<4x4096xf32>
      %sub3A_1476 = arith.subf %add3A_1475, %mul3A_1454 : vector<4x4096xf32>
      %sub3A_1477 = arith.subf %add3A_1474, %sub3A_1476 : vector<4x4096xf32>
      %add3A_1478 = arith.addf %add3A_1405, %add3A_1440 : vector<4x4096xf32>
      %sub3A_1479 = arith.subf %add3A_1478, %add3A_1405 : vector<4x4096xf32>
      %sub3A_1480 = arith.subf %add3A_1478, %sub3A_1479 : vector<4x4096xf32>
      %sub3A_1481 = arith.subf %add3A_1405, %sub3A_1480 : vector<4x4096xf32>
      %sub3A_1482 = arith.subf %add3A_1440, %sub3A_1479 : vector<4x4096xf32>
      %add3A_1483 = arith.addf %sub3A_1481, %sub3A_1482 : vector<4x4096xf32>
      %add3A_1484 = arith.addf %sub3A_1407, %sub3A_1442 : vector<4x4096xf32>
      %add3A_1485 = arith.addf %add3A_1483, %add3A_1484 : vector<4x4096xf32>
      %add3A_1486 = arith.addf %add3A_1478, %add3A_1485 : vector<4x4096xf32>
      %sub3A_1487 = arith.subf %add3A_1486, %add3A_1478 : vector<4x4096xf32>
      %sub3A_1488 = arith.subf %add3A_1485, %sub3A_1487 : vector<4x4096xf32>
      %add3A_1489 = arith.addf %add3A_1486, %add3A_1475 : vector<4x4096xf32>
      %sub3A_1490 = arith.subf %add3A_1489, %add3A_1486 : vector<4x4096xf32>
      %sub3A_1491 = arith.subf %add3A_1489, %sub3A_1490 : vector<4x4096xf32>
      %sub3A_1492 = arith.subf %add3A_1486, %sub3A_1491 : vector<4x4096xf32>
      %sub3A_1493 = arith.subf %add3A_1475, %sub3A_1490 : vector<4x4096xf32>
      %add3A_1494 = arith.addf %sub3A_1492, %sub3A_1493 : vector<4x4096xf32>
      %add3A_1495 = arith.addf %sub3A_1488, %sub3A_1477 : vector<4x4096xf32>
      %add3A_1496 = arith.addf %add3A_1494, %add3A_1495 : vector<4x4096xf32>
      %add3A_1497 = arith.addf %add3A_1489, %add3A_1496 : vector<4x4096xf32>
      %sub3A_1498 = arith.subf %add3A_1497, %add3A_1489 : vector<4x4096xf32>
      %sub3A_1499 = arith.subf %add3A_1496, %sub3A_1498 : vector<4x4096xf32>
      %lt3A_1500 = arith.cmpf olt, %add3A_1497, %select_n3A_1312 : vector<4x4096xf32>
      %eq3A_1501 = arith.cmpf oeq, %add3A_1497, %select_n3A_1312 : vector<4x4096xf32>
      %lt3A_1502 = arith.cmpf olt, %sub3A_1499, %select_n3A_1313 : vector<4x4096xf32>
      %and3A_1503 = arith.andi %eq3A_1501, %lt3A_1502 : vector<4x4096xi1>
      %or3A_1504 = arith.ori %lt3A_1500, %and3A_1503 : vector<4x4096xi1>
      %select_n3A_1505 = arith.select %or3A_1504, %add3A_1497, %select_n3A_1312 : vector<4x4096xi1>, vector<4x4096xf32>
      %select_n3A_1506 = arith.select %or3A_1504, %sub3A_1499, %select_n3A_1313 : vector<4x4096xi1>, vector<4x4096xf32>
      scf.yield %select_n3A_1505, %select_n3A_1506 : vector<4x4096xf32>, vector<4x4096xf32>
    }
    %scan3A_164 = arith.constant 1020 : i32
    %scan3A_165 = arith.addi %scan3A, %scan3A_164 : i32
    %reduce_max3A = arith.constant dense<0xFF800000> : vector<4xf32>
    %reduce_max3A_166 = vector.multi_reduction <maximumf>, %scan3A_163#0, %reduce_max3A [1] : vector<4x4096xf32> to vector<4xf32>
    %broadcast_in_dim3A_167 = vector.shape_cast %reduce_max3A_166 : vector<4xf32> to vector<4x1xf32>
    %eq3A = vector.broadcast %broadcast_in_dim3A_167 : vector<4x1xf32> to vector<4x4096xf32>
    %eq3A_168 = arith.cmpf oeq, %scan3A_163#0, %eq3A : vector<4x4096xf32>
    %convert_element_type3A = arith.extui %eq3A_168 : vector<4x4096xi1> to vector<4x4096xi32>
    %convert_element_type3A_169 = arith.sitofp %convert_element_type3A : vector<4x4096xi32> to vector<4x4096xf32>
    %reduce_sum3A = arith.constant dense<0.000000e+00> : vector<4xf32>
    %reduce_sum3A_170 = vector.multi_reduction <add>, %convert_element_type3A_169, %reduce_sum3A [1] : vector<4x4096xf32> to vector<4xf32>
    %broadcast_in_dim3A_171 = vector.shape_cast %reduce_sum3A_170 : vector<4xf32> to vector<4x1xf32>
    %mul3A_172 = arith.mulf %get3A_3, %convert_element_type3A_169 : vector<4x4096xf32>
    %reduce_sum3A_173 = arith.constant dense<0.000000e+00> : vector<4xf32>
    %reduce_sum3A_174 = vector.multi_reduction <add>, %mul3A_172, %reduce_sum3A_173 [1] : vector<4x4096xf32> to vector<4xf32>
    %broadcast_in_dim3A_175 = vector.shape_cast %reduce_sum3A_174 : vector<4xf32> to vector<4x1xf32>
    %mul3A_176 = arith.mulf %get3A_8, %convert_element_type3A_169 : vector<4x4096xf32>
    %reduce_sum3A_177 = arith.constant dense<0.000000e+00> : vector<4xf32>
    %reduce_sum3A_178 = vector.multi_reduction <add>, %mul3A_176, %reduce_sum3A_177 [1] : vector<4x4096xf32> to vector<4xf32>
    %broadcast_in_dim3A_179 = vector.shape_cast %reduce_sum3A_178 : vector<4xf32> to vector<4x1xf32>
    %mul3A_180 = arith.mulf %get3A_13, %convert_element_type3A_169 : vector<4x4096xf32>
    %reduce_sum3A_181 = arith.constant dense<0.000000e+00> : vector<4xf32>
    %reduce_sum3A_182 = vector.multi_reduction <add>, %mul3A_180, %reduce_sum3A_181 [1] : vector<4x4096xf32> to vector<4xf32>
    %broadcast_in_dim3A_183 = vector.shape_cast %reduce_sum3A_182 : vector<4xf32> to vector<4x1xf32>
    %reduce_max3A_184 = vector.shape_cast %broadcast_in_dim3A_171 : vector<4x1xf32> to vector<1x4x1xf32>
    %reduce_max3A_185 = arith.constant dense<0xFF800000> : vector<1xf32>
    %reduce_max3A_186 = vector.multi_reduction <maximumf>, %reduce_max3A_184, %reduce_max3A_185 [1, 2] : vector<1x4x1xf32> to vector<1xf32>
    %reduce_max3A_187 = vector.shape_cast %reduce_max3A_186 : vector<1xf32> to vector<1x1x1xf32>
    %reduce_max3A_188 = vector.extract %reduce_max3A_187[0, 0, 0] : f32 from vector<1x1x1xf32>
    %gt3A = arith.constant 1.000000e+00 : f32
    %gt3A_189 = arith.cmpf ogt, %reduce_max3A_188, %gt3A : f32
    %convert_element_type3A_190 = arith.extui %gt3A_189 : i1 to i32
    %cond3A = arith.constant 0 : i32
    %cond3A_191 = arith.cmpi ne, %convert_element_type3A_190, %cond3A : i32
    %cond3A_192:3 = scf.if %cond3A_191 -> (vector<4x1xf32>, vector<4x1xf32>, vector<4x1xf32>) {
      %jit3A = arith.constant 0xFFF0000000000000 : f64
      %convert_element_type3A_734 = arith.truncf %jit3A : f64 to f32
      %broadcast_in_dim3A_735 = vector.broadcast %convert_element_type3A_734 : f32 to vector<4x4096xf32>
      %select_n3A_736 = arith.select %eq3A_168, %scan3A_163#1, %broadcast_in_dim3A_735 : vector<4x4096xi1>, vector<4x4096xf32>
      %reduce_max3A_737 = arith.constant dense<0xFF800000> : vector<4xf32>
      %reduce_max3A_738 = vector.multi_reduction <maximumf>, %select_n3A_736, %reduce_max3A_737 [1] : vector<4x4096xf32> to vector<4xf32>
      %broadcast_in_dim3A_739 = vector.shape_cast %reduce_max3A_738 : vector<4xf32> to vector<4x1xf32>
      %eq3A_740 = vector.broadcast %broadcast_in_dim3A_739 : vector<4x1xf32> to vector<4x4096xf32>
      %eq3A_741 = arith.cmpf oeq, %scan3A_163#1, %eq3A_740 : vector<4x4096xf32>
      %and3A_742 = arith.andi %eq3A_168, %eq3A_741 : vector<4x4096xi1>
      %jit3A_743 = arith.constant 4096 : i32
      %broadcast_in_dim3A_744 = vector.broadcast %jit3A_743 : i32 to vector<4x4096xi32>
      %select_n3A_745 = arith.select %and3A_742, %iota3A, %broadcast_in_dim3A_744 : vector<4x4096xi1>, vector<4x4096xi32>
      %reduce_min3A = arith.constant dense<2147483647> : vector<4xi32>
      %reduce_min3A_746 = vector.multi_reduction <minsi>, %select_n3A_745, %reduce_min3A [1] : vector<4x4096xi32> to vector<4xi32>
      %broadcast_in_dim3A_747 = vector.shape_cast %reduce_min3A_746 : vector<4xi32> to vector<4x1xi32>
      %eq3A_748 = vector.broadcast %broadcast_in_dim3A_747 : vector<4x1xi32> to vector<4x4096xi32>
      %eq3A_749 = arith.cmpi eq, %iota3A, %eq3A_748 : vector<4x4096xi32>
      %convert_element_type3A_750 = arith.extui %eq3A_749 : vector<4x4096xi1> to vector<4x4096xi32>
      %convert_element_type3A_751 = arith.sitofp %convert_element_type3A_750 : vector<4x4096xi32> to vector<4x4096xf32>
      %mul3A_752 = arith.mulf %get3A_3, %convert_element_type3A_751 : vector<4x4096xf32>
      %reduce_sum3A_753 = arith.constant dense<0.000000e+00> : vector<4xf32>
      %reduce_sum3A_754 = vector.multi_reduction <add>, %mul3A_752, %reduce_sum3A_753 [1] : vector<4x4096xf32> to vector<4xf32>
      %broadcast_in_dim3A_755 = vector.shape_cast %reduce_sum3A_754 : vector<4xf32> to vector<4x1xf32>
      %mul3A_756 = arith.mulf %get3A_8, %convert_element_type3A_751 : vector<4x4096xf32>
      %reduce_sum3A_757 = arith.constant dense<0.000000e+00> : vector<4xf32>
      %reduce_sum3A_758 = vector.multi_reduction <add>, %mul3A_756, %reduce_sum3A_757 [1] : vector<4x4096xf32> to vector<4xf32>
      %broadcast_in_dim3A_759 = vector.shape_cast %reduce_sum3A_758 : vector<4xf32> to vector<4x1xf32>
      %mul3A_760 = arith.mulf %get3A_13, %convert_element_type3A_751 : vector<4x4096xf32>
      %reduce_sum3A_761 = arith.constant dense<0.000000e+00> : vector<4xf32>
      %reduce_sum3A_762 = vector.multi_reduction <add>, %mul3A_760, %reduce_sum3A_761 [1] : vector<4x4096xf32> to vector<4xf32>
      %broadcast_in_dim3A_763 = vector.shape_cast %reduce_sum3A_762 : vector<4xf32> to vector<4x1xf32>
      scf.yield %broadcast_in_dim3A_755, %broadcast_in_dim3A_759, %broadcast_in_dim3A_763 : vector<4x1xf32>, vector<4x1xf32>, vector<4x1xf32>
    } else {
      scf.yield %broadcast_in_dim3A_175, %broadcast_in_dim3A_179, %broadcast_in_dim3A_183 : vector<4x1xf32>, vector<4x1xf32>, vector<4x1xf32>
    }
    %squeeze3A_193 = vector.shape_cast %cond3A_192#0 : vector<4x1xf32> to vector<4xf32>
    %broadcast_in_dim3A_194 = vector.shape_cast %squeeze3A_193 : vector<4xf32> to vector<1x4xf32>
    %swap3A_195 = arith.constant 0 : index
    %swap3A_196 = arith.index_cast %scan3A_165 : i32 to index
    %swap3A_197 = arith.constant 0 : index
    %swap3A_198 = vector.load %arg1[%swap3A_195, %swap3A_196, %swap3A_197] : memref<3x1024x4xf32, #tpu.memory_space<vmem>>, vector<1x1x4xf32>
    %swap3A_199 = vector.shape_cast %swap3A_198 : vector<1x1x4xf32> to vector<1x4xf32>
    %swap3A_200 = vector.shape_cast %broadcast_in_dim3A_194 : vector<1x4xf32> to vector<1x1x4xf32>
    tpu.vector_store %arg1[%swap3A_195, %swap3A_196, %swap3A_197], %swap3A_200 {strides = array<i32>} : memref<3x1024x4xf32, #tpu.memory_space<vmem>>, vector<1x1x4xf32>,
    %squeeze3A_201 = vector.shape_cast %cond3A_192#1 : vector<4x1xf32> to vector<4xf32>
    %broadcast_in_dim3A_202 = vector.shape_cast %squeeze3A_201 : vector<4xf32> to vector<1x4xf32>
    %swap3A_203 = arith.constant 1 : index
    %swap3A_204 = arith.index_cast %scan3A_165 : i32 to index
    %swap3A_205 = arith.constant 0 : index
    %swap3A_206 = vector.load %arg1[%swap3A_203, %swap3A_204, %swap3A_205] : memref<3x1024x4xf32, #tpu.memory_space<vmem>>, vector<1x1x4xf32>
    %swap3A_207 = vector.shape_cast %swap3A_206 : vector<1x1x4xf32> to vector<1x4xf32>
    %swap3A_208 = vector.shape_cast %broadcast_in_dim3A_202 : vector<1x4xf32> to vector<1x1x4xf32>
    tpu.vector_store %arg1[%swap3A_203, %swap3A_204, %swap3A_205], %swap3A_208 {strides = array<i32>} : memref<3x1024x4xf32, #tpu.memory_space<vmem>>, vector<1x1x4xf32>,
    %squeeze3A_209 = vector.shape_cast %cond3A_192#2 : vector<4x1xf32> to vector<4xf32>
    %broadcast_in_dim3A_210 = vector.shape_cast %squeeze3A_209 : vector<4xf32> to vector<1x4xf32>
    %swap3A_211 = arith.constant 2 : index
    %swap3A_212 = arith.index_cast %scan3A_165 : i32 to index
    %swap3A_213 = arith.constant 0 : index
    %swap3A_214 = vector.load %arg1[%swap3A_211, %swap3A_212, %swap3A_213] : memref<3x1024x4xf32, #tpu.memory_space<vmem>>, vector<1x1x4xf32>
    %swap3A_215 = vector.shape_cast %swap3A_214 : vector<1x1x4xf32> to vector<1x4xf32>
    %swap3A_216 = vector.shape_cast %broadcast_in_dim3A_210 : vector<1x4xf32> to vector<1x1x4xf32>
    tpu.vector_store %arg1[%swap3A_211, %swap3A_212, %swap3A_213], %swap3A_216 {strides = array<i32>} : memref<3x1024x4xf32, #tpu.memory_space<vmem>>, vector<1x1x4xf32>,
    %neg3A_217 = arith.constant 0.000000e+00 : f32
    %neg3A_218 = vector.broadcast %neg3A_217 : f32 to vector<4x1xf32>
    %neg3A_219 = arith.subf %neg3A_218, %cond3A_192#0 : vector<4x1xf32>
    %add3A_220 = vector.broadcast %neg3A_219 : vector<4x1xf32> to vector<4x4096xf32>
    %add3A_221 = arith.addf %get3A_3, %add3A_220 : vector<4x4096xf32>
    %sub3A_222 = arith.subf %add3A_221, %get3A_3 : vector<4x4096xf32>
    %sub3A_223 = arith.subf %add3A_221, %sub3A_222 : vector<4x4096xf32>
    %sub3A_224 = arith.subf %get3A_3, %sub3A_223 : vector<4x4096xf32>
    %sub3A_225 = vector.broadcast %neg3A_219 : vector<4x1xf32> to vector<4x4096xf32>
    %sub3A_226 = arith.subf %sub3A_225, %sub3A_222 : vector<4x4096xf32>
    %add3A_227 = arith.addf %sub3A_224, %sub3A_226 : vector<4x4096xf32>
    %mul3A_228 = arith.mulf %add3A_221, %add3A_221 : vector<4x4096xf32>
    %mul3A_229 = arith.constant 4.097000e+03 : f32
    %mul3A_230 = vector.broadcast %mul3A_229 : f32 to vector<4x4096xf32>
    %mul3A_231 = arith.mulf %add3A_221, %mul3A_230 : vector<4x4096xf32>
    %sub3A_232 = arith.subf %mul3A_231, %add3A_221 : vector<4x4096xf32>
    %sub3A_233 = arith.subf %mul3A_231, %sub3A_232 : vector<4x4096xf32>
    %sub3A_234 = arith.subf %add3A_221, %sub3A_233 : vector<4x4096xf32>
    %mul3A_235 = arith.mulf %sub3A_233, %sub3A_233 : vector<4x4096xf32>
    %sub3A_236 = arith.subf %mul3A_235, %mul3A_228 : vector<4x4096xf32>
    %mul3A_237 = arith.mulf %sub3A_233, %sub3A_234 : vector<4x4096xf32>
    %mul3A_238 = arith.constant 2.000000e+00 : f32
    %mul3A_239 = vector.broadcast %mul3A_238 : f32 to vector<4x4096xf32>
    %mul3A_240 = arith.mulf %mul3A_239, %mul3A_237 : vector<4x4096xf32>
    %add3A_241 = arith.addf %sub3A_236, %mul3A_240 : vector<4x4096xf32>
    %mul3A_242 = arith.mulf %sub3A_234, %sub3A_234 : vector<4x4096xf32>
    %add3A_243 = arith.addf %add3A_241, %mul3A_242 : vector<4x4096xf32>
    %mul3A_244 = arith.mulf %add3A_221, %add3A_227 : vector<4x4096xf32>
    %mul3A_245 = arith.constant 2.000000e+00 : f32
    %mul3A_246 = vector.broadcast %mul3A_245 : f32 to vector<4x4096xf32>
    %mul3A_247 = arith.mulf %mul3A_246, %mul3A_244 : vector<4x4096xf32>
    %add3A_248 = arith.addf %add3A_243, %mul3A_247 : vector<4x4096xf32>
    %add3A_249 = arith.addf %mul3A_228, %add3A_248 : vector<4x4096xf32>
    %sub3A_250 = arith.subf %add3A_249, %mul3A_228 : vector<4x4096xf32>
    %sub3A_251 = arith.subf %add3A_248, %sub3A_250 : vector<4x4096xf32>
    %neg3A_252 = arith.constant 0.000000e+00 : f32
    %neg3A_253 = vector.broadcast %neg3A_252 : f32 to vector<4x1xf32>
    %neg3A_254 = arith.subf %neg3A_253, %cond3A_192#1 : vector<4x1xf32>
    %add3A_255 = vector.broadcast %neg3A_254 : vector<4x1xf32> to vector<4x4096xf32>
    %add3A_256 = arith.addf %get3A_8, %add3A_255 : vector<4x4096xf32>
    %sub3A_257 = arith.subf %add3A_256, %get3A_8 : vector<4x4096xf32>
    %sub3A_258 = arith.subf %add3A_256, %sub3A_257 : vector<4x4096xf32>
    %sub3A_259 = arith.subf %get3A_8, %sub3A_258 : vector<4x4096xf32>
    %sub3A_260 = vector.broadcast %neg3A_254 : vector<4x1xf32> to vector<4x4096xf32>
    %sub3A_261 = arith.subf %sub3A_260, %sub3A_257 : vector<4x4096xf32>
    %add3A_262 = arith.addf %sub3A_259, %sub3A_261 : vector<4x4096xf32>
    %mul3A_263 = arith.mulf %add3A_256, %add3A_256 : vector<4x4096xf32>
    %mul3A_264 = arith.constant 4.097000e+03 : f32
    %mul3A_265 = vector.broadcast %mul3A_264 : f32 to vector<4x4096xf32>
    %mul3A_266 = arith.mulf %add3A_256, %mul3A_265 : vector<4x4096xf32>
    %sub3A_267 = arith.subf %mul3A_266, %add3A_256 : vector<4x4096xf32>
    %sub3A_268 = arith.subf %mul3A_266, %sub3A_267 : vector<4x4096xf32>
    %sub3A_269 = arith.subf %add3A_256, %sub3A_268 : vector<4x4096xf32>
    %mul3A_270 = arith.mulf %sub3A_268, %sub3A_268 : vector<4x4096xf32>
    %sub3A_271 = arith.subf %mul3A_270, %mul3A_263 : vector<4x4096xf32>
    %mul3A_272 = arith.mulf %sub3A_268, %sub3A_269 : vector<4x4096xf32>
    %mul3A_273 = arith.constant 2.000000e+00 : f32
    %mul3A_274 = vector.broadcast %mul3A_273 : f32 to vector<4x4096xf32>
    %mul3A_275 = arith.mulf %mul3A_274, %mul3A_272 : vector<4x4096xf32>
    %add3A_276 = arith.addf %sub3A_271, %mul3A_275 : vector<4x4096xf32>
    %mul3A_277 = arith.mulf %sub3A_269, %sub3A_269 : vector<4x4096xf32>
    %add3A_278 = arith.addf %add3A_276, %mul3A_277 : vector<4x4096xf32>
    %mul3A_279 = arith.mulf %add3A_256, %add3A_262 : vector<4x4096xf32>
    %mul3A_280 = arith.constant 2.000000e+00 : f32
    %mul3A_281 = vector.broadcast %mul3A_280 : f32 to vector<4x4096xf32>
    %mul3A_282 = arith.mulf %mul3A_281, %mul3A_279 : vector<4x4096xf32>
    %add3A_283 = arith.addf %add3A_278, %mul3A_282 : vector<4x4096xf32>
    %add3A_284 = arith.addf %mul3A_263, %add3A_283 : vector<4x4096xf32>
    %sub3A_285 = arith.subf %add3A_284, %mul3A_263 : vector<4x4096xf32>
    %sub3A_286 = arith.subf %add3A_283, %sub3A_285 : vector<4x4096xf32>
    %neg3A_287 = arith.constant 0.000000e+00 : f32
    %neg3A_288 = vector.broadcast %neg3A_287 : f32 to vector<4x1xf32>
    %neg3A_289 = arith.subf %neg3A_288, %cond3A_192#2 : vector<4x1xf32>
    %add3A_290 = vector.broadcast %neg3A_289 : vector<4x1xf32> to vector<4x4096xf32>
    %add3A_291 = arith.addf %get3A_13, %add3A_290 : vector<4x4096xf32>
    %sub3A_292 = arith.subf %add3A_291, %get3A_13 : vector<4x4096xf32>
    %sub3A_293 = arith.subf %add3A_291, %sub3A_292 : vector<4x4096xf32>
    %sub3A_294 = arith.subf %get3A_13, %sub3A_293 : vector<4x4096xf32>
    %sub3A_295 = vector.broadcast %neg3A_289 : vector<4x1xf32> to vector<4x4096xf32>
    %sub3A_296 = arith.subf %sub3A_295, %sub3A_292 : vector<4x4096xf32>
    %add3A_297 = arith.addf %sub3A_294, %sub3A_296 : vector<4x4096xf32>
    %mul3A_298 = arith.mulf %add3A_291, %add3A_291 : vector<4x4096xf32>
    %mul3A_299 = arith.constant 4.097000e+03 : f32
    %mul3A_300 = vector.broadcast %mul3A_299 : f32 to vector<4x4096xf32>
    %mul3A_301 = arith.mulf %add3A_291, %mul3A_300 : vector<4x4096xf32>
    %sub3A_302 = arith.subf %mul3A_301, %add3A_291 : vector<4x4096xf32>
    %sub3A_303 = arith.subf %mul3A_301, %sub3A_302 : vector<4x4096xf32>
    %sub3A_304 = arith.subf %add3A_291, %sub3A_303 : vector<4x4096xf32>
    %mul3A_305 = arith.mulf %sub3A_303, %sub3A_303 : vector<4x4096xf32>
    %sub3A_306 = arith.subf %mul3A_305, %mul3A_298 : vector<4x4096xf32>
    %mul3A_307 = arith.mulf %sub3A_303, %sub3A_304 : vector<4x4096xf32>
    %mul3A_308 = arith.constant 2.000000e+00 : f32
    %mul3A_309 = vector.broadcast %mul3A_308 : f32 to vector<4x4096xf32>
    %mul3A_310 = arith.mulf %mul3A_309, %mul3A_307 : vector<4x4096xf32>
    %add3A_311 = arith.addf %sub3A_306, %mul3A_310 : vector<4x4096xf32>
    %mul3A_312 = arith.mulf %sub3A_304, %sub3A_304 : vector<4x4096xf32>
    %add3A_313 = arith.addf %add3A_311, %mul3A_312 : vector<4x4096xf32>
    %mul3A_314 = arith.mulf %add3A_291, %add3A_297 : vector<4x4096xf32>
    %mul3A_315 = arith.constant 2.000000e+00 : f32
    %mul3A_316 = vector.broadcast %mul3A_315 : f32 to vector<4x4096xf32>
    %mul3A_317 = arith.mulf %mul3A_316, %mul3A_314 : vector<4x4096xf32>
    %add3A_318 = arith.addf %add3A_313, %mul3A_317 : vector<4x4096xf32>
    %add3A_319 = arith.addf %mul3A_298, %add3A_318 : vector<4x4096xf32>
    %sub3A_320 = arith.subf %add3A_319, %mul3A_298 : vector<4x4096xf32>
    %sub3A_321 = arith.subf %add3A_318, %sub3A_320 : vector<4x4096xf32>
    %add3A_322 = arith.addf %add3A_249, %add3A_284 : vector<4x4096xf32>
    %sub3A_323 = arith.subf %add3A_322, %add3A_249 : vector<4x4096xf32>
    %sub3A_324 = arith.subf %add3A_322, %sub3A_323 : vector<4x4096xf32>
    %sub3A_325 = arith.subf %add3A_249, %sub3A_324 : vector<4x4096xf32>
    %sub3A_326 = arith.subf %add3A_284, %sub3A_323 : vector<4x4096xf32>
    %add3A_327 = arith.addf %sub3A_325, %sub3A_326 : vector<4x4096xf32>
    %add3A_328 = arith.addf %sub3A_251, %sub3A_286 : vector<4x4096xf32>
    %add3A_329 = arith.addf %add3A_327, %add3A_328 : vector<4x4096xf32>
    %add3A_330 = arith.addf %add3A_322, %add3A_329 : vector<4x4096xf32>
    %sub3A_331 = arith.subf %add3A_330, %add3A_322 : vector<4x4096xf32>
    %sub3A_332 = arith.subf %add3A_329, %sub3A_331 : vector<4x4096xf32>
    %add3A_333 = arith.addf %add3A_330, %add3A_319 : vector<4x4096xf32>
    %sub3A_334 = arith.subf %add3A_333, %add3A_330 : vector<4x4096xf32>
    %sub3A_335 = arith.subf %add3A_333, %sub3A_334 : vector<4x4096xf32>
    %sub3A_336 = arith.subf %add3A_330, %sub3A_335 : vector<4x4096xf32>
    %sub3A_337 = arith.subf %add3A_319, %sub3A_334 : vector<4x4096xf32>
    %add3A_338 = arith.addf %sub3A_336, %sub3A_337 : vector<4x4096xf32>
    %add3A_339 = arith.addf %sub3A_332, %sub3A_321 : vector<4x4096xf32>
    %add3A_340 = arith.addf %add3A_338, %add3A_339 : vector<4x4096xf32>
    %add3A_341 = arith.addf %add3A_333, %add3A_340 : vector<4x4096xf32>
    %sub3A_342 = arith.subf %add3A_341, %add3A_333 : vector<4x4096xf32>
    %sub3A_343 = arith.subf %add3A_340, %sub3A_342 : vector<4x4096xf32>
    %lt3A = arith.cmpf olt, %add3A_341, %scan3A_163#0 : vector<4x4096xf32>
    %eq3A_344 = arith.cmpf oeq, %add3A_341, %scan3A_163#0 : vector<4x4096xf32>
    %lt3A_345 = arith.cmpf olt, %sub3A_343, %scan3A_163#1 : vector<4x4096xf32>
    %and3A = arith.andi %eq3A_344, %lt3A_345 : vector<4x4096xi1>
    %or3A = arith.ori %lt3A, %and3A : vector<4x4096xi1>
    %select_n3A = arith.select %or3A, %add3A_341, %scan3A_163#0 : vector<4x4096xi1>, vector<4x4096xf32>
    %select_n3A_346 = arith.select %or3A, %sub3A_343, %scan3A_163#1 : vector<4x4096xi1>, vector<4x4096xf32>
    %scan3A_347 = arith.constant 1021 : i32
    %scan3A_348 = arith.addi %scan3A, %scan3A_347 : i32
    %reduce_max3A_349 = arith.constant dense<0xFF800000> : vector<4xf32>
    %reduce_max3A_350 = vector.multi_reduction <maximumf>, %select_n3A, %reduce_max3A_349 [1] : vector<4x4096xf32> to vector<4xf32>
    %broadcast_in_dim3A_351 = vector.shape_cast %reduce_max3A_350 : vector<4xf32> to vector<4x1xf32>
    %eq3A_352 = vector.broadcast %broadcast_in_dim3A_351 : vector<4x1xf32> to vector<4x4096xf32>
    %eq3A_353 = arith.cmpf oeq, %select_n3A, %eq3A_352 : vector<4x4096xf32>
    %convert_element_type3A_354 = arith.extui %eq3A_353 : vector<4x4096xi1> to vector<4x4096xi32>
    %convert_element_type3A_355 = arith.sitofp %convert_element_type3A_354 : vector<4x4096xi32> to vector<4x4096xf32>
    %reduce_sum3A_356 = arith.constant dense<0.000000e+00> : vector<4xf32>
    %reduce_sum3A_357 = vector.multi_reduction <add>, %convert_element_type3A_355, %reduce_sum3A_356 [1] : vector<4x4096xf32> to vector<4xf32>
    %broadcast_in_dim3A_358 = vector.shape_cast %reduce_sum3A_357 : vector<4xf32> to vector<4x1xf32>
    %mul3A_359 = arith.mulf %get3A_3, %convert_element_type3A_355 : vector<4x4096xf32>
    %reduce_sum3A_360 = arith.constant dense<0.000000e+00> : vector<4xf32>
    %reduce_sum3A_361 = vector.multi_reduction <add>, %mul3A_359, %reduce_sum3A_360 [1] : vector<4x4096xf32> to vector<4xf32>
    %broadcast_in_dim3A_362 = vector.shape_cast %reduce_sum3A_361 : vector<4xf32> to vector<4x1xf32>
    %mul3A_363 = arith.mulf %get3A_8, %convert_element_type3A_355 : vector<4x4096xf32>
    %reduce_sum3A_364 = arith.constant dense<0.000000e+00> : vector<4xf32>
    %reduce_sum3A_365 = vector.multi_reduction <add>, %mul3A_363, %reduce_sum3A_364 [1] : vector<4x4096xf32> to vector<4xf32>
    %broadcast_in_dim3A_366 = vector.shape_cast %reduce_sum3A_365 : vector<4xf32> to vector<4x1xf32>
    %mul3A_367 = arith.mulf %get3A_13, %convert_element_type3A_355 : vector<4x4096xf32>
    %reduce_sum3A_368 = arith.constant dense<0.000000e+00> : vector<4xf32>
    %reduce_sum3A_369 = vector.multi_reduction <add>, %mul3A_367, %reduce_sum3A_368 [1] : vector<4x4096xf32> to vector<4xf32>
    %broadcast_in_dim3A_370 = vector.shape_cast %reduce_sum3A_369 : vector<4xf32> to vector<4x1xf32>
    %reduce_max3A_371 = vector.shape_cast %broadcast_in_dim3A_358 : vector<4x1xf32> to vector<1x4x1xf32>
    %reduce_max3A_372 = arith.constant dense<0xFF800000> : vector<1xf32>
    %reduce_max3A_373 = vector.multi_reduction <maximumf>, %reduce_max3A_371, %reduce_max3A_372 [1, 2] : vector<1x4x1xf32> to vector<1xf32>
    %reduce_max3A_374 = vector.shape_cast %reduce_max3A_373 : vector<1xf32> to vector<1x1x1xf32>
    %reduce_max3A_375 = vector.extract %reduce_max3A_374[0, 0, 0] : f32 from vector<1x1x1xf32>
    %gt3A_376 = arith.constant 1.000000e+00 : f32
    %gt3A_377 = arith.cmpf ogt, %reduce_max3A_375, %gt3A_376 : f32
    %convert_element_type3A_378 = arith.extui %gt3A_377 : i1 to i32
    %cond3A_379 = arith.constant 0 : i32
    %cond3A_380 = arith.cmpi ne, %convert_element_type3A_378, %cond3A_379 : i32
    %cond3A_381:3 = scf.if %cond3A_380 -> (vector<4x1xf32>, vector<4x1xf32>, vector<4x1xf32>) {
      %jit3A = arith.constant 0xFFF0000000000000 : f64
      %convert_element_type3A_734 = arith.truncf %jit3A : f64 to f32
      %broadcast_in_dim3A_735 = vector.broadcast %convert_element_type3A_734 : f32 to vector<4x4096xf32>
      %select_n3A_736 = arith.select %eq3A_353, %select_n3A_346, %broadcast_in_dim3A_735 : vector<4x4096xi1>, vector<4x4096xf32>
      %reduce_max3A_737 = arith.constant dense<0xFF800000> : vector<4xf32>
      %reduce_max3A_738 = vector.multi_reduction <maximumf>, %select_n3A_736, %reduce_max3A_737 [1] : vector<4x4096xf32> to vector<4xf32>
      %broadcast_in_dim3A_739 = vector.shape_cast %reduce_max3A_738 : vector<4xf32> to vector<4x1xf32>
      %eq3A_740 = vector.broadcast %broadcast_in_dim3A_739 : vector<4x1xf32> to vector<4x4096xf32>
      %eq3A_741 = arith.cmpf oeq, %select_n3A_346, %eq3A_740 : vector<4x4096xf32>
      %and3A_742 = arith.andi %eq3A_353, %eq3A_741 : vector<4x4096xi1>
      %jit3A_743 = arith.constant 4096 : i32
      %broadcast_in_dim3A_744 = vector.broadcast %jit3A_743 : i32 to vector<4x4096xi32>
      %select_n3A_745 = arith.select %and3A_742, %iota3A, %broadcast_in_dim3A_744 : vector<4x4096xi1>, vector<4x4096xi32>
      %reduce_min3A = arith.constant dense<2147483647> : vector<4xi32>
      %reduce_min3A_746 = vector.multi_reduction <minsi>, %select_n3A_745, %reduce_min3A [1] : vector<4x4096xi32> to vector<4xi32>
      %broadcast_in_dim3A_747 = vector.shape_cast %reduce_min3A_746 : vector<4xi32> to vector<4x1xi32>
      %eq3A_748 = vector.broadcast %broadcast_in_dim3A_747 : vector<4x1xi32> to vector<4x4096xi32>
      %eq3A_749 = arith.cmpi eq, %iota3A, %eq3A_748 : vector<4x4096xi32>
      %convert_element_type3A_750 = arith.extui %eq3A_749 : vector<4x4096xi1> to vector<4x4096xi32>
      %convert_element_type3A_751 = arith.sitofp %convert_element_type3A_750 : vector<4x4096xi32> to vector<4x4096xf32>
      %mul3A_752 = arith.mulf %get3A_3, %convert_element_type3A_751 : vector<4x4096xf32>
      %reduce_sum3A_753 = arith.constant dense<0.000000e+00> : vector<4xf32>
      %reduce_sum3A_754 = vector.multi_reduction <add>, %mul3A_752, %reduce_sum3A_753 [1] : vector<4x4096xf32> to vector<4xf32>
      %broadcast_in_dim3A_755 = vector.shape_cast %reduce_sum3A_754 : vector<4xf32> to vector<4x1xf32>
      %mul3A_756 = arith.mulf %get3A_8, %convert_element_type3A_751 : vector<4x4096xf32>
      %reduce_sum3A_757 = arith.constant dense<0.000000e+00> : vector<4xf32>
      %reduce_sum3A_758 = vector.multi_reduction <add>, %mul3A_756, %reduce_sum3A_757 [1] : vector<4x4096xf32> to vector<4xf32>
      %broadcast_in_dim3A_759 = vector.shape_cast %reduce_sum3A_758 : vector<4xf32> to vector<4x1xf32>
      %mul3A_760 = arith.mulf %get3A_13, %convert_element_type3A_751 : vector<4x4096xf32>
      %reduce_sum3A_761 = arith.constant dense<0.000000e+00> : vector<4xf32>
      %reduce_sum3A_762 = vector.multi_reduction <add>, %mul3A_760, %reduce_sum3A_761 [1] : vector<4x4096xf32> to vector<4xf32>
      %broadcast_in_dim3A_763 = vector.shape_cast %reduce_sum3A_762 : vector<4xf32> to vector<4x1xf32>
      scf.yield %broadcast_in_dim3A_755, %broadcast_in_dim3A_759, %broadcast_in_dim3A_763 : vector<4x1xf32>, vector<4x1xf32>, vector<4x1xf32>
    } else {
      scf.yield %broadcast_in_dim3A_362, %broadcast_in_dim3A_366, %broadcast_in_dim3A_370 : vector<4x1xf32>, vector<4x1xf32>, vector<4x1xf32>
    }
    %squeeze3A_382 = vector.shape_cast %cond3A_381#0 : vector<4x1xf32> to vector<4xf32>
    %broadcast_in_dim3A_383 = vector.shape_cast %squeeze3A_382 : vector<4xf32> to vector<1x4xf32>
    %swap3A_384 = arith.constant 0 : index
    %swap3A_385 = arith.index_cast %scan3A_348 : i32 to index
    %swap3A_386 = arith.constant 0 : index
    %swap3A_387 = vector.load %arg1[%swap3A_384, %swap3A_385, %swap3A_386] : memref<3x1024x4xf32, #tpu.memory_space<vmem>>, vector<1x1x4xf32>
    %swap3A_388 = vector.shape_cast %swap3A_387 : vector<1x1x4xf32> to vector<1x4xf32>
    %swap3A_389 = vector.shape_cast %broadcast_in_dim3A_383 : vector<1x4xf32> to vector<1x1x4xf32>
    tpu.vector_store %arg1[%swap3A_384, %swap3A_385, %swap3A_386], %swap3A_389 {strides = array<i32>} : memref<3x1024x4xf32, #tpu.memory_space<vmem>>, vector<1x1x4xf32>,
    %squeeze3A_390 = vector.shape_cast %cond3A_381#1 : vector<4x1xf32> to vector<4xf32>
    %broadcast_in_dim3A_391 = vector.shape_cast %squeeze3A_390 : vector<4xf32> to vector<1x4xf32>
    %swap3A_392 = arith.constant 1 : index
    %swap3A_393 = arith.index_cast %scan3A_348 : i32 to index
    %swap3A_394 = arith.constant 0 : index
    %swap3A_395 = vector.load %arg1[%swap3A_392, %swap3A_393, %swap3A_394] : memref<3x1024x4xf32, #tpu.memory_space<vmem>>, vector<1x1x4xf32>
    %swap3A_396 = vector.shape_cast %swap3A_395 : vector<1x1x4xf32> to vector<1x4xf32>
    %swap3A_397 = vector.shape_cast %broadcast_in_dim3A_391 : vector<1x4xf32> to vector<1x1x4xf32>
    tpu.vector_store %arg1[%swap3A_392, %swap3A_393, %swap3A_394], %swap3A_397 {strides = array<i32>} : memref<3x1024x4xf32, #tpu.memory_space<vmem>>, vector<1x1x4xf32>,
    %squeeze3A_398 = vector.shape_cast %cond3A_381#2 : vector<4x1xf32> to vector<4xf32>
    %broadcast_in_dim3A_399 = vector.shape_cast %squeeze3A_398 : vector<4xf32> to vector<1x4xf32>
    %swap3A_400 = arith.constant 2 : index
    %swap3A_401 = arith.index_cast %scan3A_348 : i32 to index
    %swap3A_402 = arith.constant 0 : index
    %swap3A_403 = vector.load %arg1[%swap3A_400, %swap3A_401, %swap3A_402] : memref<3x1024x4xf32, #tpu.memory_space<vmem>>, vector<1x1x4xf32>
    %swap3A_404 = vector.shape_cast %swap3A_403 : vector<1x1x4xf32> to vector<1x4xf32>
    %swap3A_405 = vector.shape_cast %broadcast_in_dim3A_399 : vector<1x4xf32> to vector<1x1x4xf32>
    tpu.vector_store %arg1[%swap3A_400, %swap3A_401, %swap3A_402], %swap3A_405 {strides = array<i32>} : memref<3x1024x4xf32, #tpu.memory_space<vmem>>, vector<1x1x4xf32>,
    %neg3A_406 = arith.constant 0.000000e+00 : f32
    %neg3A_407 = vector.broadcast %neg3A_406 : f32 to vector<4x1xf32>
    %neg3A_408 = arith.subf %neg3A_407, %cond3A_381#0 : vector<4x1xf32>
    %add3A_409 = vector.broadcast %neg3A_408 : vector<4x1xf32> to vector<4x4096xf32>
    %add3A_410 = arith.addf %get3A_3, %add3A_409 : vector<4x4096xf32>
    %sub3A_411 = arith.subf %add3A_410, %get3A_3 : vector<4x4096xf32>
    %sub3A_412 = arith.subf %add3A_410, %sub3A_411 : vector<4x4096xf32>
    %sub3A_413 = arith.subf %get3A_3, %sub3A_412 : vector<4x4096xf32>
    %sub3A_414 = vector.broadcast %neg3A_408 : vector<4x1xf32> to vector<4x4096xf32>
    %sub3A_415 = arith.subf %sub3A_414, %sub3A_411 : vector<4x4096xf32>
    %add3A_416 = arith.addf %sub3A_413, %sub3A_415 : vector<4x4096xf32>
    %mul3A_417 = arith.mulf %add3A_410, %add3A_410 : vector<4x4096xf32>
    %mul3A_418 = arith.constant 4.097000e+03 : f32
    %mul3A_419 = vector.broadcast %mul3A_418 : f32 to vector<4x4096xf32>
    %mul3A_420 = arith.mulf %add3A_410, %mul3A_419 : vector<4x4096xf32>
    %sub3A_421 = arith.subf %mul3A_420, %add3A_410 : vector<4x4096xf32>
    %sub3A_422 = arith.subf %mul3A_420, %sub3A_421 : vector<4x4096xf32>
    %sub3A_423 = arith.subf %add3A_410, %sub3A_422 : vector<4x4096xf32>
    %mul3A_424 = arith.mulf %sub3A_422, %sub3A_422 : vector<4x4096xf32>
    %sub3A_425 = arith.subf %mul3A_424, %mul3A_417 : vector<4x4096xf32>
    %mul3A_426 = arith.mulf %sub3A_422, %sub3A_423 : vector<4x4096xf32>
    %mul3A_427 = arith.constant 2.000000e+00 : f32
    %mul3A_428 = vector.broadcast %mul3A_427 : f32 to vector<4x4096xf32>
    %mul3A_429 = arith.mulf %mul3A_428, %mul3A_426 : vector<4x4096xf32>
    %add3A_430 = arith.addf %sub3A_425, %mul3A_429 : vector<4x4096xf32>
    %mul3A_431 = arith.mulf %sub3A_423, %sub3A_423 : vector<4x4096xf32>
    %add3A_432 = arith.addf %add3A_430, %mul3A_431 : vector<4x4096xf32>
    %mul3A_433 = arith.mulf %add3A_410, %add3A_416 : vector<4x4096xf32>
    %mul3A_434 = arith.constant 2.000000e+00 : f32
    %mul3A_435 = vector.broadcast %mul3A_434 : f32 to vector<4x4096xf32>
    %mul3A_436 = arith.mulf %mul3A_435, %mul3A_433 : vector<4x4096xf32>
    %add3A_437 = arith.addf %add3A_432, %mul3A_436 : vector<4x4096xf32>
    %add3A_438 = arith.addf %mul3A_417, %add3A_437 : vector<4x4096xf32>
    %sub3A_439 = arith.subf %add3A_438, %mul3A_417 : vector<4x4096xf32>
    %sub3A_440 = arith.subf %add3A_437, %sub3A_439 : vector<4x4096xf32>
    %neg3A_441 = arith.constant 0.000000e+00 : f32
    %neg3A_442 = vector.broadcast %neg3A_441 : f32 to vector<4x1xf32>
    %neg3A_443 = arith.subf %neg3A_442, %cond3A_381#1 : vector<4x1xf32>
    %add3A_444 = vector.broadcast %neg3A_443 : vector<4x1xf32> to vector<4x4096xf32>
    %add3A_445 = arith.addf %get3A_8, %add3A_444 : vector<4x4096xf32>
    %sub3A_446 = arith.subf %add3A_445, %get3A_8 : vector<4x4096xf32>
    %sub3A_447 = arith.subf %add3A_445, %sub3A_446 : vector<4x4096xf32>
    %sub3A_448 = arith.subf %get3A_8, %sub3A_447 : vector<4x4096xf32>
    %sub3A_449 = vector.broadcast %neg3A_443 : vector<4x1xf32> to vector<4x4096xf32>
    %sub3A_450 = arith.subf %sub3A_449, %sub3A_446 : vector<4x4096xf32>
    %add3A_451 = arith.addf %sub3A_448, %sub3A_450 : vector<4x4096xf32>
    %mul3A_452 = arith.mulf %add3A_445, %add3A_445 : vector<4x4096xf32>
    %mul3A_453 = arith.constant 4.097000e+03 : f32
    %mul3A_454 = vector.broadcast %mul3A_453 : f32 to vector<4x4096xf32>
    %mul3A_455 = arith.mulf %add3A_445, %mul3A_454 : vector<4x4096xf32>
    %sub3A_456 = arith.subf %mul3A_455, %add3A_445 : vector<4x4096xf32>
    %sub3A_457 = arith.subf %mul3A_455, %sub3A_456 : vector<4x4096xf32>
    %sub3A_458 = arith.subf %add3A_445, %sub3A_457 : vector<4x4096xf32>
    %mul3A_459 = arith.mulf %sub3A_457, %sub3A_457 : vector<4x4096xf32>
    %sub3A_460 = arith.subf %mul3A_459, %mul3A_452 : vector<4x4096xf32>
    %mul3A_461 = arith.mulf %sub3A_457, %sub3A_458 : vector<4x4096xf32>
    %mul3A_462 = arith.constant 2.000000e+00 : f32
    %mul3A_463 = vector.broadcast %mul3A_462 : f32 to vector<4x4096xf32>
    %mul3A_464 = arith.mulf %mul3A_463, %mul3A_461 : vector<4x4096xf32>
    %add3A_465 = arith.addf %sub3A_460, %mul3A_464 : vector<4x4096xf32>
    %mul3A_466 = arith.mulf %sub3A_458, %sub3A_458 : vector<4x4096xf32>
    %add3A_467 = arith.addf %add3A_465, %mul3A_466 : vector<4x4096xf32>
    %mul3A_468 = arith.mulf %add3A_445, %add3A_451 : vector<4x4096xf32>
    %mul3A_469 = arith.constant 2.000000e+00 : f32
    %mul3A_470 = vector.broadcast %mul3A_469 : f32 to vector<4x4096xf32>
    %mul3A_471 = arith.mulf %mul3A_470, %mul3A_468 : vector<4x4096xf32>
    %add3A_472 = arith.addf %add3A_467, %mul3A_471 : vector<4x4096xf32>
    %add3A_473 = arith.addf %mul3A_452, %add3A_472 : vector<4x4096xf32>
    %sub3A_474 = arith.subf %add3A_473, %mul3A_452 : vector<4x4096xf32>
    %sub3A_475 = arith.subf %add3A_472, %sub3A_474 : vector<4x4096xf32>
    %neg3A_476 = arith.constant 0.000000e+00 : f32
    %neg3A_477 = vector.broadcast %neg3A_476 : f32 to vector<4x1xf32>
    %neg3A_478 = arith.subf %neg3A_477, %cond3A_381#2 : vector<4x1xf32>
    %add3A_479 = vector.broadcast %neg3A_478 : vector<4x1xf32> to vector<4x4096xf32>
    %add3A_480 = arith.addf %get3A_13, %add3A_479 : vector<4x4096xf32>
    %sub3A_481 = arith.subf %add3A_480, %get3A_13 : vector<4x4096xf32>
    %sub3A_482 = arith.subf %add3A_480, %sub3A_481 : vector<4x4096xf32>
    %sub3A_483 = arith.subf %get3A_13, %sub3A_482 : vector<4x4096xf32>
    %sub3A_484 = vector.broadcast %neg3A_478 : vector<4x1xf32> to vector<4x4096xf32>
    %sub3A_485 = arith.subf %sub3A_484, %sub3A_481 : vector<4x4096xf32>
    %add3A_486 = arith.addf %sub3A_483, %sub3A_485 : vector<4x4096xf32>
    %mul3A_487 = arith.mulf %add3A_480, %add3A_480 : vector<4x4096xf32>
    %mul3A_488 = arith.constant 4.097000e+03 : f32
    %mul3A_489 = vector.broadcast %mul3A_488 : f32 to vector<4x4096xf32>
    %mul3A_490 = arith.mulf %add3A_480, %mul3A_489 : vector<4x4096xf32>
    %sub3A_491 = arith.subf %mul3A_490, %add3A_480 : vector<4x4096xf32>
    %sub3A_492 = arith.subf %mul3A_490, %sub3A_491 : vector<4x4096xf32>
    %sub3A_493 = arith.subf %add3A_480, %sub3A_492 : vector<4x4096xf32>
    %mul3A_494 = arith.mulf %sub3A_492, %sub3A_492 : vector<4x4096xf32>
    %sub3A_495 = arith.subf %mul3A_494, %mul3A_487 : vector<4x4096xf32>
    %mul3A_496 = arith.mulf %sub3A_492, %sub3A_493 : vector<4x4096xf32>
    %mul3A_497 = arith.constant 2.000000e+00 : f32
    %mul3A_498 = vector.broadcast %mul3A_497 : f32 to vector<4x4096xf32>
    %mul3A_499 = arith.mulf %mul3A_498, %mul3A_496 : vector<4x4096xf32>
    %add3A_500 = arith.addf %sub3A_495, %mul3A_499 : vector<4x4096xf32>
    %mul3A_501 = arith.mulf %sub3A_493, %sub3A_493 : vector<4x4096xf32>
    %add3A_502 = arith.addf %add3A_500, %mul3A_501 : vector<4x4096xf32>
    %mul3A_503 = arith.mulf %add3A_480, %add3A_486 : vector<4x4096xf32>
    %mul3A_504 = arith.constant 2.000000e+00 : f32
    %mul3A_505 = vector.broadcast %mul3A_504 : f32 to vector<4x4096xf32>
    %mul3A_506 = arith.mulf %mul3A_505, %mul3A_503 : vector<4x4096xf32>
    %add3A_507 = arith.addf %add3A_502, %mul3A_506 : vector<4x4096xf32>
    %add3A_508 = arith.addf %mul3A_487, %add3A_507 : vector<4x4096xf32>
    %sub3A_509 = arith.subf %add3A_508, %mul3A_487 : vector<4x4096xf32>
    %sub3A_510 = arith.subf %add3A_507, %sub3A_509 : vector<4x4096xf32>
    %add3A_511 = arith.addf %add3A_438, %add3A_473 : vector<4x4096xf32>
    %sub3A_512 = arith.subf %add3A_511, %add3A_438 : vector<4x4096xf32>
    %sub3A_513 = arith.subf %add3A_511, %sub3A_512 : vector<4x4096xf32>
    %sub3A_514 = arith.subf %add3A_438, %sub3A_513 : vector<4x4096xf32>
    %sub3A_515 = arith.subf %add3A_473, %sub3A_512 : vector<4x4096xf32>
    %add3A_516 = arith.addf %sub3A_514, %sub3A_515 : vector<4x4096xf32>
    %add3A_517 = arith.addf %sub3A_440, %sub3A_475 : vector<4x4096xf32>
    %add3A_518 = arith.addf %add3A_516, %add3A_517 : vector<4x4096xf32>
    %add3A_519 = arith.addf %add3A_511, %add3A_518 : vector<4x4096xf32>
    %sub3A_520 = arith.subf %add3A_519, %add3A_511 : vector<4x4096xf32>
    %sub3A_521 = arith.subf %add3A_518, %sub3A_520 : vector<4x4096xf32>
    %add3A_522 = arith.addf %add3A_519, %add3A_508 : vector<4x4096xf32>
    %sub3A_523 = arith.subf %add3A_522, %add3A_519 : vector<4x4096xf32>
    %sub3A_524 = arith.subf %add3A_522, %sub3A_523 : vector<4x4096xf32>
    %sub3A_525 = arith.subf %add3A_519, %sub3A_524 : vector<4x4096xf32>
    %sub3A_526 = arith.subf %add3A_508, %sub3A_523 : vector<4x4096xf32>
    %add3A_527 = arith.addf %sub3A_525, %sub3A_526 : vector<4x4096xf32>
    %add3A_528 = arith.addf %sub3A_521, %sub3A_510 : vector<4x4096xf32>
    %add3A_529 = arith.addf %add3A_527, %add3A_528 : vector<4x4096xf32>
    %add3A_530 = arith.addf %add3A_522, %add3A_529 : vector<4x4096xf32>
    %sub3A_531 = arith.subf %add3A_530, %add3A_522 : vector<4x4096xf32>
    %sub3A_532 = arith.subf %add3A_529, %sub3A_531 : vector<4x4096xf32>
    %lt3A_533 = arith.cmpf olt, %add3A_530, %select_n3A : vector<4x4096xf32>
    %eq3A_534 = arith.cmpf oeq, %add3A_530, %select_n3A : vector<4x4096xf32>
    %lt3A_535 = arith.cmpf olt, %sub3A_532, %select_n3A_346 : vector<4x4096xf32>
    %and3A_536 = arith.andi %eq3A_534, %lt3A_535 : vector<4x4096xi1>
    %or3A_537 = arith.ori %lt3A_533, %and3A_536 : vector<4x4096xi1>
    %select_n3A_538 = arith.select %or3A_537, %add3A_530, %select_n3A : vector<4x4096xi1>, vector<4x4096xf32>
    %select_n3A_539 = arith.select %or3A_537, %sub3A_532, %select_n3A_346 : vector<4x4096xi1>, vector<4x4096xf32>
    %scan3A_540 = arith.constant 1022 : i32
    %scan3A_541 = arith.addi %scan3A, %scan3A_540 : i32
    %reduce_max3A_542 = arith.constant dense<0xFF800000> : vector<4xf32>
    %reduce_max3A_543 = vector.multi_reduction <maximumf>, %select_n3A_538, %reduce_max3A_542 [1] : vector<4x4096xf32> to vector<4xf32>
    %broadcast_in_dim3A_544 = vector.shape_cast %reduce_max3A_543 : vector<4xf32> to vector<4x1xf32>
    %eq3A_545 = vector.broadcast %broadcast_in_dim3A_544 : vector<4x1xf32> to vector<4x4096xf32>
    %eq3A_546 = arith.cmpf oeq, %select_n3A_538, %eq3A_545 : vector<4x4096xf32>
    %convert_element_type3A_547 = arith.extui %eq3A_546 : vector<4x4096xi1> to vector<4x4096xi32>
    %convert_element_type3A_548 = arith.sitofp %convert_element_type3A_547 : vector<4x4096xi32> to vector<4x4096xf32>
    %reduce_sum3A_549 = arith.constant dense<0.000000e+00> : vector<4xf32>
    %reduce_sum3A_550 = vector.multi_reduction <add>, %convert_element_type3A_548, %reduce_sum3A_549 [1] : vector<4x4096xf32> to vector<4xf32>
    %broadcast_in_dim3A_551 = vector.shape_cast %reduce_sum3A_550 : vector<4xf32> to vector<4x1xf32>
    %mul3A_552 = arith.mulf %get3A_3, %convert_element_type3A_548 : vector<4x4096xf32>
    %reduce_sum3A_553 = arith.constant dense<0.000000e+00> : vector<4xf32>
    %reduce_sum3A_554 = vector.multi_reduction <add>, %mul3A_552, %reduce_sum3A_553 [1] : vector<4x4096xf32> to vector<4xf32>
    %broadcast_in_dim3A_555 = vector.shape_cast %reduce_sum3A_554 : vector<4xf32> to vector<4x1xf32>
    %mul3A_556 = arith.mulf %get3A_8, %convert_element_type3A_548 : vector<4x4096xf32>
    %reduce_sum3A_557 = arith.constant dense<0.000000e+00> : vector<4xf32>
    %reduce_sum3A_558 = vector.multi_reduction <add>, %mul3A_556, %reduce_sum3A_557 [1] : vector<4x4096xf32> to vector<4xf32>
    %broadcast_in_dim3A_559 = vector.shape_cast %reduce_sum3A_558 : vector<4xf32> to vector<4x1xf32>
    %mul3A_560 = arith.mulf %get3A_13, %convert_element_type3A_548 : vector<4x4096xf32>
    %reduce_sum3A_561 = arith.constant dense<0.000000e+00> : vector<4xf32>
    %reduce_sum3A_562 = vector.multi_reduction <add>, %mul3A_560, %reduce_sum3A_561 [1] : vector<4x4096xf32> to vector<4xf32>
    %broadcast_in_dim3A_563 = vector.shape_cast %reduce_sum3A_562 : vector<4xf32> to vector<4x1xf32>
    %reduce_max3A_564 = vector.shape_cast %broadcast_in_dim3A_551 : vector<4x1xf32> to vector<1x4x1xf32>
    %reduce_max3A_565 = arith.constant dense<0xFF800000> : vector<1xf32>
    %reduce_max3A_566 = vector.multi_reduction <maximumf>, %reduce_max3A_564, %reduce_max3A_565 [1, 2] : vector<1x4x1xf32> to vector<1xf32>
    %reduce_max3A_567 = vector.shape_cast %reduce_max3A_566 : vector<1xf32> to vector<1x1x1xf32>
    %reduce_max3A_568 = vector.extract %reduce_max3A_567[0, 0, 0] : f32 from vector<1x1x1xf32>
    %gt3A_569 = arith.constant 1.000000e+00 : f32
    %gt3A_570 = arith.cmpf ogt, %reduce_max3A_568, %gt3A_569 : f32
    %convert_element_type3A_571 = arith.extui %gt3A_570 : i1 to i32
    %cond3A_572 = arith.constant 0 : i32
    %cond3A_573 = arith.cmpi ne, %convert_element_type3A_571, %cond3A_572 : i32
    %cond3A_574:3 = scf.if %cond3A_573 -> (vector<4x1xf32>, vector<4x1xf32>, vector<4x1xf32>) {
      %jit3A = arith.constant 0xFFF0000000000000 : f64
      %convert_element_type3A_734 = arith.truncf %jit3A : f64 to f32
      %broadcast_in_dim3A_735 = vector.broadcast %convert_element_type3A_734 : f32 to vector<4x4096xf32>
      %select_n3A_736 = arith.select %eq3A_546, %select_n3A_539, %broadcast_in_dim3A_735 : vector<4x4096xi1>, vector<4x4096xf32>
      %reduce_max3A_737 = arith.constant dense<0xFF800000> : vector<4xf32>
      %reduce_max3A_738 = vector.multi_reduction <maximumf>, %select_n3A_736, %reduce_max3A_737 [1] : vector<4x4096xf32> to vector<4xf32>
      %broadcast_in_dim3A_739 = vector.shape_cast %reduce_max3A_738 : vector<4xf32> to vector<4x1xf32>
      %eq3A_740 = vector.broadcast %broadcast_in_dim3A_739 : vector<4x1xf32> to vector<4x4096xf32>
      %eq3A_741 = arith.cmpf oeq, %select_n3A_539, %eq3A_740 : vector<4x4096xf32>
      %and3A_742 = arith.andi %eq3A_546, %eq3A_741 : vector<4x4096xi1>
      %jit3A_743 = arith.constant 4096 : i32
      %broadcast_in_dim3A_744 = vector.broadcast %jit3A_743 : i32 to vector<4x4096xi32>
      %select_n3A_745 = arith.select %and3A_742, %iota3A, %broadcast_in_dim3A_744 : vector<4x4096xi1>, vector<4x4096xi32>
      %reduce_min3A = arith.constant dense<2147483647> : vector<4xi32>
      %reduce_min3A_746 = vector.multi_reduction <minsi>, %select_n3A_745, %reduce_min3A [1] : vector<4x4096xi32> to vector<4xi32>
      %broadcast_in_dim3A_747 = vector.shape_cast %reduce_min3A_746 : vector<4xi32> to vector<4x1xi32>
      %eq3A_748 = vector.broadcast %broadcast_in_dim3A_747 : vector<4x1xi32> to vector<4x4096xi32>
      %eq3A_749 = arith.cmpi eq, %iota3A, %eq3A_748 : vector<4x4096xi32>
      %convert_element_type3A_750 = arith.extui %eq3A_749 : vector<4x4096xi1> to vector<4x4096xi32>
      %convert_element_type3A_751 = arith.sitofp %convert_element_type3A_750 : vector<4x4096xi32> to vector<4x4096xf32>
      %mul3A_752 = arith.mulf %get3A_3, %convert_element_type3A_751 : vector<4x4096xf32>
      %reduce_sum3A_753 = arith.constant dense<0.000000e+00> : vector<4xf32>
      %reduce_sum3A_754 = vector.multi_reduction <add>, %mul3A_752, %reduce_sum3A_753 [1] : vector<4x4096xf32> to vector<4xf32>
      %broadcast_in_dim3A_755 = vector.shape_cast %reduce_sum3A_754 : vector<4xf32> to vector<4x1xf32>
      %mul3A_756 = arith.mulf %get3A_8, %convert_element_type3A_751 : vector<4x4096xf32>
      %reduce_sum3A_757 = arith.constant dense<0.000000e+00> : vector<4xf32>
      %reduce_sum3A_758 = vector.multi_reduction <add>, %mul3A_756, %reduce_sum3A_757 [1] : vector<4x4096xf32> to vector<4xf32>
      %broadcast_in_dim3A_759 = vector.shape_cast %reduce_sum3A_758 : vector<4xf32> to vector<4x1xf32>
      %mul3A_760 = arith.mulf %get3A_13, %convert_element_type3A_751 : vector<4x4096xf32>
      %reduce_sum3A_761 = arith.constant dense<0.000000e+00> : vector<4xf32>
      %reduce_sum3A_762 = vector.multi_reduction <add>, %mul3A_760, %reduce_sum3A_761 [1] : vector<4x4096xf32> to vector<4xf32>
      %broadcast_in_dim3A_763 = vector.shape_cast %reduce_sum3A_762 : vector<4xf32> to vector<4x1xf32>
      scf.yield %broadcast_in_dim3A_755, %broadcast_in_dim3A_759, %broadcast_in_dim3A_763 : vector<4x1xf32>, vector<4x1xf32>, vector<4x1xf32>
    } else {
      scf.yield %broadcast_in_dim3A_555, %broadcast_in_dim3A_559, %broadcast_in_dim3A_563 : vector<4x1xf32>, vector<4x1xf32>, vector<4x1xf32>
    }
    %squeeze3A_575 = vector.shape_cast %cond3A_574#0 : vector<4x1xf32> to vector<4xf32>
    %broadcast_in_dim3A_576 = vector.shape_cast %squeeze3A_575 : vector<4xf32> to vector<1x4xf32>
    %swap3A_577 = arith.constant 0 : index
    %swap3A_578 = arith.index_cast %scan3A_541 : i32 to index
    %swap3A_579 = arith.constant 0 : index
    %swap3A_580 = vector.load %arg1[%swap3A_577, %swap3A_578, %swap3A_579] : memref<3x1024x4xf32, #tpu.memory_space<vmem>>, vector<1x1x4xf32>
    %swap3A_581 = vector.shape_cast %swap3A_580 : vector<1x1x4xf32> to vector<1x4xf32>
    %swap3A_582 = vector.shape_cast %broadcast_in_dim3A_576 : vector<1x4xf32> to vector<1x1x4xf32>
    tpu.vector_store %arg1[%swap3A_577, %swap3A_578, %swap3A_579], %swap3A_582 {strides = array<i32>} : memref<3x1024x4xf32, #tpu.memory_space<vmem>>, vector<1x1x4xf32>,
    %squeeze3A_583 = vector.shape_cast %cond3A_574#1 : vector<4x1xf32> to vector<4xf32>
    %broadcast_in_dim3A_584 = vector.shape_cast %squeeze3A_583 : vector<4xf32> to vector<1x4xf32>
    %swap3A_585 = arith.constant 1 : index
    %swap3A_586 = arith.index_cast %scan3A_541 : i32 to index
    %swap3A_587 = arith.constant 0 : index
    %swap3A_588 = vector.load %arg1[%swap3A_585, %swap3A_586, %swap3A_587] : memref<3x1024x4xf32, #tpu.memory_space<vmem>>, vector<1x1x4xf32>
    %swap3A_589 = vector.shape_cast %swap3A_588 : vector<1x1x4xf32> to vector<1x4xf32>
    %swap3A_590 = vector.shape_cast %broadcast_in_dim3A_584 : vector<1x4xf32> to vector<1x1x4xf32>
    tpu.vector_store %arg1[%swap3A_585, %swap3A_586, %swap3A_587], %swap3A_590 {strides = array<i32>} : memref<3x1024x4xf32, #tpu.memory_space<vmem>>, vector<1x1x4xf32>,
    %squeeze3A_591 = vector.shape_cast %cond3A_574#2 : vector<4x1xf32> to vector<4xf32>
    %broadcast_in_dim3A_592 = vector.shape_cast %squeeze3A_591 : vector<4xf32> to vector<1x4xf32>
    %swap3A_593 = arith.constant 2 : index
    %swap3A_594 = arith.index_cast %scan3A_541 : i32 to index
    %swap3A_595 = arith.constant 0 : index
    %swap3A_596 = vector.load %arg1[%swap3A_593, %swap3A_594, %swap3A_595] : memref<3x1024x4xf32, #tpu.memory_space<vmem>>, vector<1x1x4xf32>
    %swap3A_597 = vector.shape_cast %swap3A_596 : vector<1x1x4xf32> to vector<1x4xf32>
    %swap3A_598 = vector.shape_cast %broadcast_in_dim3A_592 : vector<1x4xf32> to vector<1x1x4xf32>
    tpu.vector_store %arg1[%swap3A_593, %swap3A_594, %swap3A_595], %swap3A_598 {strides = array<i32>} : memref<3x1024x4xf32, #tpu.memory_space<vmem>>, vector<1x1x4xf32>,
    %neg3A_599 = arith.constant 0.000000e+00 : f32
    %neg3A_600 = vector.broadcast %neg3A_599 : f32 to vector<4x1xf32>
    %neg3A_601 = arith.subf %neg3A_600, %cond3A_574#0 : vector<4x1xf32>
    %add3A_602 = vector.broadcast %neg3A_601 : vector<4x1xf32> to vector<4x4096xf32>
    %add3A_603 = arith.addf %get3A_3, %add3A_602 : vector<4x4096xf32>
    %sub3A_604 = arith.subf %add3A_603, %get3A_3 : vector<4x4096xf32>
    %sub3A_605 = arith.subf %add3A_603, %sub3A_604 : vector<4x4096xf32>
    %sub3A_606 = arith.subf %get3A_3, %sub3A_605 : vector<4x4096xf32>
    %sub3A_607 = vector.broadcast %neg3A_601 : vector<4x1xf32> to vector<4x4096xf32>
    %sub3A_608 = arith.subf %sub3A_607, %sub3A_604 : vector<4x4096xf32>
    %add3A_609 = arith.addf %sub3A_606, %sub3A_608 : vector<4x4096xf32>
    %mul3A_610 = arith.mulf %add3A_603, %add3A_603 : vector<4x4096xf32>
    %mul3A_611 = arith.constant 4.097000e+03 : f32
    %mul3A_612 = vector.broadcast %mul3A_611 : f32 to vector<4x4096xf32>
    %mul3A_613 = arith.mulf %add3A_603, %mul3A_612 : vector<4x4096xf32>
    %sub3A_614 = arith.subf %mul3A_613, %add3A_603 : vector<4x4096xf32>
    %sub3A_615 = arith.subf %mul3A_613, %sub3A_614 : vector<4x4096xf32>
    %sub3A_616 = arith.subf %add3A_603, %sub3A_615 : vector<4x4096xf32>
    %mul3A_617 = arith.mulf %sub3A_615, %sub3A_615 : vector<4x4096xf32>
    %sub3A_618 = arith.subf %mul3A_617, %mul3A_610 : vector<4x4096xf32>
    %mul3A_619 = arith.mulf %sub3A_615, %sub3A_616 : vector<4x4096xf32>
    %mul3A_620 = arith.constant 2.000000e+00 : f32
    %mul3A_621 = vector.broadcast %mul3A_620 : f32 to vector<4x4096xf32>
    %mul3A_622 = arith.mulf %mul3A_621, %mul3A_619 : vector<4x4096xf32>
    %add3A_623 = arith.addf %sub3A_618, %mul3A_622 : vector<4x4096xf32>
    %mul3A_624 = arith.mulf %sub3A_616, %sub3A_616 : vector<4x4096xf32>
    %add3A_625 = arith.addf %add3A_623, %mul3A_624 : vector<4x4096xf32>
    %mul3A_626 = arith.mulf %add3A_603, %add3A_609 : vector<4x4096xf32>
    %mul3A_627 = arith.constant 2.000000e+00 : f32
    %mul3A_628 = vector.broadcast %mul3A_627 : f32 to vector<4x4096xf32>
    %mul3A_629 = arith.mulf %mul3A_628, %mul3A_626 : vector<4x4096xf32>
    %add3A_630 = arith.addf %add3A_625, %mul3A_629 : vector<4x4096xf32>
    %add3A_631 = arith.addf %mul3A_610, %add3A_630 : vector<4x4096xf32>
    %sub3A_632 = arith.subf %add3A_631, %mul3A_610 : vector<4x4096xf32>
    %sub3A_633 = arith.subf %add3A_630, %sub3A_632 : vector<4x4096xf32>
    %neg3A_634 = arith.constant 0.000000e+00 : f32
    %neg3A_635 = vector.broadcast %neg3A_634 : f32 to vector<4x1xf32>
    %neg3A_636 = arith.subf %neg3A_635, %cond3A_574#1 : vector<4x1xf32>
    %add3A_637 = vector.broadcast %neg3A_636 : vector<4x1xf32> to vector<4x4096xf32>
    %add3A_638 = arith.addf %get3A_8, %add3A_637 : vector<4x4096xf32>
    %sub3A_639 = arith.subf %add3A_638, %get3A_8 : vector<4x4096xf32>
    %sub3A_640 = arith.subf %add3A_638, %sub3A_639 : vector<4x4096xf32>
    %sub3A_641 = arith.subf %get3A_8, %sub3A_640 : vector<4x4096xf32>
    %sub3A_642 = vector.broadcast %neg3A_636 : vector<4x1xf32> to vector<4x4096xf32>
    %sub3A_643 = arith.subf %sub3A_642, %sub3A_639 : vector<4x4096xf32>
    %add3A_644 = arith.addf %sub3A_641, %sub3A_643 : vector<4x4096xf32>
    %mul3A_645 = arith.mulf %add3A_638, %add3A_638 : vector<4x4096xf32>
    %mul3A_646 = arith.constant 4.097000e+03 : f32
    %mul3A_647 = vector.broadcast %mul3A_646 : f32 to vector<4x4096xf32>
    %mul3A_648 = arith.mulf %add3A_638, %mul3A_647 : vector<4x4096xf32>
    %sub3A_649 = arith.subf %mul3A_648, %add3A_638 : vector<4x4096xf32>
    %sub3A_650 = arith.subf %mul3A_648, %sub3A_649 : vector<4x4096xf32>
    %sub3A_651 = arith.subf %add3A_638, %sub3A_650 : vector<4x4096xf32>
    %mul3A_652 = arith.mulf %sub3A_650, %sub3A_650 : vector<4x4096xf32>
    %sub3A_653 = arith.subf %mul3A_652, %mul3A_645 : vector<4x4096xf32>
    %mul3A_654 = arith.mulf %sub3A_650, %sub3A_651 : vector<4x4096xf32>
    %mul3A_655 = arith.constant 2.000000e+00 : f32
    %mul3A_656 = vector.broadcast %mul3A_655 : f32 to vector<4x4096xf32>
    %mul3A_657 = arith.mulf %mul3A_656, %mul3A_654 : vector<4x4096xf32>
    %add3A_658 = arith.addf %sub3A_653, %mul3A_657 : vector<4x4096xf32>
    %mul3A_659 = arith.mulf %sub3A_651, %sub3A_651 : vector<4x4096xf32>
    %add3A_660 = arith.addf %add3A_658, %mul3A_659 : vector<4x4096xf32>
    %mul3A_661 = arith.mulf %add3A_638, %add3A_644 : vector<4x4096xf32>
    %mul3A_662 = arith.constant 2.000000e+00 : f32
    %mul3A_663 = vector.broadcast %mul3A_662 : f32 to vector<4x4096xf32>
    %mul3A_664 = arith.mulf %mul3A_663, %mul3A_661 : vector<4x4096xf32>
    %add3A_665 = arith.addf %add3A_660, %mul3A_664 : vector<4x4096xf32>
    %add3A_666 = arith.addf %mul3A_645, %add3A_665 : vector<4x4096xf32>
    %sub3A_667 = arith.subf %add3A_666, %mul3A_645 : vector<4x4096xf32>
    %sub3A_668 = arith.subf %add3A_665, %sub3A_667 : vector<4x4096xf32>
    %neg3A_669 = arith.constant 0.000000e+00 : f32
    %neg3A_670 = vector.broadcast %neg3A_669 : f32 to vector<4x1xf32>
    %neg3A_671 = arith.subf %neg3A_670, %cond3A_574#2 : vector<4x1xf32>
    %add3A_672 = vector.broadcast %neg3A_671 : vector<4x1xf32> to vector<4x4096xf32>
    %add3A_673 = arith.addf %get3A_13, %add3A_672 : vector<4x4096xf32>
    %sub3A_674 = arith.subf %add3A_673, %get3A_13 : vector<4x4096xf32>
    %sub3A_675 = arith.subf %add3A_673, %sub3A_674 : vector<4x4096xf32>
    %sub3A_676 = arith.subf %get3A_13, %sub3A_675 : vector<4x4096xf32>
    %sub3A_677 = vector.broadcast %neg3A_671 : vector<4x1xf32> to vector<4x4096xf32>
    %sub3A_678 = arith.subf %sub3A_677, %sub3A_674 : vector<4x4096xf32>
    %add3A_679 = arith.addf %sub3A_676, %sub3A_678 : vector<4x4096xf32>
    %mul3A_680 = arith.mulf %add3A_673, %add3A_673 : vector<4x4096xf32>
    %mul3A_681 = arith.constant 4.097000e+03 : f32
    %mul3A_682 = vector.broadcast %mul3A_681 : f32 to vector<4x4096xf32>
    %mul3A_683 = arith.mulf %add3A_673, %mul3A_682 : vector<4x4096xf32>
    %sub3A_684 = arith.subf %mul3A_683, %add3A_673 : vector<4x4096xf32>
    %sub3A_685 = arith.subf %mul3A_683, %sub3A_684 : vector<4x4096xf32>
    %sub3A_686 = arith.subf %add3A_673, %sub3A_685 : vector<4x4096xf32>
    %mul3A_687 = arith.mulf %sub3A_685, %sub3A_685 : vector<4x4096xf32>
    %sub3A_688 = arith.subf %mul3A_687, %mul3A_680 : vector<4x4096xf32>
    %mul3A_689 = arith.mulf %sub3A_685, %sub3A_686 : vector<4x4096xf32>
    %mul3A_690 = arith.constant 2.000000e+00 : f32
    %mul3A_691 = vector.broadcast %mul3A_690 : f32 to vector<4x4096xf32>
    %mul3A_692 = arith.mulf %mul3A_691, %mul3A_689 : vector<4x4096xf32>
    %add3A_693 = arith.addf %sub3A_688, %mul3A_692 : vector<4x4096xf32>
    %mul3A_694 = arith.mulf %sub3A_686, %sub3A_686 : vector<4x4096xf32>
    %add3A_695 = arith.addf %add3A_693, %mul3A_694 : vector<4x4096xf32>
    %mul3A_696 = arith.mulf %add3A_673, %add3A_679 : vector<4x4096xf32>
    %mul3A_697 = arith.constant 2.000000e+00 : f32
    %mul3A_698 = vector.broadcast %mul3A_697 : f32 to vector<4x4096xf32>
    %mul3A_699 = arith.mulf %mul3A_698, %mul3A_696 : vector<4x4096xf32>
    %add3A_700 = arith.addf %add3A_695, %mul3A_699 : vector<4x4096xf32>
    %add3A_701 = arith.addf %mul3A_680, %add3A_700 : vector<4x4096xf32>
    %sub3A_702 = arith.subf %add3A_701, %mul3A_680 : vector<4x4096xf32>
    %sub3A_703 = arith.subf %add3A_700, %sub3A_702 : vector<4x4096xf32>
    %add3A_704 = arith.addf %add3A_631, %add3A_666 : vector<4x4096xf32>
    %sub3A_705 = arith.subf %add3A_704, %add3A_631 : vector<4x4096xf32>
    %sub3A_706 = arith.subf %add3A_704, %sub3A_705 : vector<4x4096xf32>
    %sub3A_707 = arith.subf %add3A_631, %sub3A_706 : vector<4x4096xf32>
    %sub3A_708 = arith.subf %add3A_666, %sub3A_705 : vector<4x4096xf32>
    %add3A_709 = arith.addf %sub3A_707, %sub3A_708 : vector<4x4096xf32>
    %add3A_710 = arith.addf %sub3A_633, %sub3A_668 : vector<4x4096xf32>
    %add3A_711 = arith.addf %add3A_709, %add3A_710 : vector<4x4096xf32>
    %add3A_712 = arith.addf %add3A_704, %add3A_711 : vector<4x4096xf32>
    %sub3A_713 = arith.subf %add3A_712, %add3A_704 : vector<4x4096xf32>
    %sub3A_714 = arith.subf %add3A_711, %sub3A_713 : vector<4x4096xf32>
    %add3A_715 = arith.addf %add3A_712, %add3A_701 : vector<4x4096xf32>
    %sub3A_716 = arith.subf %add3A_715, %add3A_712 : vector<4x4096xf32>
    %sub3A_717 = arith.subf %add3A_715, %sub3A_716 : vector<4x4096xf32>
    %sub3A_718 = arith.subf %add3A_712, %sub3A_717 : vector<4x4096xf32>
    %sub3A_719 = arith.subf %add3A_701, %sub3A_716 : vector<4x4096xf32>
    %add3A_720 = arith.addf %sub3A_718, %sub3A_719 : vector<4x4096xf32>
    %add3A_721 = arith.addf %sub3A_714, %sub3A_703 : vector<4x4096xf32>
    %add3A_722 = arith.addf %add3A_720, %add3A_721 : vector<4x4096xf32>
    %add3A_723 = arith.addf %add3A_715, %add3A_722 : vector<4x4096xf32>
    %sub3A_724 = arith.subf %add3A_723, %add3A_715 : vector<4x4096xf32>
    %sub3A_725 = arith.subf %add3A_722, %sub3A_724 : vector<4x4096xf32>
    %lt3A_726 = arith.cmpf olt, %add3A_723, %select_n3A_538 : vector<4x4096xf32>
    %eq3A_727 = arith.cmpf oeq, %add3A_723, %select_n3A_538 : vector<4x4096xf32>
    %lt3A_728 = arith.cmpf olt, %sub3A_725, %select_n3A_539 : vector<4x4096xf32>
    %and3A_729 = arith.andi %eq3A_727, %lt3A_728 : vector<4x4096xi1>
    %or3A_730 = arith.ori %lt3A_726, %and3A_729 : vector<4x4096xi1>
    %select_n3A_731 = arith.select %or3A_730, %add3A_723, %select_n3A_538 : vector<4x4096xi1>, vector<4x4096xf32>
    %select_n3A_732 = arith.select %or3A_730, %sub3A_725, %select_n3A_539 : vector<4x4096xi1>, vector<4x4096xf32>
    %scan3A_733 = arith.constant 1023 : i32
    return
  }
}

module attributes {stable_mosaic.version = 14 : i64} {
  func.func @_mlp_body(%arg0: i32, %arg1: memref<2048x8xf32, #tpu.memory_space<vmem>>, %arg2: memref<64x3xf32, #tpu.memory_space<vmem>>, %arg3: memref<6x64xf32, #tpu.memory_space<vmem>>, %arg4: memref<1x64xf32, #tpu.memory_space<vmem>>, %arg5: memref<64x64xf32, #tpu.memory_space<vmem>>, %arg6: memref<1x64xf32, #tpu.memory_space<vmem>>, %arg7: memref<64x128xf32, #tpu.memory_space<vmem>>, %arg8: memref<1x128xf32, #tpu.memory_space<vmem>>, %arg9: memref<64x128xf32, #tpu.memory_space<vmem>>) attributes {dimension_semantics = [#tpu.dimension_semantics<arbitrary>], iteration_bounds = array<i64: 64>, scalar_prefetch = 0 : i64, scratch_operands = 0 : i64, tpu.core_type = #tpu.core_type<tc>, window_params = [{transform_indices = @transform_0, window_bounds = array<i64: 2048, 8>}, {transform_indices = @transform_1, window_bounds = array<i64: 64, 3>}, {pipeline_mode = #tpu.pipeline_mode<synchronous>, transform_indices = @transform_2, window_bounds = array<i64: 6, 64>}, {pipeline_mode = #tpu.pipeline_mode<synchronous>, transform_indices = @transform_3, window_bounds = array<i64: 1, 64>}, {pipeline_mode = #tpu.pipeline_mode<synchronous>, transform_indices = @transform_4, window_bounds = array<i64: 64, 64>}, {pipeline_mode = #tpu.pipeline_mode<synchronous>, transform_indices = @transform_5, window_bounds = array<i64: 1, 64>}, {pipeline_mode = #tpu.pipeline_mode<synchronous>, transform_indices = @transform_6, window_bounds = array<i64: 64, 128>}, {pipeline_mode = #tpu.pipeline_mode<synchronous>, transform_indices = @transform_7, window_bounds = array<i64: 1, 128>}, {transform_indices = @transform_8, window_bounds = array<i64: 64, 128>}]} {
    %get3A = arith.constant 0 : index
    %get3A_0 = arith.constant 0 : index
    %get3A_1 = vector.load %arg1[%get3A, %get3A_0] : memref<2048x8xf32, #tpu.memory_space<vmem>>, vector<2048x8xf32>
    %slice3A = vector.extract_strided_slice %get3A_1 {offsets = [0, 0], sizes = [2048, 6], strides = [1, 1]} : vector<2048x8xf32> to vector<2048x6xf32>
    %get3A_2 = arith.constant 0 : index
    %get3A_3 = arith.constant 0 : index
    %get3A_4 = vector.load %arg3[%get3A_2, %get3A_3] : memref<6x64xf32, #tpu.memory_space<vmem>>, vector<6x64xf32>
    %dot_general3A = arith.constant dense<0.000000e+00> : vector<2048x64xf32>
    %dot_general3A_5 = tpu.matmul %slice3A, %get3A_4, %dot_general3A {dimension_numbers = #tpu.dot_dimension_numbers<[1], [0], [0], [1], [0, 0, 1, 1], [], []>, precision = #tpu.contract_precision<fp32>, transpose_lhs_hint = false} : vector<2048x6xf32>, vector<6x64xf32>, vector<2048x64xf32> -> vector<2048x64xf32>
    %get3A_6 = arith.constant 0 : index
    %get3A_7 = arith.constant 0 : index
    %get3A_8 = vector.load %arg2[%get3A_6, %get3A_7] : memref<64x3xf32, #tpu.memory_space<vmem>>, vector<64x3xf32>
    %get3A_9 = arith.constant 3 : index
    %get3A_10 = arith.constant 0 : index
    %get3A_11 = vector.load %arg3[%get3A_9, %get3A_10] : memref<6x64xf32, #tpu.memory_space<vmem>>, vector<3x64xf32>
    %dot_general3A_12 = arith.constant dense<0.000000e+00> : vector<64x64xf32>
    %dot_general3A_13 = tpu.matmul %get3A_8, %get3A_11, %dot_general3A_12 {dimension_numbers = #tpu.dot_dimension_numbers<[1], [0], [0], [1], [0, 0, 1, 1], [], []>, precision = #tpu.contract_precision<fp32>, transpose_lhs_hint = false} : vector<64x3xf32>, vector<3x64xf32>, vector<64x64xf32> -> vector<64x64xf32>
    %reshape3A = vector.shape_cast %dot_general3A_5 : vector<2048x64xf32> to vector<64x32x64xf32>
    %get3A_14 = arith.constant 0 : index
    %get3A_15 = arith.constant 0 : index
    %get3A_16 = vector.load %arg4[%get3A_14, %get3A_15] : memref<1x64xf32, #tpu.memory_space<vmem>>, vector<1x64xf32>
    %sub3A = vector.broadcast %get3A_16 : vector<1x64xf32> to vector<64x64xf32>
    %sub3A_17 = arith.subf %sub3A, %dot_general3A_13 : vector<64x64xf32>
    %broadcast_in_dim3A = vector.shape_cast %sub3A_17 : vector<64x64xf32> to vector<64x1x64xf32>
    %add3A = vector.broadcast %broadcast_in_dim3A : vector<64x1x64xf32> to vector<64x32x64xf32>
    %add3A_18 = arith.addf %reshape3A, %add3A : vector<64x32x64xf32>
    %max3A = arith.constant 0.000000e+00 : f32
    %max3A_19 = vector.broadcast %max3A : f32 to vector<64x32x64xf32>
    %max3A_20 = arith.maximumf %add3A_18, %max3A_19 : vector<64x32x64xf32>
    %reshape3A_21 = vector.shape_cast %max3A_20 : vector<64x32x64xf32> to vector<2048x64xf32>
    %get3A_22 = arith.constant 0 : index
    %get3A_23 = arith.constant 0 : index
    %get3A_24 = vector.load %arg5[%get3A_22, %get3A_23] : memref<64x64xf32, #tpu.memory_space<vmem>>, vector<64x64xf32>
    %dot_general3A_25 = arith.constant dense<0.000000e+00> : vector<2048x64xf32>
    %dot_general3A_26 = tpu.matmul %reshape3A_21, %get3A_24, %dot_general3A_25 {dimension_numbers = #tpu.dot_dimension_numbers<[1], [0], [0], [1], [0, 0, 1, 1], [], []>, precision = #tpu.contract_precision<fp32>, transpose_lhs_hint = false} : vector<2048x64xf32>, vector<64x64xf32>, vector<2048x64xf32> -> vector<2048x64xf32>
    %get3A_27 = arith.constant 0 : index
    %get3A_28 = arith.constant 0 : index
    %get3A_29 = vector.load %arg6[%get3A_27, %get3A_28] : memref<1x64xf32, #tpu.memory_space<vmem>>, vector<1x64xf32>
    %add3A_30 = vector.broadcast %get3A_29 : vector<1x64xf32> to vector<2048x64xf32>
    %add3A_31 = arith.addf %dot_general3A_26, %add3A_30 : vector<2048x64xf32>
    %max3A_32 = arith.constant 0.000000e+00 : f32
    %max3A_33 = vector.broadcast %max3A_32 : f32 to vector<2048x64xf32>
    %max3A_34 = arith.maximumf %add3A_31, %max3A_33 : vector<2048x64xf32>
    %get3A_35 = arith.constant 0 : index
    %get3A_36 = arith.constant 0 : index
    %get3A_37 = vector.load %arg7[%get3A_35, %get3A_36] : memref<64x128xf32, #tpu.memory_space<vmem>>, vector<64x128xf32>
    %dot_general3A_38 = arith.constant dense<0.000000e+00> : vector<2048x128xf32>
    %dot_general3A_39 = tpu.matmul %max3A_34, %get3A_37, %dot_general3A_38 {dimension_numbers = #tpu.dot_dimension_numbers<[1], [0], [0], [1], [0, 0, 1, 1], [], []>, precision = #tpu.contract_precision<fp32>, transpose_lhs_hint = false} : vector<2048x64xf32>, vector<64x128xf32>, vector<2048x128xf32> -> vector<2048x128xf32>
    %get3A_40 = arith.constant 0 : index
    %get3A_41 = arith.constant 0 : index
    %get3A_42 = vector.load %arg8[%get3A_40, %get3A_41] : memref<1x128xf32, #tpu.memory_space<vmem>>, vector<1x128xf32>
    %add3A_43 = vector.broadcast %get3A_42 : vector<1x128xf32> to vector<2048x128xf32>
    %add3A_44 = arith.addf %dot_general3A_39, %add3A_43 : vector<2048x128xf32>
    %reshape3A_45 = vector.shape_cast %add3A_44 : vector<2048x128xf32> to vector<64x32x128xf32>
    %reduce_max3A = arith.constant dense<0xFF800000> : vector<64x128xf32>
    %reduce_max3A_46 = vector.multi_reduction <maximumf>, %reshape3A_45, %reduce_max3A [1] : vector<64x32x128xf32> to vector<64x128xf32>
    %swap3A = arith.constant 0 : index
    %swap3A_47 = arith.constant 0 : index
    %swap3A_48 = vector.load %arg9[%swap3A, %swap3A_47] : memref<64x128xf32, #tpu.memory_space<vmem>>, vector<64x128xf32>
    tpu.vector_store %arg9[%swap3A, %swap3A_47], %reduce_max3A_46 {strides = array<i32>} : memref<64x128xf32, #tpu.memory_space<vmem>>, vector<64x128xf32>,
    return
  }
  func.func @transform_0(%arg0: i32) -> (i32, i32) {
    %c0_i32 = arith.constant 0 : i32
    %c0_i32_0 = arith.constant 0 : i32
    return %arg0, %c0_i32 : i32, i32
  }
  func.func @transform_1(%arg0: i32) -> (i32, i32) {
    %c0_i32 = arith.constant 0 : i32
    %c0_i32_0 = arith.constant 0 : i32
    return %arg0, %c0_i32 : i32, i32
  }
  func.func @transform_2(%arg0: i32) -> (i32, i32) {
    %c0_i32 = arith.constant 0 : i32
    %c0_i32_0 = arith.constant 0 : i32
    %c0_i32_1 = arith.constant 0 : i32
    return %c0_i32, %c0_i32_0 : i32, i32
  }
  func.func @transform_3(%arg0: i32) -> (i32, i32) {
    %c0_i32 = arith.constant 0 : i32
    %c0_i32_0 = arith.constant 0 : i32
    %c0_i32_1 = arith.constant 0 : i32
    return %c0_i32, %c0_i32_0 : i32, i32
  }
  func.func @transform_4(%arg0: i32) -> (i32, i32) {
    %c0_i32 = arith.constant 0 : i32
    %c0_i32_0 = arith.constant 0 : i32
    %c0_i32_1 = arith.constant 0 : i32
    return %c0_i32, %c0_i32_0 : i32, i32
  }
  func.func @transform_5(%arg0: i32) -> (i32, i32) {
    %c0_i32 = arith.constant 0 : i32
    %c0_i32_0 = arith.constant 0 : i32
    %c0_i32_1 = arith.constant 0 : i32
    return %c0_i32, %c0_i32_0 : i32, i32
  }
  func.func @transform_6(%arg0: i32) -> (i32, i32) {
    %c0_i32 = arith.constant 0 : i32
    %c0_i32_0 = arith.constant 0 : i32
    %c0_i32_1 = arith.constant 0 : i32
    return %c0_i32, %c0_i32_0 : i32, i32
  }
  func.func @transform_7(%arg0: i32) -> (i32, i32) {
    %c0_i32 = arith.constant 0 : i32
    %c0_i32_0 = arith.constant 0 : i32
    %c0_i32_1 = arith.constant 0 : i32
    return %c0_i32, %c0_i32_0 : i32, i32
  }
  func.func @transform_8(%arg0: i32) -> (i32, i32) {
    %c0_i32 = arith.constant 0 : i32
    %c0_i32_0 = arith.constant 0 : i32
    return %arg0, %c0_i32 : i32, i32
  }
}

</mosaic_0001>

<sc_bundles>
// kernel: kernel.6.cloned.1.call-start
scs
__scs_entry_jumppad:
0x0: {  	(pc) =	sbr.rel $0x88, $3  }
0x1: {  	(tag) =	ssettag $0x0;
	lr =	simm.s32 $0x1  }
0x2: {  	[smem:$0x3F98] =	sst lr;
	_ =	strace $0xD0000000  }
0x3: {  	_ = 	snop  }
0x4: {  	_ = 	snop  }
0x5: {  	_ = 	snop  }
0x6: {  	_ = 	snop  }
0x7: {  	_ = 	snop  }
__scs_overlays_trampoline_lowered:
0x8: {  	[smem:$0x3FA7] =	sst s0  }
0x9: {  	[smem:$0x3FA8] =	sst s1  }
0xa: {  	[smem:$0x3FA9] =	sst s2  }
0xb: {  	[smem:$0x3FAA] =	sst s3  }
0xc: {  	[smem:$0x3FAB] =	sst s4  }
0xd: {  	[smem:$0x3FAC] =	sst s5  }
0xe: {  	[smem:$0x3FAD] =	sst s6  }
0xf: {  	[smem:$0x3FAE] =	sst s7  }
0x10: {  	[smem:$0x3FAF] =	sst s8  }
0x11: {  	[smem:$0x3FB0] =	sst s9;
	s0 =	simm.s32 @!p0 $0x0  }
0x12: {  	s1 =	sld [smem:$0x3F96];
	s0 =	simm.s32 @p0 $0x1  }
0x13: {  	[smem:$0x3FB1] =	sst s0;
	s0 =	simm.s32 @!p1 $0x0  }
0x14: {  	s2 =	sld [smem:$0x3F95];
	s0 =	simm.s32 @p1 $0x1  }
0x15: {  	[smem:$0x3FB2] =	sst s0;
	s0 =	simm.s32 @!p2 $0x0  }
0x16: {  	s3 =	sld [smem:$0x3FDB];
	s0 =	simm.s32 @p2 $0x1  }
0x17: {  	s4 =	simm.s32 $0x1BF5;
	[smem:$0x3FB4] =	sst s0  }
0x18: {  	s0 =	sld [smem:$0x3F97];
	_ =	swait.ge [sflag:s4], $0x0  }
0x19: {  	s7 =	sld [smem:$0x3F98]  }
0x1a: {  	s8 =	sadd.s32 $0xFFFFE003, lr  }
0x1b: {  	s9 =	sadd.s32 $0xFFFFFEF7, lr;
	s5 =	simm.s32 $0xFFFFFFFF;
	p2 =	slt.u32 s8, $0xFFFFF086  }
0x1c: {  	p1 =	slt.u32 s9, $0xF7A;
	s5 =	simm.s32 @!p2 $0x0  }
0x1d: {  	s5 =	simm.s32 @p1 $0x1;
	p0 =	seq.s32 s7, s2  }
0x1e: {  	s7 =	smul.u32 @!p0 $0xF7A, s2;
	p2 =	seq.s32 @!p0 s5, $0x0  }
0x1f: {  	s9 =	smul.u32 $0xF7A, s1;
	s8 =	simm.s32 @!p0 $0x1BF5;
	p2 =	por !p2, p0  }
0x20: {  	[sflag:s8] =	ssyncset.s32 @!p0 $0xFFFFF086;
	s6 =	sadd.s32 @!p0 s3, s7;
	s7 =	simm.s32 @!p0 $0x108  }
0x21: {  	s3 =	sadd.s32 s3, s9;
	s6 =	sadd.s32 @!p0 $0x88, s6;
	s7 =	simm.s32 @p2 $0x1082  }
0x22: {  	[simem:s7], [sflag:s8] =	dma.local @!p0 [hbm:s6], $0xF7A  }
0x23: {  	s9 =	sor.u32 $0xD0000000, s2;
	s6 =	simm.s32 $0x108;
	_ =	swait.ge @!p0 [sflag:s8], $0x0  }
0x24: {  	s3 =	sadd.s32 $0x88, s3;
	s6 =	simm.s32 @!p1 $0x1082;
	[sflag:s4] =	ssyncset.s32 $0xFFFFF086  }
0x25: {  	[simem:s6], [sflag:s4] =	dma.local [hbm:s3], $0xF7A  }
0x26: {  	[smem:$0x3F98] =	sst s1;
	(tag) =	ssettag s2;
	_ =	strace s9  }
0x27: {  	s1 =	sld [smem:$0x3FA8]  }
0x28: {  	s2 =	sld [smem:$0x3FA9]  }
0x29: {  	s4 =	sld [smem:$0x3FAB]  }
0x2a: {  	p0 =	seq.s32 s5, $0x0;
	s5 =	sld [smem:$0x3FAC]  }
0x2b: {  	s6 =	sld [smem:$0x3FAD]  }
0x2c: {  	s7 =	sld [smem:$0x3FAE]  }
0x2d: {  	s3 =	simm.s32 $0x108;
	s8 =	sld [smem:$0x3FAF]  }
0x2e: {  	s3 =	simm.s32 @!p0 $0x1082;
	s9 =	sld [smem:$0x3FB0]  }
0x2f: {  	lr =	sadd.s32 s0, s3;
	s0 =	sld [smem:$0x3FA7]  }
0x30: {  	s3 =	sld [smem:$0x3FAA]  }
0x31: {  	[smem:$0x3FB3] =	sst s10  }
0x32: {  	s10 =	sld [smem:$0x3FB1];
	_ =	sdelay $0x3  }
0x33: {  	p0 =	seq.s32 s10, $0x1;
	s10 =	sld [smem:$0x3FB3];
	_ =	sdelay $0x3  }
0x34: {  	[smem:$0x3FB3] =	sst s10  }
0x35: {  	s10 =	sld [smem:$0x3FB2];
	_ =	sdelay $0x3  }
0x36: {  	p1 =	seq.s32 s10, $0x1;
	s10 =	sld [smem:$0x3FB3];
	_ =	sdelay $0x3  }
0x37: {  	[smem:$0x3FB3] =	sst s10  }
0x38: {  	s10 =	sld [smem:$0x3FB4]  }
0x39: {  	_ = 	snop;
	(pc) =	sbr.ind lr, $3  }
0x3a: {  	_ = 	snop  }
0x3b: {  	_ = 	snop  }
0x3c: {  	p2 =	seq.s32 s10, $0x1;
	s10 =	sld [smem:$0x3FB3]  }
0x3d: {  	_ =	shalt  }
0x3e: {  	_ =	shalt  }
0x3f: {  	_ =	shalt  }
0x40: {  	_ =	shalt  }
0x41: {  	_ =	shalt  }
0x42: {  	_ =	shalt  }
0x43: {  	_ =	shalt  }
0x44: {  	_ =	shalt  }
0x45: {  	_ =	shalt  }
0x46: {  	_ =	shalt  }
0x47: {  	_ =	shalt  }
0x48: {  	_ =	shalt  }
0x49: {  	_ =	shalt  }
0x4a: {  	_ =	shalt  }
0x4b: {  	_ =	shalt  }
0x4c: {  	_ =	shalt  }
0x4d: {  	_ =	shalt  }
0x4e: {  	_ =	shalt  }
0x4f: {  	_ =	shalt  }
0x50: {  	_ =	shalt  }
0x51: {  	_ =	shalt  }
0x52: {  	_ =	shalt  }
0x53: {  	_ =	shalt  }
0x54: {  	_ =	shalt  }
0x55: {  	_ =	shalt  }
0x56: {  	_ =	shalt  }
0x57: {  	_ =	shalt  }
0x58: {  	_ =	shalt  }
0x59: {  	_ =	shalt  }
0x5a: {  	_ =	shalt  }
0x5b: {  	_ =	shalt  }
0x5c: {  	_ =	shalt  }
0x5d: {  	_ =	shalt  }
0x5e: {  	_ =	shalt  }
0x5f: {  	_ =	shalt  }
0x60: {  	_ =	shalt  }
0x61: {  	_ =	shalt  }
0x62: {  	_ =	shalt  }
0x63: {  	_ =	shalt  }
0x64: {  	_ =	shalt  }
0x65: {  	_ =	shalt  }
0x66: {  	_ =	shalt  }
0x67: {  	_ =	shalt  }
0x68: {  	_ =	shalt  }
0x69: {  	_ =	shalt  }
0x6a: {  	_ =	shalt  }
0x6b: {  	_ =	shalt  }
0x6c: {  	_ =	shalt  }
0x6d: {  	_ =	shalt  }
0x6e: {  	_ =	shalt  }
0x6f: {  	_ =	shalt  }
0x70: {  	_ =	shalt  }
0x71: {  	_ =	shalt  }
0x72: {  	_ =	shalt  }
0x73: {  	_ =	shalt  }
0x74: {  	_ =	shalt  }
0x75: {  	_ =	shalt  }
0x76: {  	_ =	shalt  }
0x77: {  	_ =	shalt  }
0x78: {  	_ =	shalt  }
0x79: {  	_ =	shalt  }
0x7a: {  	_ =	shalt  }
0x7b: {  	_ =	shalt  }
0x7c: {  	_ =	shalt  }
0x7d: {  	_ =	shalt  }
0x7e: {  	_ =	shalt  }
0x7f: {  	_ =	shalt  }
0x80: {  	_ =	shalt  }
0x81: {  	_ =	shalt  }
0x82: {  	_ =	shalt  }
0x83: {  	_ =	shalt  }
0x84: {  	_ =	shalt  }
0x85: {  	_ =	shalt  }
0x86: {  	_ =	shalt  }
0x87: {  	_ =	shalt  }
.Lfunc_end0:
.L_simem_size_0:
called_computation_lowered:
.L_overlay_start_0:
0x88: {  	s2 =	sld [smem:$0x3FD9]  }
0x89: {  	s3 =	sld [smem:$0x3FFE];
	_ =	sdelay $0x1  }
0x8a: {  	s1 =	srdreg.scid  }
0x8b: {  	s0 =	sand.u32 $0x1, s1  }
0x8c: {  	s14 =	sshll.u32 s0, $0xA;
	s2 =	sadd.s32 s3, s2  }
0x8d: {  	s2 =	sadd.s32 s2, s14  }
0x8e: {  	[smem:$0x3FBF] =	sst s2  }
0x8f: {  	_ = 	snop  }
0x90: {  	s2 =	sld [smem:$0x3FD0];
	_ =	sdelay $0x2  }
0x91: {  	s15 =	simm.s32 $0xA;
	s4 =	simm.s32 $0x10  }
0x92: {  	[smem:s4], [sflag:s15] =	dma.local [hbm:s2], $0x1  }
0x93: {  	_ =	swait.eq [sflag:s15], $0x1  }
0x94: {  	[sflag:s15] =	ssyncset.done $0x0  }
0x95: {  	[sflag:s15] =	ssyncadd.s32 $0xFFFFFFFF  }
0x96: {  	s16 =	sld [smem:$0x10];
	(tm) =	ssettm $0x1  }
0x97: {  	s17 =	sld [smem:$0x3FFB];
	_ =	sdelay $0x3  }
0x98: {  	_ =	strace s17  }
0x99: {  	s3 =	sld [smem:$0x3FFC];
	_ =	sdelay $0x3  }
0x9a: {  	_ =	strace s3  }
0x9b: {  	s3 =	sld [smem:$0x3FFD];
	_ =	sdelay $0x3  }
0x9c: {  	_ =	strace s3  }
0x9d: {  	_ =	strace $0x8FFFFFFF  }
0x9e: {  	s18 =	sld [smem:$0x3FDB];
	_ =	sdelay $0x1  }
0x9f: {  	s19 =	simm.s32 $_scs_section_size  }
0xa0: {  	s5 =	simm.s32 $_size__tile_overlayer_lowered;
	s6 =	simm.s32 $_tile_overlayer_lowered  }
0xa1: {  	s22 =	simm.s32 $0x1BFF;
	s21 =	sshll.u32 s6, $0x1;
	s3 =	sadd.s32 s19, s18  }
0xa2: {  	s7 =	simm.s32 $0x0;
	s20 =	sshll.u32 s5, $0x1;
	s5 =	sadd.s32 s21, s3  }
0xa3: {  	[timem:s7], [sflag:s22] =	dma.local [hbm:s5], s20  }
0xa4: {  	_ =	swait.ge [sflag:s22], s20  }
0xa5: {  	s4 =	ssub.s32 $0x0, s20;
	[sflag:s22] =	ssyncset.done $0x0  }
0xa6: {  	[sflag:s22] =	ssyncadd.s32 s4;
	_ =	sdelay $0x1  }
0xa7: {  	s23 =	simm.s32 $0x1B8B  }
0xa8: {  	_ =	swait.ge [sflag:s23], $0x1  }
0xa9: {  	[sflag:s23] =	ssyncset.done $0x0  }
0xaa: {  	s25 =	simm.s32 $0x1B8E;
	s24 =	sld [smem:$0x3FFE];
	[sflag:s23] =	ssyncadd.s32 $0xFFFFFFFF  }
0xab: {  	s26 =	simm.s32 $execute0_lowered;
	[smem:$0x3FD2] =	sst s25  }
0xac: {  	s5 =	sshll.u32 s26, $0x1;
	_ =	strace $0x80000046;
	[dreg:$0x1] =	wrdreg $0xFFFFFFFF  }
0xad: {  	s28 =	simm.s32 $_size_execute0_lowered;
	s3 =	sadd.s32 s3, s5;
	[dreg:$0x0] =	wrdreg $0x0  }
0xae: {  	s5 =	sshll.u32 s28, $0x1;
	[dreg:$0x2] =	wrdreg s3  }
0xaf: {  	[dreg:$0x3] =	wrdreg s5  }
0xb0: {  	[dreg:$0x4] =	wrdreg $0xC0  }
0xb1: {  	_ =	task [dreg:s7], $0x5FFFF  }
0xb2: {  	[dreg:$0x1] =	wrdreg $0xFFFFFFFF  }
0xb3: {  	[dreg:$0x0] =	wrdreg $0x60  }
0xb4: {  	[dreg:$0x2] =	wrdreg s24  }
0xb5: {  	[dreg:$0x3] =	wrdreg s16  }
0xb6: {  	[dreg:$0x4] =	wrdreg $0x9  }
0xb7: {  	_ =	task.clear_ibuf [dreg:s7], $0x5FFFF;
	_ =	strace $0x90000046  }
0xb8: {  	s29 =	simm.s32 $0x9;
	_ =	strace $0x80000048  }
0xb9: {  	_ =	swait.ge [sflag:s29], $0x1  }
0xba: {  	[sflag:s29] =	ssyncadd.s32 $0xFFFFFFFF  }
0xbb: {  	_ =	strace $0x90000048  }
0xbc: {  	_ =	sfence  }
0xbd: {  	s30 =	sld [smem:$0x0];
	_ =	sdelay $0x2  }
0xbe: {  	s31 =	sshll.u32 s1, $0xD;
	s1 =	sshrl.u32 s1, $0x2  }
0xbf: {  	s3 =	sand.u32 $0x4000, s31;
	s1 =	sadd.s32 s1, s30  }
0xc0: {  	s0 =	sor.u32 s3, s0;
	s1 =	sshll.u32 s1, $0x11  }
0xc1: {  	s0 =	sor.u32 s1, s0  }
0xc2: {  	s0 =	sadd.s32 $0x8F2B, s0  }
0xc3: {  	[sflag:s0] =	ssyncadd.remote.s32 $0x1  }
0xc4: {  	_ =	sfence.sel $0xFFFF  }
0xc5: {  	[dreg:$0x0] =	wrdreg $0xFFFFFFFF;
	(pc) =	sbr.abs _section_cstart, $3  }
0xc6: {  	[dreg:$0x1] =	wrdreg $0xFFFFFFFF  }
0xc7: {  	_ =	task.clear_ibuf [dreg:s7], $0x2FFFF;
	_ =	strace $0x9FFFFFFF  }
0xc8: {  	(tm) =	ssettm $0x7FFFFFFF  }
0xc9: {  	_ =	shalt  }
tec
execute0_lowered:
.L_overlay_start_1:
0x0: {  	(tag) =	ssettag $0x1  }
0x1: {  	s3 =	rddreg [dreg:$0x0]  }
0x2: {  	s9 =	rddreg [dreg:$0x1]  }
0x3: {  	s0 =	rddreg [dreg:$0x2]  }
0x4: {  	s2 =	simm.s32 $0x0;
	s1 =	stileid.u32;
	s4 =	srdreg.scid  }
0x5: {  	s13 =	simm.s32 $0x1;
	s14 =	simm.s32 $0x1000;
	s15 =	simm.s32 $0x2000  }
0x6: {  	s16 =	simm.s32 $0x3000;
	s17 =	simm.s32 $0x4000;
	s18 =	simm.s32 $0x5000  }
0x7: {  	s19 =	simm.s32 $0x6000;
	s20 =	simm.s32 $0x7000;
	s21 =	simm.s32 $0x0  }
0x8: {  	[smem:$0x7FF] =	sst s2;
	s4 =	sand.u32 $0x1, s4;
	s5 =	sshll.u32 s1, $0x1  }
0x9: {  	s6 =	sshll.u32 s1, $0x7;
	_ =	strace $0x80000047;
	s7 =	sor.u32 s4, s5  }
0xa: {  	s29 =	sand.u32 $0x600, s6;
	s4 =	ssub.s32 $0x2, s4;
	s30 =	sshll.u32 s7, $0xC  }
0xb: {  	s8 =	sadd.s32 s29, s3;
	s31 =	sshrl.u32 s4, $0x1;
	s10 =	sshll.u32 s7, $0x9  }
0xc: {  	s11 =	sadd.s32 s30, s3;
	s12 =	ssub.s32 s4, s31;
	s3 =	sadd.s32 $0x1600, s8  }
0xd: {  	s4 =	sadd.s32 $0x1E00, s8;
	s5 =	sadd.s32 $0x2600, s8;
	s6 =	sadd.s32 $0x2E00, s8  }
0xe: {  	v0 =	vlaneseq.u32;
	s7 =	sadd.s32 $0x3600, s8;
	s8 =	sadd.s32 $0x3E00, s8;
	s9 =	sadd.s32 s9, s10  }
0xf: {  	v0 =	vmul.u32 $0x8, v0;
	s10 =	sadd.s32 $0x4600, s11;
	s11 =	sadd.s32 $0x4E00, s11;
	s12 =	smax.u32 s12, $0x1  }
.LBB2_1:
0x10: {  	[tilespmem:s2], [sflag:$0x1] =	stream.linear.gather [hbm4b:s3+s2], $0x1000, $0x38;
	[tilespmem:$0xB000] =	vst v63  }
0x11: {  	_ =	swait.ge [sflag:s13], $0x1000  }
0x12: {  	[sflag:s13] =	ssyncset.done $0x0  }
0x13: {  	[sflag:s13] =	ssyncadd.s32 $0xFFFFF000  }
0x14: {  	[tilespmem:s14], [sflag:$0x1] =	stream.linear.gather [hbm4b:s4+s2], $0x1000, $0x38;
	[tilespmem:$0xB000] =	vst v63  }
0x15: {  	_ =	swait.ge [sflag:s13], $0x1000  }
0x16: {  	[sflag:s13] =	ssyncset.done $0x0  }
0x17: {  	[sflag:s13] =	ssyncadd.s32 $0xFFFFF000  }
0x18: {  	[tilespmem:s15], [sflag:$0x1] =	stream.linear.gather [hbm4b:s5+s2], $0x1000, $0x38;
	[tilespmem:$0xB000] =	vst v63  }
0x19: {  	_ =	swait.ge [sflag:s13], $0x1000  }
0x1a: {  	[sflag:s13] =	ssyncset.done $0x0  }
0x1b: {  	[sflag:s13] =	ssyncadd.s32 $0xFFFFF000  }
0x1c: {  	[tilespmem:s16], [sflag:$0x1] =	stream.linear.gather [hbm4b:s6+s2], $0x1000, $0x38;
	[tilespmem:$0xB000] =	vst v63  }
0x1d: {  	_ =	swait.ge [sflag:s13], $0x1000  }
0x1e: {  	[sflag:s13] =	ssyncset.done $0x0  }
0x1f: {  	[sflag:s13] =	ssyncadd.s32 $0xFFFFF000  }
0x20: {  	[tilespmem:s17], [sflag:$0x1] =	stream.linear.gather [hbm4b:s7+s2], $0x1000, $0x38;
	[tilespmem:$0xB000] =	vst v63  }
0x21: {  	_ =	swait.ge [sflag:s13], $0x1000  }
0x22: {  	[sflag:s13] =	ssyncset.done $0x0  }
0x23: {  	[sflag:s13] =	ssyncadd.s32 $0xFFFFF000  }
0x24: {  	[tilespmem:s18], [sflag:$0x1] =	stream.linear.gather [hbm4b:s8+s2], $0x1000, $0x38;
	[tilespmem:$0xB000] =	vst v63  }
0x25: {  	_ =	swait.ge [sflag:s13], $0x1000  }
0x26: {  	[sflag:s13] =	ssyncset.done $0x0  }
0x27: {  	[sflag:s13] =	ssyncadd.s32 $0xFFFFF000  }
0x28: {  	[tilespmem:s19], [sflag:$0x1] =	stream.linear.gather [hbm4b:s9+s2], $0x1000, $0x38;
	[tilespmem:$0xB000] =	vst v63  }
0x29: {  	_ =	swait.ge [sflag:s13], $0x1000  }
0x2a: {  	[sflag:s13] =	ssyncset.done $0x0  }
0x2b: {  	s22 =	sand.u32 $0x7F0, s2;
	[sflag:s13] =	ssyncadd.s32 $0xFFFFF000  }
0x2c: {  	v1 =	vld [tilespmem:s22+$0x6000];
	_ =	sdelay $0x5  }
0x2d: {  	v2 =	vmov s2  }
0x2e: {  	v2 =	vshll.u32 v2, $0x3  }
0x2f: {  	v2 =	vor.u32 v0, v2;
	v3 =	vld.idx.msk [tilespmem:v1+s2+$0x0], $0xffff  }
0x30: {  	v4 =	vadd.s32 $0x1000, v1;
	_ =	sdelay $0x3  }
0x31: {  	[tilespmem:v2+s20+$0x0] =	vst.idx.msk $0xffff, v3  }
0x32: {  	v58 =	vor.u32 $0x1, v2;
	v3 =	vld.idx.msk [tilespmem:v4+s2+$0x0], $0xffff  }
0x33: {  	v5 =	vadd.s32 $0x2000, v1;
	_ =	sdelay $0x3  }
0x34: {  	[tilespmem:v58+s20+$0x0] =	vst.idx.msk $0xffff, v3  }
0x35: {  	v59 =	vor.u32 $0x2, v2;
	v3 =	vld.idx.msk [tilespmem:v5+s2+$0x0], $0xffff  }
0x36: {  	v60 =	vadd.s32 $0x3000, v1;
	_ =	sdelay $0x3  }
0x37: {  	[tilespmem:v59+s20+$0x0] =	vst.idx.msk $0xffff, v3  }
0x38: {  	v61 =	vor.u32 $0x3, v2;
	v3 =	vld.idx.msk [tilespmem:v60+s2+$0x0], $0xffff  }
0x39: {  	v62 =	vadd.s32 $0x4000, v1;
	_ =	sdelay $0x3  }
0x3a: {  	[tilespmem:v61+s20+$0x0] =	vst.idx.msk $0xffff, v3  }
0x3b: {  	v63 =	vor.u32 $0x4, v2;
	v3 =	vld.idx.msk [tilespmem:v62+s2+$0x0], $0xffff  }
0x3c: {  	v1 =	vadd.s32 $0x5000, v1;
	_ =	sdelay $0x3  }
0x3d: {  	[tilespmem:v63+s20+$0x0] =	vst.idx.msk $0xffff, v3  }
0x3e: {  	s23 =	simm.s32 $0x20;
	s22 =	simm.s32 $0x10;
	v2 =	vor.u32 $0x5, v2;
	v1 =	vld.idx.msk [tilespmem:v1+s2+$0x0], $0xffff  }
.LBB2_2:
0x3f: {  	_ =	sdelay $0x2  }
0x40: {  	p0 =	sne.s32 s23, $0x7F0  }
0x41: {  	s24 =	sand.u32 $0x7F0, s22;
	s25 =	smov.u32 s23;
	s23 =	sadd.s32 $0x10, s23;
	[tilespmem:v2+s20+$0x0] =	vst.idx.msk $0xffff, v1  }
0x42: {  	v1 =	vld [tilespmem:s24+$0x6000];
	_ =	sdelay $0x6  }
0x43: {  	v2 =	vmov s22;
	s22 =	smov.u32 s25  }
0x44: {  	v2 =	vshll.u32 v2, $0x3;
	v3 =	vld.idx.msk [tilespmem:v1+s2+$0x0], $0xffff  }
0x45: {  	v2 =	vor.u32 v0, v2  }
0x46: {  	v4 =	vadd.s32 $0x1000, v1;
	_ =	sdelay $0x3  }
0x47: {  	[tilespmem:v2+s20+$0x0] =	vst.idx.msk $0xffff, v3  }
0x48: {  	v3 =	vld.idx.msk [tilespmem:v4+s2+$0x0], $0xffff  }
0x49: {  	v4 =	vor.u32 $0x1, v2  }
0x4a: {  	v5 =	vadd.s32 $0x2000, v1;
	_ =	sdelay $0x3  }
0x4b: {  	[tilespmem:v4+s20+$0x0] =	vst.idx.msk $0xffff, v3  }
0x4c: {  	v3 =	vld.idx.msk [tilespmem:v5+s2+$0x0], $0xffff  }
0x4d: {  	v4 =	vor.u32 $0x2, v2  }
0x4e: {  	v5 =	vadd.s32 $0x3000, v1;
	_ =	sdelay $0x3  }
0x4f: {  	[tilespmem:v4+s20+$0x0] =	vst.idx.msk $0xffff, v3  }
0x50: {  	v3 =	vld.idx.msk [tilespmem:v5+s2+$0x0], $0xffff  }
0x51: {  	v4 =	vor.u32 $0x3, v2  }
0x52: {  	v5 =	vadd.s32 $0x4000, v1;
	_ =	sdelay $0x3  }
0x53: {  	[tilespmem:v4+s20+$0x0] =	vst.idx.msk $0xffff, v3  }
0x54: {  	v3 =	vld.idx.msk [tilespmem:v5+s2+$0x0], $0xffff  }
0x55: {  	v4 =	vor.u32 $0x4, v2  }
0x56: {  	v1 =	vadd.s32 $0x5000, v1;
	_ =	sdelay $0x1  }
.Ltmp0:
0x57: {  	(pc) =	sbr.rel @p0 .LBB2_2-.Ltmp0, $4  }
0x58: {  	_ = 	snop  }
0x59: {  	[tilespmem:v4+s20+$0x0] =	vst.idx.msk $0xffff, v3  }
0x5a: {  	v1 =	vld.idx.msk [tilespmem:v1+s2+$0x0], $0xffff  }
0x5b: {  	v2 =	vor.u32 $0x5, v2  }
0x5c: {  	_ =	sdelay $0x3  }
0x5d: {  	s23 =	sand.u32 $0x7F0, s22;
	[tilespmem:v2+s20+$0x0] =	vst.idx.msk $0xffff, v1  }
0x5e: {  	v1 =	vld [tilespmem:s23+$0x6000];
	_ =	sdelay $0x5  }
0x5f: {  	v2 =	vmov s22  }
0x60: {  	v2 =	vshll.u32 v2, $0x3  }
0x61: {  	v2 =	vor.u32 v0, v2;
	v3 =	vld.idx.msk [tilespmem:v1+s2+$0x0], $0xffff  }
0x62: {  	v4 =	vadd.s32 $0x1000, v1;
	_ =	sdelay $0x3  }
0x63: {  	[tilespmem:v2+s20+$0x0] =	vst.idx.msk $0xffff, v3  }
0x64: {  	v50 =	vor.u32 $0x1, v2;
	v3 =	vld.idx.msk [tilespmem:v4+s2+$0x0], $0xffff  }
0x65: {  	v5 =	vadd.s32 $0x2000, v1;
	_ =	sdelay $0x3  }
0x66: {  	[tilespmem:v50+s20+$0x0] =	vst.idx.msk $0xffff, v3  }
0x67: {  	v51 =	vor.u32 $0x2, v2;
	v3 =	vld.idx.msk [tilespmem:v5+s2+$0x0], $0xffff  }
0x68: {  	v52 =	vadd.s32 $0x3000, v1;
	_ =	sdelay $0x3  }
0x69: {  	[tilespmem:v51+s20+$0x0] =	vst.idx.msk $0xffff, v3  }
0x6a: {  	v53 =	vor.u32 $0x3, v2;
	v3 =	vld.idx.msk [tilespmem:v52+s2+$0x0], $0xffff  }
0x6b: {  	v54 =	vadd.s32 $0x4000, v1;
	_ =	sdelay $0x3  }
0x6c: {  	[tilespmem:v53+s20+$0x0] =	vst.idx.msk $0xffff, v3  }
0x6d: {  	v55 =	vor.u32 $0x4, v2;
	v3 =	vld.idx.msk [tilespmem:v54+s2+$0x0], $0xffff  }
0x6e: {  	v1 =	vadd.s32 $0x5000, v1;
	_ =	sdelay $0x3  }
0x6f: {  	[tilespmem:v55+s20+$0x0] =	vst.idx.msk $0xffff, v3  }
0x70: {  	v2 =	vor.u32 $0x5, v2;
	v1 =	vld.idx.msk [tilespmem:v1+s2+$0x0], $0xffff;
	_ =	sdelay $0x4  }
0x71: {  	s30 =	simm.s32 $0x0;
	[tilespmem:v2+s20+$0x0] =	vst.idx.msk $0xffff, v1  }
0x72: {  	[hbm4b:s10+s30] =	stream.linear.scatter [tilespmem:s20], [sflag:$0x1], $0x4000, $0x38;
	[tilespmem:$0xB000] =	vst v63  }
0x73: {  	_ =	swait.ge [sflag:s13], $0x4000  }
0x74: {  	[sflag:s13] =	ssyncset.done $0x0  }
0x75: {  	s31 =	sand.u32 $0x7F0, s30;
	[sflag:s13] =	ssyncadd.s32 $0xFFFFC000  }
0x76: {  	v1 =	vld [tilespmem:s31+$0x6800];
	_ =	sdelay $0x5  }
0x77: {  	v2 =	vmov s30  }
0x78: {  	v2 =	vshll.u32 v2, $0x3  }
0x79: {  	v2 =	vor.u32 v0, v2;
	v3 =	vld.idx.msk [tilespmem:v1+s2+$0x0], $0xffff  }
0x7a: {  	v56 =	vadd.s32 $0x1000, v1;
	_ =	sdelay $0x3  }
0x7b: {  	[tilespmem:v2+s20+$0x0] =	vst.idx.msk $0xffff, v3  }
0x7c: {  	v57 =	vor.u32 $0x1, v2;
	v3 =	vld.idx.msk [tilespmem:v56+s2+$0x0], $0xffff  }
0x7d: {  	v58 =	vadd.s32 $0x2000, v1;
	_ =	sdelay $0x3  }
0x7e: {  	[tilespmem:v57+s20+$0x0] =	vst.idx.msk $0xffff, v3  }
0x7f: {  	v59 =	vor.u32 $0x2, v2;
	v3 =	vld.idx.msk [tilespmem:v58+s2+$0x0], $0xffff  }
0x80: {  	v60 =	vadd.s32 $0x3000, v1;
	_ =	sdelay $0x3  }
0x81: {  	[tilespmem:v59+s20+$0x0] =	vst.idx.msk $0xffff, v3  }
0x82: {  	v61 =	vor.u32 $0x3, v2;
	v3 =	vld.idx.msk [tilespmem:v60+s2+$0x0], $0xffff  }
0x83: {  	v62 =	vadd.s32 $0x4000, v1;
	_ =	sdelay $0x3  }
0x84: {  	[tilespmem:v61+s20+$0x0] =	vst.idx.msk $0xffff, v3  }
0x85: {  	v63 =	vor.u32 $0x4, v2;
	v3 =	vld.idx.msk [tilespmem:v62+s2+$0x0], $0xffff  }
0x86: {  	v1 =	vadd.s32 $0x5000, v1;
	_ =	sdelay $0x3  }
0x87: {  	[tilespmem:v63+s20+$0x0] =	vst.idx.msk $0xffff, v3  }
0x88: {  	s22 =	simm.s32 $0x10;
	s23 =	simm.s32 $0x20;
	v2 =	vor.u32 $0x5, v2;
	v1 =	vld.idx.msk [tilespmem:v1+s2+$0x0], $0xffff  }
.LBB2_4:
0x89: {  	_ =	sdelay $0x2  }
0x8a: {  	p0 =	sne.s32 s23, $0x7F0  }
0x8b: {  	s24 =	sand.u32 $0x7F0, s22;
	s25 =	smov.u32 s23;
	s23 =	sadd.s32 $0x10, s23;
	[tilespmem:v2+s20+$0x0] =	vst.idx.msk $0xffff, v1  }
0x8c: {  	v1 =	vld [tilespmem:s24+$0x6800];
	_ =	sdelay $0x6  }
0x8d: {  	v2 =	vmov s22;
	s22 =	smov.u32 s25  }
0x8e: {  	v2 =	vshll.u32 v2, $0x3;
	v3 =	vld.idx.msk [tilespmem:v1+s2+$0x0], $0xffff  }
0x8f: {  	v2 =	vor.u32 v0, v2  }
0x90: {  	v4 =	vadd.s32 $0x1000, v1;
	_ =	sdelay $0x3  }
0x91: {  	[tilespmem:v2+s20+$0x0] =	vst.idx.msk $0xffff, v3  }
0x92: {  	v3 =	vld.idx.msk [tilespmem:v4+s2+$0x0], $0xffff  }
0x93: {  	v4 =	vor.u32 $0x1, v2  }
0x94: {  	v5 =	vadd.s32 $0x2000, v1;
	_ =	sdelay $0x3  }
0x95: {  	[tilespmem:v4+s20+$0x0] =	vst.idx.msk $0xffff, v3  }
0x96: {  	v3 =	vld.idx.msk [tilespmem:v5+s2+$0x0], $0xffff  }
0x97: {  	v4 =	vor.u32 $0x2, v2  }
0x98: {  	v5 =	vadd.s32 $0x3000, v1;
	_ =	sdelay $0x3  }
0x99: {  	[tilespmem:v4+s20+$0x0] =	vst.idx.msk $0xffff, v3  }
0x9a: {  	v3 =	vld.idx.msk [tilespmem:v5+s2+$0x0], $0xffff  }
0x9b: {  	v4 =	vor.u32 $0x3, v2  }
0x9c: {  	v5 =	vadd.s32 $0x4000, v1;
	_ =	sdelay $0x3  }
0x9d: {  	[tilespmem:v4+s20+$0x0] =	vst.idx.msk $0xffff, v3  }
0x9e: {  	v3 =	vld.idx.msk [tilespmem:v5+s2+$0x0], $0xffff  }
0x9f: {  	v4 =	vor.u32 $0x4, v2  }
0xa0: {  	v1 =	vadd.s32 $0x5000, v1;
	_ =	sdelay $0x1  }
.Ltmp1:
0xa1: {  	(pc) =	sbr.rel @p0 .LBB2_4-.Ltmp1, $4  }
0xa2: {  	_ = 	snop  }
0xa3: {  	[tilespmem:v4+s20+$0x0] =	vst.idx.msk $0xffff, v3  }
0xa4: {  	v1 =	vld.idx.msk [tilespmem:v1+s2+$0x0], $0xffff  }
0xa5: {  	v2 =	vor.u32 $0x5, v2  }
0xa6: {  	_ =	sdelay $0x3  }
0xa7: {  	s23 =	sand.u32 $0x7F0, s22;
	[tilespmem:v2+s20+$0x0] =	vst.idx.msk $0xffff, v1  }
0xa8: {  	v1 =	vld [tilespmem:s23+$0x6800];
	_ =	sdelay $0x5  }
0xa9: {  	v2 =	vmov s22  }
0xaa: {  	v2 =	vshll.u32 v2, $0x3  }
0xab: {  	v2 =	vor.u32 v0, v2;
	v3 =	vld.idx.msk [tilespmem:v1+s2+$0x0], $0xffff  }
0xac: {  	v4 =	vadd.s32 $0x1000, v1;
	_ =	sdelay $0x3  }
0xad: {  	[tilespmem:v2+s20+$0x0] =	vst.idx.msk $0xffff, v3  }
0xae: {  	v58 =	vor.u32 $0x1, v2;
	v3 =	vld.idx.msk [tilespmem:v4+s2+$0x0], $0xffff  }
0xaf: {  	v5 =	vadd.s32 $0x2000, v1;
	_ =	sdelay $0x3  }
0xb0: {  	[tilespmem:v58+s20+$0x0] =	vst.idx.msk $0xffff, v3  }
0xb1: {  	v59 =	vor.u32 $0x2, v2;
	v3 =	vld.idx.msk [tilespmem:v5+s2+$0x0], $0xffff  }
0xb2: {  	v60 =	vadd.s32 $0x3000, v1;
	_ =	sdelay $0x3  }
0xb3: {  	[tilespmem:v59+s20+$0x0] =	vst.idx.msk $0xffff, v3  }
0xb4: {  	v61 =	vor.u32 $0x3, v2;
	v3 =	vld.idx.msk [tilespmem:v60+s2+$0x0], $0xffff  }
0xb5: {  	v62 =	vadd.s32 $0x4000, v1;
	_ =	sdelay $0x3  }
0xb6: {  	[tilespmem:v61+s20+$0x0] =	vst.idx.msk $0xffff, v3  }
0xb7: {  	v63 =	vor.u32 $0x4, v2;
	v3 =	vld.idx.msk [tilespmem:v62+s2+$0x0], $0xffff  }
0xb8: {  	v1 =	vadd.s32 $0x5000, v1;
	_ =	sdelay $0x3  }
0xb9: {  	[tilespmem:v63+s20+$0x0] =	vst.idx.msk $0xffff, v3  }
0xba: {  	v2 =	vor.u32 $0x5, v2;
	v1 =	vld.idx.msk [tilespmem:v1+s2+$0x0], $0xffff;
	_ =	sdelay $0x2  }
0xbb: {  	s21 =	sadd.s32 $0x1, s21  }
0xbc: {  	p0 =	sne.s32 s21, s12  }
.Ltmp2:
0xbd: {  	[tilespmem:v2+s20+$0x0] =	vst.idx.msk $0xffff, v1;
	(pc) =	sbr.rel @p0 .LBB2_1-.Ltmp2, $4  }
0xbe: {  	[hbm4b:s11+s2] =	stream.linear.scatter [tilespmem:s20], [sflag:$0x1], $0x4000, $0x38;
	[tilespmem:$0xB000] =	vst v63  }
0xbf: {  	_ =	swait.ge [sflag:s13], $0x4000  }
0xc0: {  	[sflag:s13] =	ssyncset.done $0x0  }
0xc1: {  	[sflag:s13] =	ssyncadd.s32 $0xFFFFC000  }
0xc2: {  	_ =	sfence.sel $0x180000  }
0xc3: {  	[bflag:$0x0] =	sbarrier.arrive $0xFFFF  }
0xc4: {  	p0 =	sne.s32 s1, $0x0;
	_ =	strace $0x90000047  }
0xc5: {  	s0 =	sadd.s32 @!p0 $0x100000, s0;
	[bflag:$0x2] =	sbarrier.arrive $0xFFFF  }
0xc6: {  	[sflag:s0] =	ssyncadd.tile.s32 @!p0 $0x1;
	_ =	shalt  }
.Lfunc_end2:
_tile_overlayer_lowered:
.L_overlay_start_2:
0xc7: {  	(tag) =	ssettag $0x2  }
0xc8: {  	s0 =	rddreg [dreg:$0x0];
	s2 =	stileid.u32  }
0xc9: {  	s1 =	rddreg [dreg:$0x1];
	p0 =	sne.s32 s2, $0x0  }
0xca: {  	s3 =	rddreg [dreg:$0x2];
	[bflag:$0x3] =	sbarrier.arrive $0xFFFF;
	s2 =	simm.s32 @!p0 $0x1C01  }
0xcb: {  	[timem:s3], [sflag:s2] =	dma.local @!p0 [hbm:s0], s1  }
0xcc: {  	s0 =	simm.s32 @!p0 $0x1  }
0xcd: {  	_ =	swait.ge @!p0 [sflag:s0], s1  }
0xce: {  	s1 =	ssub.s32 @!p0 $0x0, s1;
	[sflag:s0] =	ssyncset.done @!p0 $0x0  }
0xcf: {  	[sflag:s0] =	ssyncadd.s32 @!p0 s1  }
0xd0: {  	[bflag:$0x3] =	sbarrier.arrive $0xFFFF  }
0xd1: {  	_ =	shalt  }

</sc_bundles>
